<compile_context>
chip_gen: v7x
topology: tpu7x:2x2x1
jax: 0.10.2.dev20260603
libtpu: 0.0.44.dev20260713+nightly
codegen_flags: <defaults>
</compile_context>

<pallas_src>
import functools

import jax
import jax.numpy as jnp
from jax import lax
from jax.experimental import pallas as pl
from jax.experimental.pallas import tpu as pltpu
from jax.experimental.pallas import tpu_sc as plsc

N = 10000
NP = 10240
E = 320000
DF = 128
DH = 64
DO = 16
NC, NS = 2, 16
NW = NC * NS
EW = 256
ER = 327680 // EW
RPW = ER // NW
CPT = NP // NS

_SC_PARAMS = pltpu.CompilerParams(use_tc_tiling_on_sc=False)


def _mesh():
    return plsc.VectorSubcoreMesh(
        core_axis_name="c", subcore_axis_name="s", num_cores=NC, num_subcores=NS
    )


def _deg_partials(dst2):

    @functools.partial(
        pl.kernel,
        out_type=(
            jax.ShapeDtypeStruct((NP,), jnp.float32),
            jax.ShapeDtypeStruct((NP,), jnp.float32),
        ),
        mesh=_mesh(),
        scratch_types=[
            pltpu.VMEM((RPW, EW), jnp.int32),
            pltpu.VMEM((EW,), jnp.float32),
            pltpu.VMEM((CPT,), jnp.float32),
            pltpu.VMEM_SHARED((NP,), jnp.float32),
            pltpu.SemaphoreType.DMA,
        ],
        compiler_params=_SC_PARAMS,
    )
    def kern(dst_hbm, out0_hbm, out1_hbm, didx_v, ones_v, zer_v, deg_sp, sem):
        c = lax.axis_index("c")
        s = lax.axis_index("s")
        w = s * NC + c

        def fill1(i, _):
            ones_v[pl.ds(i * 16, 16)] = jnp.ones((16,), jnp.float32)
            return 0

        lax.fori_loop(0, EW // 16, fill1, 0)

        def fill0(i, _):
            zer_v[pl.ds(i * 16, 16)] = jnp.zeros((16,), jnp.float32)
            return 0

        lax.fori_loop(0, CPT // 16, fill0, 0)
        pltpu.sync_copy(zer_v, deg_sp.at[pl.ds(s * CPT, CPT)])
        plsc.subcore_barrier()

        pltpu.sync_copy(dst_hbm.at[pl.ds(w * RPW, RPW)], didx_v)

        def body(j, _):
            pltpu.async_copy(ones_v, deg_sp.at[didx_v.at[j]], sem, add=True)
            return 0

        lax.fori_loop(0, RPW, body, 0)

        def drain(j, _):
            pltpu.make_async_copy(ones_v, deg_sp.at[didx_v.at[j]], sem).wait()
            return 0

        lax.fori_loop(0, RPW, drain, 0)
        plsc.subcore_barrier()

        @pl.when(c == 0)
        def _():
            pltpu.sync_copy(deg_sp.at[pl.ds(s * CPT, CPT)], out0_hbm.at[pl.ds(s * CPT, CPT)])

        @pl.when(c == 1)
        def _():
            pltpu.sync_copy(deg_sp.at[pl.ds(s * CPT, CPT)], out1_hbm.at[pl.ds(s * CPT, CPT)])

    return kern(dst2)


def _scatter_partials(g, src2, dst2, d, staged, nb):

    nch = RPW

    scratch = [
        pltpu.VMEM((RPW, EW), jnp.int32),
        pltpu.VMEM((RPW, EW), jnp.int32),
        [pltpu.VMEM((EW, d), jnp.float32)] * nb,
        pltpu.VMEM((64, d), jnp.float32),
        pltpu.VMEM_SHARED((NP, d), jnp.float32),
        (
            pltpu.VMEM_SHARED((NP, d), jnp.float32)
            if staged
            else pltpu.VMEM((8, d), jnp.float32)
        ),
        [pltpu.SemaphoreType.DMA] * nb,
        [pltpu.SemaphoreType.DMA] * nb,
        pltpu.SemaphoreType.DMA,
    ]

    @functools.partial(
        pl.kernel,
        out_type=(
            jax.ShapeDtypeStruct((NP, d), jnp.float32),
            jax.ShapeDtypeStruct((NP, d), jnp.float32),
        ),
        mesh=_mesh(),
        scratch_types=scratch,
        compiler_params=_SC_PARAMS,
    )
    def kern(g_hbm, src_hbm, dst_hbm, out0_hbm, out1_hbm,
             sidx_v, didx_v, rows, zer_v, acc_sp, g_sp,
             semg, sems, semi):
        c = lax.axis_index("c")
        s = lax.axis_index("s")
        w = s * NC + c
        g_src = g_sp if staged else g_hbm

        pltpu.async_copy(src_hbm.at[pl.ds(w * RPW, RPW)], sidx_v, semi)
        pltpu.async_copy(dst_hbm.at[pl.ds(w * RPW, RPW)], didx_v, semi)
        if staged:
            pltpu.sync_copy(g_hbm.at[pl.ds(s * CPT, CPT)], g_sp.at[pl.ds(s * CPT, CPT)])

        @pl.when(c == 0)
        def _():
            pltpu.sync_copy(g_hbm.at[pl.ds(s * CPT, CPT)], acc_sp.at[pl.ds(s * CPT, CPT)])

        @pl.when(c == 1)
        def _():
            def fill0(i, _):
                for jj in range(d // 16):
                    zer_v[i, pl.ds(jj * 16, 16)] = jnp.zeros((16,), jnp.float32)
                return 0

            lax.fori_loop(0, 64, fill0, 0)

            def zcp(i, _):
                pltpu.sync_copy(zer_v, acc_sp.at[pl.ds(s * CPT + i * 64, 64)])
                return 0

            lax.fori_loop(0, CPT // 64, zcp, 0)
        pltpu.make_async_copy(src_hbm.at[pl.ds(w * RPW, RPW)], sidx_v, semi).wait()
        pltpu.make_async_copy(dst_hbm.at[pl.ds(w * RPW, RPW)], didx_v, semi).wait()
        plsc.subcore_barrier()

        def gat(j, b):
            pltpu.async_copy(g_src.at[sidx_v.at[j]], rows[b], semg[b])

        def gat_wait(j, b):
            pltpu.make_async_copy(g_src.at[sidx_v.at[j]], rows[b], semg[b]).wait()

        def sca(j, b):
            pltpu.async_copy(rows[b], acc_sp.at[didx_v.at[j]], sems[b], add=True)

        def sca_wait(j, b):
            pltpu.make_async_copy(rows[b], acc_sp.at[didx_v.at[j]], sems[b]).wait()

        for b0 in range(nb - 1):
            gat(b0, b0)

        def body(i, _):
            for jj in range(nb):
                j = nb * i + jj
                b = jj
                bp = (jj + nb - 1) % nb

                @pl.when(j >= 1)
                def _():
                    sca_wait(j - 1, bp)

                @pl.when(j + nb - 1 < nch)
                def _():
                    gat(j + nb - 1, bp)

                gat_wait(j, b)
                sca(j, b)
            return 0

        lax.fori_loop(0, nch // nb, body, 0)
        sca_wait(nch - 1, (nch - 1) % nb)
        plsc.subcore_barrier()

        @pl.when(c == 0)
        def _():
            pltpu.sync_copy(acc_sp.at[pl.ds(s * CPT, CPT)], out0_hbm.at[pl.ds(s * CPT, CPT)])

        @pl.when(c == 1)
        def _():
            pltpu.sync_copy(acc_sp.at[pl.ds(s * CPT, CPT)], out1_hbm.at[pl.ds(s * CPT, CPT)])

    return kern(g, src2, dst2)


def _tc0_body(x_ref, w_ref, o_ref):
    o_ref[...] = jnp.dot(x_ref[...], w_ref[...], preferred_element_type=jnp.float32)


def _tc1_body(h_ref, db_ref, o_ref):
    o_ref[...] = lax.rsqrt(db_ref[...] + 1.0) * h_ref[...]


def _tc2_body(p0_ref, p1_ref, dbp_ref, db16_ref, w_ref, b_ref, o_ref):
    dinv = lax.rsqrt(dbp_ref[...] + 1.0)
    a = p0_ref[...] + p1_ref[...]
    t = jnp.maximum(dinv * a + b_ref[...], 0.0)
    o_ref[...] = lax.rsqrt(db16_ref[...] + 1.0) * jnp.dot(
        t, w_ref[...], preferred_element_type=jnp.float32
    )


def _tc3_body(q0_ref, q1_ref, db8_ref, b_ref, o_ref):
    dinv = lax.rsqrt(db8_ref[...] + 1.0)
    o = dinv * (q0_ref[...] + q1_ref[...]) + b_ref[...]
    row = lax.broadcasted_iota(jnp.int32, (128, 128), 0) // DO
    col = lax.broadcasted_iota(jnp.int32, (128, 128), 1) // DO
    m = (row == col).astype(jnp.float32)
    s = jnp.dot(jnp.exp(o), m, preferred_element_type=jnp.float32)
    o_ref[...] = o - jnp.log(s)


_BLK0 = 2000
_BLK = 2048
_G = NP // _BLK
_PB2 = _BLK // 2
_PB8 = _BLK // 8


def _col_spec(i):
    return (i, 0)


def _zero_spec(i):
    return (0, 0)


def _tc0(x, W1):
    return pl.pallas_call(
        _tc0_body,
        grid=(N // _BLK0,),
        in_specs=[
            pl.BlockSpec((_BLK0, DF), _col_spec),
            pl.BlockSpec((DF, DH), _zero_spec),
        ],
        out_specs=pl.BlockSpec((_BLK0, DH), _col_spec),
        out_shape=jax.ShapeDtypeStruct((NP, DH), jnp.float32),
    )(x, W1)


def _tc1(h1, degb):
    return pl.pallas_call(
        _tc1_body,
        grid=(N // _BLK0,),
        in_specs=[
            pl.BlockSpec((_BLK0, DH), _col_spec),
            pl.BlockSpec((_BLK0, DH), _col_spec),
        ],
        out_specs=pl.BlockSpec((_BLK0, DH), _col_spec),
        out_shape=jax.ShapeDtypeStruct((NP, DH), jnp.float32),
    )(h1, degb)


def _tc2(p0p, p1p, degbp, degb16p, W2bd, b1p):
    return pl.pallas_call(
        _tc2_body,
        grid=(_G,),
        in_specs=[
            pl.BlockSpec((_PB2, 128), _col_spec),
            pl.BlockSpec((_PB2, 128), _col_spec),
            pl.BlockSpec((_PB2, 128), _col_spec),
            pl.BlockSpec((_PB2, 32), _col_spec),
            pl.BlockSpec((128, 32), _zero_spec),
            pl.BlockSpec((1, 128), _zero_spec),
        ],
        out_specs=pl.BlockSpec((_PB2, 32), _col_spec),
        out_shape=jax.ShapeDtypeStruct((NP // 2, 32), jnp.float32),
    )(p0p, p1p, degbp, degb16p, W2bd, b1p)


_PB8 = _BLK // 8


def _tc3(q0p, q1p, degb8p, b2p8):
    return pl.pallas_call(
        _tc3_body,
        grid=(_G,),
        in_specs=[
            pl.BlockSpec((_PB8, 128), _col_spec),
            pl.BlockSpec((_PB8, 128), _col_spec),
            pl.BlockSpec((_PB8, 128), _col_spec),
            pl.BlockSpec((1, 128), _zero_spec),
        ],
        out_specs=pl.BlockSpec((_PB8, 128), _col_spec),
        out_shape=jax.ShapeDtypeStruct((NP // 8, 128), jnp.float32),
    )(q0p, q1p, degb8p, b2p8)


def kernel(x, edge_index, W1, b1, W2, b2):
    padn = ER * EW - E
    pad = (N + (jnp.arange(padn, dtype=jnp.int32) % (NP - N))).astype(jnp.int32)
    src2 = jnp.concatenate([edge_index[0], pad]).reshape(ER, EW)
    dst2 = jnp.concatenate([edge_index[1], pad]).reshape(ER, EW)

    deg0, deg1 = _deg_partials(dst2)
    deg = deg0 + deg1
    degb = jnp.broadcast_to(deg[:, None], (NP, DH))
    degbp = degb.reshape(NP // 2, 128)
    degb16p = jnp.broadcast_to(
        deg.reshape(NP // 2, 2)[:, :, None], (NP // 2, 2, DO)
    ).reshape(NP // 2, 32)
    degb8p = jnp.broadcast_to(
        deg.reshape(NP // 8, 8)[:, :, None], (NP // 8, 8, DO)
    ).reshape(NP // 8, 128)

    b1p = jnp.concatenate([b1, b1]).reshape(1, 128)
    b2p8 = jnp.tile(b2, 8).reshape(1, 128)
    W2bd = (
        jnp.zeros((128, 32), jnp.float32)
        .at[:DH, :DO].set(W2)
        .at[DH:, DO:].set(W2)
    )

    h1 = _tc0(x, W1)
    g1 = _tc1(h1, degb)
    p0, p1 = _scatter_partials(g1, src2, dst2, DH, staged=False, nb=4)
    g2p = _tc2(
        p0.reshape(NP // 2, 128), p1.reshape(NP // 2, 128),
        degbp, degb16p, W2bd, b1p,
    )
    g2 = g2p.reshape(NP, DO)
    q0, q1 = _scatter_partials(g2, src2, dst2, DO, staged=True, nb=10)
    outp = _tc3(
        q0.reshape(NP // 8, 128), q1.reshape(NP // 8, 128), degb8p, b2p8
    )
    return outp.reshape(NP, DO)[:N]

# --- scband reference (transcript-rebuilt; emitter-appended) ---
"""Pipeline reference for scband-gcn-17119739642383 (READ-ONLY COPY).

The authoritative reference and input builder live on the scoring server;
editing this copy changes nothing except your own understanding.
"""

import jax, jax.numpy as jnp
import numpy as np

N = 10000
E = 320000
D_FEAT = 128
HIDDEN = 64
NUM_LABELS = 16


def setup_inputs(seed: int = 0) -> dict:
    key = jax.random.key(seed)
    k1, k2, k3, k4 = jax.random.split(key, 4)
    x = jax.random.normal(k1, (N, D_FEAT), dtype=jnp.float32)
    edge_index = jax.random.randint(k2, (2, E), 0, N, dtype=jnp.int32)
    # GCNConv weights: layer 1 (D_FEAT -> HIDDEN), layer 2 (HIDDEN -> NUM_LABELS)
    W1 = jax.random.normal(k3, (D_FEAT, HIDDEN), dtype=jnp.float32) * (1.0 / np.sqrt(D_FEAT))
    b1 = jnp.zeros((HIDDEN,), dtype=jnp.float32)
    W2 = jax.random.normal(k4, (HIDDEN, NUM_LABELS), dtype=jnp.float32) * (1.0 / np.sqrt(HIDDEN))
    b2 = jnp.zeros((NUM_LABELS,), dtype=jnp.float32)
    return {"x": x, "edge_index": edge_index, "W1": W1, "b1": b1, "W2": W2, "b2": b2}


def gcn_conv(x, edge_index, W, b):
    # PyG GCNConv: add self-loops, symmetric normalization D^-1/2 (A+I) D^-1/2, then linear
    n = x.shape[0]
    loops = jnp.arange(n, dtype=edge_index.dtype)
    src = jnp.concatenate([edge_index[0], loops])
    dst = jnp.concatenate([edge_index[1], loops])
    deg = jnp.zeros((n,), dtype=x.dtype).at[dst].add(1.0)
    deg_inv_sqrt = jnp.where(deg > 0, jax.lax.rsqrt(jnp.maximum(deg, 1e-12)), 0.0)
    norm = deg_inv_sqrt[src] * deg_inv_sqrt[dst]
    h = x @ W  # linear transform
    msg = h[src] * norm[:, None]  # gather + scale
    out = jnp.zeros((n, W.shape[1]), dtype=x.dtype).at[dst].add(msg)  # scatter-add
    return out + b


def reference(x, edge_index, W1, b1, W2, b2):
    h = gcn_conv(x, edge_index, W1, b1)
    h = jax.nn.relu(h)
    # dropout is identity in eval mode
    h = gcn_conv(h, edge_index, W2, b2)
    return jax.nn.log_softmax(h, axis=1)

if __name__ == "__main__":
    import jax
    _d = setup_inputs()
    print(jax.jit(kernel)(*tuple(_d.values())))

</pallas_src>

<mosaic_0001>
#map = affine_map<(d0, d1) -> (0, 0)>
module attributes {stable_mosaic.version = 14 : i64} {
  func.func @kern(%arg0: i32, %arg1: i32, %arg2: memref<10240x16xf32, #tpu.memory_space<hbm>>, %arg3: memref<1280x256xi32, #tpu.memory_space<hbm>>, %arg4: memref<1280x256xi32, #tpu.memory_space<hbm>>, %arg5: memref<10240x16xf32, #tpu.memory_space<hbm>>, %arg6: memref<10240x16xf32, #tpu.memory_space<hbm>>, %arg7: memref<40x256xi32, #tpu.memory_space<vmem>>, %arg8: memref<40x256xi32, #tpu.memory_space<vmem>>, %arg9: memref<256x16xf32, #tpu.memory_space<vmem>>, %arg10: memref<256x16xf32, #tpu.memory_space<vmem>>, %arg11: memref<256x16xf32, #tpu.memory_space<vmem>>, %arg12: memref<256x16xf32, #tpu.memory_space<vmem>>, %arg13: memref<256x16xf32, #tpu.memory_space<vmem>>, %arg14: memref<256x16xf32, #tpu.memory_space<vmem>>, %arg15: memref<256x16xf32, #tpu.memory_space<vmem>>, %arg16: memref<256x16xf32, #tpu.memory_space<vmem>>, %arg17: memref<256x16xf32, #tpu.memory_space<vmem>>, %arg18: memref<256x16xf32, #tpu.memory_space<vmem>>, %arg19: memref<64x16xf32, #tpu.memory_space<vmem>>, %arg20: memref<10240x16xf32, #tpu.memory_space<vmem_shared>>, %arg21: memref<10240x16xf32, #tpu.memory_space<vmem_shared>>, %arg22: memref<!tpu.dma_semaphore, #tpu.memory_space<semaphore_mem>>, %arg23: memref<!tpu.dma_semaphore, #tpu.memory_space<semaphore_mem>>, %arg24: memref<!tpu.dma_semaphore, #tpu.memory_space<semaphore_mem>>, %arg25: memref<!tpu.dma_semaphore, #tpu.memory_space<semaphore_mem>>, %arg26: memref<!tpu.dma_semaphore, #tpu.memory_space<semaphore_mem>>, %arg27: memref<!tpu.dma_semaphore, #tpu.memory_space<semaphore_mem>>, %arg28: memref<!tpu.dma_semaphore, #tpu.memory_space<semaphore_mem>>, %arg29: memref<!tpu.dma_semaphore, #tpu.memory_space<semaphore_mem>>, %arg30: memref<!tpu.dma_semaphore, #tpu.memory_space<semaphore_mem>>, %arg31: memref<!tpu.dma_semaphore, #tpu.memory_space<semaphore_mem>>, %arg32: memref<!tpu.dma_semaphore, #tpu.memory_space<semaphore_mem>>, %arg33: memref<!tpu.dma_semaphore, #tpu.memory_space<semaphore_mem>>, %arg34: memref<!tpu.dma_semaphore, #tpu.memory_space<semaphore_mem>>, %arg35: memref<!tpu.dma_semaphore, #tpu.memory_space<semaphore_mem>>, %arg36: memref<!tpu.dma_semaphore, #tpu.memory_space<semaphore_mem>>, %arg37: memref<!tpu.dma_semaphore, #tpu.memory_space<semaphore_mem>>, %arg38: memref<!tpu.dma_semaphore, #tpu.memory_space<semaphore_mem>>, %arg39: memref<!tpu.dma_semaphore, #tpu.memory_space<semaphore_mem>>, %arg40: memref<!tpu.dma_semaphore, #tpu.memory_space<semaphore_mem>>, %arg41: memref<!tpu.dma_semaphore, #tpu.memory_space<semaphore_mem>>, %arg42: memref<!tpu.dma_semaphore, #tpu.memory_space<semaphore_mem>>) attributes {dimension_semantics = [#tpu.dimension_semantics<core_parallel>, #tpu.dimension_semantics<subcore_parallel>], iteration_bounds = array<i64: 2, 16>, scalar_prefetch = 0 : i64, scratch_operands = 36 : i64, tpu.core_type = #tpu.core_type<sc_vector_subcore>, window_params = [{transform_indices = #map}, {transform_indices = #map}, {transform_indices = #map}, {transform_indices = #map}, {transform_indices = #map}]} {
    %mul3A = arith.constant 2 : i32
    %mul3A_0 = arith.muli %arg1, %mul3A : i32
    %add3A = arith.addi %mul3A_0, %arg0 : i32
    %mul3A_1 = arith.constant 40 : i32
    %mul3A_2 = arith.muli %add3A, %mul3A_1 : i32
    %dma_start3A = arith.constant 0 : i32
    %dma_start3A_3 = tpu.memref_slice %arg3[%mul3A_2, %dma_start3A] : memref<1280x256xi32, #tpu.memory_space<hbm>> -> memref<40x256xi32, #tpu.memory_space<hbm>>
    %dma_start3A_4 = arith.constant 0 : i32
    %dma_start3A_5 = tpu.memref_slice %arg3[%mul3A_2, %dma_start3A_4] : memref<1280x256xi32, #tpu.memory_space<hbm>> -> memref<40x256xi32, #tpu.memory_space<hbm>>
    tpu.enqueue_dma source(%dma_start3A_5 : memref<40x256xi32, #tpu.memory_space<hbm>>) target(%arg7 : memref<40x256xi32, #tpu.memory_space<vmem>>) target_semaphore(%arg42 : memref<!tpu.dma_semaphore, #tpu.memory_space<semaphore_mem>>)
    %mul3A_6 = arith.constant 40 : i32
    %mul3A_7 = arith.muli %add3A, %mul3A_6 : i32
    %dma_start3A_8 = arith.constant 0 : i32
    %dma_start3A_9 = tpu.memref_slice %arg4[%mul3A_7, %dma_start3A_8] : memref<1280x256xi32, #tpu.memory_space<hbm>> -> memref<40x256xi32, #tpu.memory_space<hbm>>
    %dma_start3A_10 = arith.constant 0 : i32
    %dma_start3A_11 = tpu.memref_slice %arg4[%mul3A_7, %dma_start3A_10] : memref<1280x256xi32, #tpu.memory_space<hbm>> -> memref<40x256xi32, #tpu.memory_space<hbm>>
    tpu.enqueue_dma source(%dma_start3A_11 : memref<40x256xi32, #tpu.memory_space<hbm>>) target(%arg8 : memref<40x256xi32, #tpu.memory_space<vmem>>) target_semaphore(%arg42 : memref<!tpu.dma_semaphore, #tpu.memory_space<semaphore_mem>>)
    %mul3A_12 = arith.constant 640 : i32
    %mul3A_13 = arith.muli %arg1, %mul3A_12 : i32
    %mul3A_14 = arith.constant 640 : i32
    %mul3A_15 = arith.muli %arg1, %mul3A_14 : i32
    "tpu.region"() ({
      %run_scoped3A = tpu.sem_alloc : memref<!tpu.dma_semaphore, #tpu.memory_space<semaphore_mem>>
      %dma_start3A_121 = arith.constant 0 : i32
      %dma_start3A_122 = tpu.memref_slice %arg21[%mul3A_15, %dma_start3A_121] : memref<10240x16xf32, #tpu.memory_space<vmem_shared>> -> memref<640x16xf32, #tpu.memory_space<vmem_shared>>
      %dma_start3A_123 = arith.constant 0 : i32
      %dma_start3A_124 = tpu.memref_slice %arg2[%mul3A_13, %dma_start3A_123] : memref<10240x16xf32, #tpu.memory_space<hbm>> -> memref<640x16xf32, #tpu.memory_space<hbm>>
      tpu.enqueue_dma source(%dma_start3A_124 : memref<640x16xf32, #tpu.memory_space<hbm>>) target(%dma_start3A_122 : memref<640x16xf32, #tpu.memory_space<vmem_shared>>) target_semaphore(%run_scoped3A : memref<!tpu.dma_semaphore, #tpu.memory_space<semaphore_mem>>)
      %dma_wait3A_125 = arith.constant 0 : i32
      %dma_wait3A_126 = tpu.memref_slice %arg21[%mul3A_15, %dma_wait3A_125] : memref<10240x16xf32, #tpu.memory_space<vmem_shared>> -> memref<640x16xf32, #tpu.memory_space<vmem_shared>>
      %dma_wait3A_127 = arith.constant 0 : i32
      %dma_wait3A_128 = tpu.memref_slice %arg2[%mul3A_13, %dma_wait3A_127] : memref<10240x16xf32, #tpu.memory_space<hbm>> -> memref<640x16xf32, #tpu.memory_space<hbm>>
      tpu.wait_dma2 semaphore(%run_scoped3A : memref<!tpu.dma_semaphore, #tpu.memory_space<semaphore_mem>>) src(%dma_wait3A_128 : memref<640x16xf32, #tpu.memory_space<hbm>>) dst(%dma_wait3A_126 : memref<640x16xf32, #tpu.memory_space<vmem_shared>>)
      tpu.yield
    }) : () -> ()
    %eq3A = arith.constant 0 : i32
    %eq3A_16 = arith.cmpi eq, %arg0, %eq3A : i32
    %convert_element_type3A = arith.extui %eq3A_16 : i1 to i32
    %cond3A = arith.constant 0 : i32
    %cond3A_17 = arith.cmpi ne, %convert_element_type3A, %cond3A : i32
    scf.if %cond3A_17 {
      %mul3A_121 = arith.constant 640 : i32
      %mul3A_122 = arith.muli %arg1, %mul3A_121 : i32
      %mul3A_123 = arith.constant 640 : i32
      %mul3A_124 = arith.muli %arg1, %mul3A_123 : i32
      "tpu.region"() ({
        %run_scoped3A = tpu.sem_alloc : memref<!tpu.dma_semaphore, #tpu.memory_space<semaphore_mem>>
        %dma_start3A_125 = arith.constant 0 : i32
        %dma_start3A_126 = tpu.memref_slice %arg20[%mul3A_124, %dma_start3A_125] : memref<10240x16xf32, #tpu.memory_space<vmem_shared>> -> memref<640x16xf32, #tpu.memory_space<vmem_shared>>
        %dma_start3A_127 = arith.constant 0 : i32
        %dma_start3A_128 = tpu.memref_slice %arg2[%mul3A_122, %dma_start3A_127] : memref<10240x16xf32, #tpu.memory_space<hbm>> -> memref<640x16xf32, #tpu.memory_space<hbm>>
        tpu.enqueue_dma source(%dma_start3A_128 : memref<640x16xf32, #tpu.memory_space<hbm>>) target(%dma_start3A_126 : memref<640x16xf32, #tpu.memory_space<vmem_shared>>) target_semaphore(%run_scoped3A : memref<!tpu.dma_semaphore, #tpu.memory_space<semaphore_mem>>)
        %dma_wait3A_129 = arith.constant 0 : i32
        %dma_wait3A_130 = tpu.memref_slice %arg20[%mul3A_124, %dma_wait3A_129] : memref<10240x16xf32, #tpu.memory_space<vmem_shared>> -> memref<640x16xf32, #tpu.memory_space<vmem_shared>>
        %dma_wait3A_131 = arith.constant 0 : i32
        %dma_wait3A_132 = tpu.memref_slice %arg2[%mul3A_122, %dma_wait3A_131] : memref<10240x16xf32, #tpu.memory_space<hbm>> -> memref<640x16xf32, #tpu.memory_space<hbm>>
        tpu.wait_dma2 semaphore(%run_scoped3A : memref<!tpu.dma_semaphore, #tpu.memory_space<semaphore_mem>>) src(%dma_wait3A_132 : memref<640x16xf32, #tpu.memory_space<hbm>>) dst(%dma_wait3A_130 : memref<640x16xf32, #tpu.memory_space<vmem_shared>>)
        tpu.yield
      }) : () -> ()
    } else {
    }
    %eq3A_18 = arith.constant 1 : i32
    %eq3A_19 = arith.cmpi eq, %arg0, %eq3A_18 : i32
    %convert_element_type3A_20 = arith.extui %eq3A_19 : i1 to i32
    %cond3A_21 = arith.constant 0 : i32
    %cond3A_22 = arith.cmpi ne, %convert_element_type3A_20, %cond3A_21 : i32
    scf.if %cond3A_22 {
      %scan3A_121 = arith.constant 0 : i32
      %scan3A_122 = arith.constant 0 : i32
      %scan3A_123 = arith.constant 64 : i32
      %scan3A_124 = arith.addi %scan3A_122, %scan3A_123 : i32
      %scan3A_125 = arith.constant 1 : i32
      %scan3A_126 = scf.for %scan3A_135 = %scan3A_122 to %scan3A_124 step %scan3A_125 iter_args(%scan3A_136 = %scan3A_121) -> (i32)  : i32 {
        %broadcast_in_dim3A = arith.constant 0.000000e+00 : f32
        %broadcast_in_dim3A_137 = vector.broadcast %broadcast_in_dim3A : f32 to vector<16xf32>
        %swap3A = arith.index_cast %scan3A_135 : i32 to index
        %swap3A_138 = arith.constant 0 : index
        %swap3A_139 = tpu.vector_load %arg19[%swap3A, %swap3A_138] {strides = array<i32>} : memref<64x16xf32, #tpu.memory_space<vmem>>, vector<1x16xf32>,
        %swap3A_140 = vector.shape_cast %swap3A_139 : vector<1x16xf32> to vector<16xf32>
        %swap3A_141 = vector.shape_cast %broadcast_in_dim3A_137 : vector<16xf32> to vector<1x16xf32>
        tpu.vector_store %arg19[%swap3A, %swap3A_138], %swap3A_141 {strides = array<i32>} : memref<64x16xf32, #tpu.memory_space<vmem>>, vector<1x16xf32>,
        %scan3A_142 = arith.constant 0 : i32
        scf.yield %scan3A_142 : i32
      }
      %scan3A_127 = arith.constant 64 : i32
      %scan3A_128 = arith.constant 0 : i32
      %scan3A_129 = arith.constant 0 : i32
      %scan3A_130 = arith.constant 10 : i32
      %scan3A_131 = arith.addi %scan3A_129, %scan3A_130 : i32
      %scan3A_132 = arith.constant 1 : i32
      %scan3A_133 = scf.for %scan3A_135 = %scan3A_129 to %scan3A_131 step %scan3A_132 iter_args(%scan3A_136 = %scan3A_128) -> (i32)  : i32 {
        %mul3A_137 = arith.constant 640 : i32
        %mul3A_138 = arith.muli %arg1, %mul3A_137 : i32
        %mul3A_139 = arith.constant 64 : i32
        %mul3A_140 = arith.muli %scan3A_135, %mul3A_139 : i32
        %add3A_141 = arith.addi %mul3A_138, %mul3A_140 : i32
        "tpu.region"() ({
          %run_scoped3A = tpu.sem_alloc : memref<!tpu.dma_semaphore, #tpu.memory_space<semaphore_mem>>
          %dma_start3A_143 = arith.constant 0 : i32
          %dma_start3A_144 = tpu.memref_slice %arg20[%add3A_141, %dma_start3A_143] : memref<10240x16xf32, #tpu.memory_space<vmem_shared>> -> memref<64x16xf32, #tpu.memory_space<vmem_shared>>
          %dma_start3A_145 = arith.constant 0 : i32
          %dma_start3A_146 = tpu.memref_slice %arg20[%add3A_141, %dma_start3A_145] : memref<10240x16xf32, #tpu.memory_space<vmem_shared>> -> memref<64x16xf32, #tpu.memory_space<vmem_shared>>
          tpu.enqueue_dma source(%arg19 : memref<64x16xf32, #tpu.memory_space<vmem>>) target(%dma_start3A_146 : memref<64x16xf32, #tpu.memory_space<vmem_shared>>) target_semaphore(%run_scoped3A : memref<!tpu.dma_semaphore, #tpu.memory_space<semaphore_mem>>)
          %dma_wait3A_147 = arith.constant 0 : i32
          %dma_wait3A_148 = tpu.memref_slice %arg20[%add3A_141, %dma_wait3A_147] : memref<10240x16xf32, #tpu.memory_space<vmem_shared>> -> memref<64x16xf32, #tpu.memory_space<vmem_shared>>
          %dma_wait3A_149 = arith.constant 0 : i32
          %dma_wait3A_150 = tpu.memref_slice %arg20[%add3A_141, %dma_wait3A_149] : memref<10240x16xf32, #tpu.memory_space<vmem_shared>> -> memref<64x16xf32, #tpu.memory_space<vmem_shared>>
          tpu.wait_dma2 semaphore(%run_scoped3A : memref<!tpu.dma_semaphore, #tpu.memory_space<semaphore_mem>>) src(%arg19 : memref<64x16xf32, #tpu.memory_space<vmem>>) dst(%dma_wait3A_150 : memref<64x16xf32, #tpu.memory_space<vmem_shared>>)
          tpu.yield
        }) : () -> ()
        %scan3A_142 = arith.constant 0 : i32
        scf.yield %scan3A_142 : i32
      }
      %scan3A_134 = arith.constant 10 : i32
    } else {
    }
    %mul3A_23 = arith.constant 40 : i32
    %mul3A_24 = arith.muli %add3A, %mul3A_23 : i32
    %dma_wait3A = arith.constant 0 : i32
    %dma_wait3A_25 = tpu.memref_slice %arg3[%mul3A_24, %dma_wait3A] : memref<1280x256xi32, #tpu.memory_space<hbm>> -> memref<40x256xi32, #tpu.memory_space<hbm>>
    %dma_wait3A_26 = arith.constant 0 : i32
    %dma_wait3A_27 = tpu.memref_slice %arg3[%mul3A_24, %dma_wait3A_26] : memref<1280x256xi32, #tpu.memory_space<hbm>> -> memref<40x256xi32, #tpu.memory_space<hbm>>
    tpu.wait_dma2 semaphore(%arg42 : memref<!tpu.dma_semaphore, #tpu.memory_space<semaphore_mem>>) src(%dma_wait3A_27 : memref<40x256xi32, #tpu.memory_space<hbm>>) dst(%arg7 : memref<40x256xi32, #tpu.memory_space<vmem>>)
    %mul3A_28 = arith.constant 40 : i32
    %mul3A_29 = arith.muli %add3A, %mul3A_28 : i32
    %dma_wait3A_30 = arith.constant 0 : i32
    %dma_wait3A_31 = tpu.memref_slice %arg4[%mul3A_29, %dma_wait3A_30] : memref<1280x256xi32, #tpu.memory_space<hbm>> -> memref<40x256xi32, #tpu.memory_space<hbm>>
    %dma_wait3A_32 = arith.constant 0 : i32
    %dma_wait3A_33 = tpu.memref_slice %arg4[%mul3A_29, %dma_wait3A_32] : memref<1280x256xi32, #tpu.memory_space<hbm>> -> memref<40x256xi32, #tpu.memory_space<hbm>>
    tpu.wait_dma2 semaphore(%arg42 : memref<!tpu.dma_semaphore, #tpu.memory_space<semaphore_mem>>) src(%dma_wait3A_33 : memref<40x256xi32, #tpu.memory_space<hbm>>) dst(%arg8 : memref<40x256xi32, #tpu.memory_space<vmem>>)
    %barrier3A = arith.constant 0 : index
    tpu.barrier barrier_id(%barrier3A)
    %dma_start3A_34 = arith.constant 0 : i32
    %dma_start3A_35 = arith.constant 0 : i32
    %dma_start3A_36 = tpu.memref_slice %arg7[%dma_start3A_34, %dma_start3A_35] : memref<40x256xi32, #tpu.memory_space<vmem>> -> memref<1x256xi32, #tpu.memory_space<vmem>>
    %dma_start3A_37 = tpu.memref_squeeze %dma_start3A_36 : memref<1x256xi32, #tpu.memory_space<vmem>> -> memref<256xi32, #tpu.memory_space<vmem>>
    %dma_start3A_38 = arith.constant 0 : i32
    %dma_start3A_39 = arith.constant 0 : i32
    %dma_start3A_40 = tpu.memref_slice %arg21[%dma_start3A_38, %dma_start3A_39] : memref<10240x16xf32, #tpu.memory_space<vmem_shared>> -> memref<10240x16xf32, #tpu.memory_space<vmem_shared>>
    tpu.enqueue_indirect_dma source(%dma_start3A_40 : memref<10240x16xf32, #tpu.memory_space<vmem_shared>>) target(%arg9 : memref<256x16xf32, #tpu.memory_space<vmem>>) offsets(%dma_start3A_37 : memref<256xi32, #tpu.memory_space<vmem>>) semaphore(%arg22 : memref<!tpu.dma_semaphore, #tpu.memory_space<semaphore_mem>>)
    %dma_start3A_41 = arith.constant 1 : i32
    %dma_start3A_42 = arith.constant 0 : i32
    %dma_start3A_43 = tpu.memref_slice %arg7[%dma_start3A_41, %dma_start3A_42] : memref<40x256xi32, #tpu.memory_space<vmem>> -> memref<1x256xi32, #tpu.memory_space<vmem>>
    %dma_start3A_44 = tpu.memref_squeeze %dma_start3A_43 : memref<1x256xi32, #tpu.memory_space<vmem>> -> memref<256xi32, #tpu.memory_space<vmem>>
    %dma_start3A_45 = arith.constant 0 : i32
    %dma_start3A_46 = arith.constant 0 : i32
    %dma_start3A_47 = tpu.memref_slice %arg21[%dma_start3A_45, %dma_start3A_46] : memref<10240x16xf32, #tpu.memory_space<vmem_shared>> -> memref<10240x16xf32, #tpu.memory_space<vmem_shared>>
    tpu.enqueue_indirect_dma source(%dma_start3A_47 : memref<10240x16xf32, #tpu.memory_space<vmem_shared>>) target(%arg10 : memref<256x16xf32, #tpu.memory_space<vmem>>) offsets(%dma_start3A_44 : memref<256xi32, #tpu.memory_space<vmem>>) semaphore(%arg23 : memref<!tpu.dma_semaphore, #tpu.memory_space<semaphore_mem>>)
    %dma_start3A_48 = arith.constant 2 : i32
    %dma_start3A_49 = arith.constant 0 : i32
    %dma_start3A_50 = tpu.memref_slice %arg7[%dma_start3A_48, %dma_start3A_49] : memref<40x256xi32, #tpu.memory_space<vmem>> -> memref<1x256xi32, #tpu.memory_space<vmem>>
    %dma_start3A_51 = tpu.memref_squeeze %dma_start3A_50 : memref<1x256xi32, #tpu.memory_space<vmem>> -> memref<256xi32, #tpu.memory_space<vmem>>
    %dma_start3A_52 = arith.constant 0 : i32
    %dma_start3A_53 = arith.constant 0 : i32
    %dma_start3A_54 = tpu.memref_slice %arg21[%dma_start3A_52, %dma_start3A_53] : memref<10240x16xf32, #tpu.memory_space<vmem_shared>> -> memref<10240x16xf32, #tpu.memory_space<vmem_shared>>
    tpu.enqueue_indirect_dma source(%dma_start3A_54 : memref<10240x16xf32, #tpu.memory_space<vmem_shared>>) target(%arg11 : memref<256x16xf32, #tpu.memory_space<vmem>>) offsets(%dma_start3A_51 : memref<256xi32, #tpu.memory_space<vmem>>) semaphore(%arg24 : memref<!tpu.dma_semaphore, #tpu.memory_space<semaphore_mem>>)
    %dma_start3A_55 = arith.constant 3 : i32
    %dma_start3A_56 = arith.constant 0 : i32
    %dma_start3A_57 = tpu.memref_slice %arg7[%dma_start3A_55, %dma_start3A_56] : memref<40x256xi32, #tpu.memory_space<vmem>> -> memref<1x256xi32, #tpu.memory_space<vmem>>
    %dma_start3A_58 = tpu.memref_squeeze %dma_start3A_57 : memref<1x256xi32, #tpu.memory_space<vmem>> -> memref<256xi32, #tpu.memory_space<vmem>>
    %dma_start3A_59 = arith.constant 0 : i32
    %dma_start3A_60 = arith.constant 0 : i32
    %dma_start3A_61 = tpu.memref_slice %arg21[%dma_start3A_59, %dma_start3A_60] : memref<10240x16xf32, #tpu.memory_space<vmem_shared>> -> memref<10240x16xf32, #tpu.memory_space<vmem_shared>>
    tpu.enqueue_indirect_dma source(%dma_start3A_61 : memref<10240x16xf32, #tpu.memory_space<vmem_shared>>) target(%arg12 : memref<256x16xf32, #tpu.memory_space<vmem>>) offsets(%dma_start3A_58 : memref<256xi32, #tpu.memory_space<vmem>>) semaphore(%arg25 : memref<!tpu.dma_semaphore, #tpu.memory_space<semaphore_mem>>)
    %dma_start3A_62 = arith.constant 4 : i32
    %dma_start3A_63 = arith.constant 0 : i32
    %dma_start3A_64 = tpu.memref_slice %arg7[%dma_start3A_62, %dma_start3A_63] : memref<40x256xi32, #tpu.memory_space<vmem>> -> memref<1x256xi32, #tpu.memory_space<vmem>>
    %dma_start3A_65 = tpu.memref_squeeze %dma_start3A_64 : memref<1x256xi32, #tpu.memory_space<vmem>> -> memref<256xi32, #tpu.memory_space<vmem>>
    %dma_start3A_66 = arith.constant 0 : i32
    %dma_start3A_67 = arith.constant 0 : i32
    %dma_start3A_68 = tpu.memref_slice %arg21[%dma_start3A_66, %dma_start3A_67] : memref<10240x16xf32, #tpu.memory_space<vmem_shared>> -> memref<10240x16xf32, #tpu.memory_space<vmem_shared>>
    tpu.enqueue_indirect_dma source(%dma_start3A_68 : memref<10240x16xf32, #tpu.memory_space<vmem_shared>>) target(%arg13 : memref<256x16xf32, #tpu.memory_space<vmem>>) offsets(%dma_start3A_65 : memref<256xi32, #tpu.memory_space<vmem>>) semaphore(%arg26 : memref<!tpu.dma_semaphore, #tpu.memory_space<semaphore_mem>>)
    %dma_start3A_69 = arith.constant 5 : i32
    %dma_start3A_70 = arith.constant 0 : i32
    %dma_start3A_71 = tpu.memref_slice %arg7[%dma_start3A_69, %dma_start3A_70] : memref<40x256xi32, #tpu.memory_space<vmem>> -> memref<1x256xi32, #tpu.memory_space<vmem>>
    %dma_start3A_72 = tpu.memref_squeeze %dma_start3A_71 : memref<1x256xi32, #tpu.memory_space<vmem>> -> memref<256xi32, #tpu.memory_space<vmem>>
    %dma_start3A_73 = arith.constant 0 : i32
    %dma_start3A_74 = arith.constant 0 : i32
    %dma_start3A_75 = tpu.memref_slice %arg21[%dma_start3A_73, %dma_start3A_74] : memref<10240x16xf32, #tpu.memory_space<vmem_shared>> -> memref<10240x16xf32, #tpu.memory_space<vmem_shared>>
    tpu.enqueue_indirect_dma source(%dma_start3A_75 : memref<10240x16xf32, #tpu.memory_space<vmem_shared>>) target(%arg14 : memref<256x16xf32, #tpu.memory_space<vmem>>) offsets(%dma_start3A_72 : memref<256xi32, #tpu.memory_space<vmem>>) semaphore(%arg27 : memref<!tpu.dma_semaphore, #tpu.memory_space<semaphore_mem>>)
    %dma_start3A_76 = arith.constant 6 : i32
    %dma_start3A_77 = arith.constant 0 : i32
    %dma_start3A_78 = tpu.memref_slice %arg7[%dma_start3A_76, %dma_start3A_77] : memref<40x256xi32, #tpu.memory_space<vmem>> -> memref<1x256xi32, #tpu.memory_space<vmem>>
    %dma_start3A_79 = tpu.memref_squeeze %dma_start3A_78 : memref<1x256xi32, #tpu.memory_space<vmem>> -> memref<256xi32, #tpu.memory_space<vmem>>
    %dma_start3A_80 = arith.constant 0 : i32
    %dma_start3A_81 = arith.constant 0 : i32
    %dma_start3A_82 = tpu.memref_slice %arg21[%dma_start3A_80, %dma_start3A_81] : memref<10240x16xf32, #tpu.memory_space<vmem_shared>> -> memref<10240x16xf32, #tpu.memory_space<vmem_shared>>
    tpu.enqueue_indirect_dma source(%dma_start3A_82 : memref<10240x16xf32, #tpu.memory_space<vmem_shared>>) target(%arg15 : memref<256x16xf32, #tpu.memory_space<vmem>>) offsets(%dma_start3A_79 : memref<256xi32, #tpu.memory_space<vmem>>) semaphore(%arg28 : memref<!tpu.dma_semaphore, #tpu.memory_space<semaphore_mem>>)
    %dma_start3A_83 = arith.constant 7 : i32
    %dma_start3A_84 = arith.constant 0 : i32
    %dma_start3A_85 = tpu.memref_slice %arg7[%dma_start3A_83, %dma_start3A_84] : memref<40x256xi32, #tpu.memory_space<vmem>> -> memref<1x256xi32, #tpu.memory_space<vmem>>
    %dma_start3A_86 = tpu.memref_squeeze %dma_start3A_85 : memref<1x256xi32, #tpu.memory_space<vmem>> -> memref<256xi32, #tpu.memory_space<vmem>>
    %dma_start3A_87 = arith.constant 0 : i32
    %dma_start3A_88 = arith.constant 0 : i32
    %dma_start3A_89 = tpu.memref_slice %arg21[%dma_start3A_87, %dma_start3A_88] : memref<10240x16xf32, #tpu.memory_space<vmem_shared>> -> memref<10240x16xf32, #tpu.memory_space<vmem_shared>>
    tpu.enqueue_indirect_dma source(%dma_start3A_89 : memref<10240x16xf32, #tpu.memory_space<vmem_shared>>) target(%arg16 : memref<256x16xf32, #tpu.memory_space<vmem>>) offsets(%dma_start3A_86 : memref<256xi32, #tpu.memory_space<vmem>>) semaphore(%arg29 : memref<!tpu.dma_semaphore, #tpu.memory_space<semaphore_mem>>)
    %dma_start3A_90 = arith.constant 8 : i32
    %dma_start3A_91 = arith.constant 0 : i32
    %dma_start3A_92 = tpu.memref_slice %arg7[%dma_start3A_90, %dma_start3A_91] : memref<40x256xi32, #tpu.memory_space<vmem>> -> memref<1x256xi32, #tpu.memory_space<vmem>>
    %dma_start3A_93 = tpu.memref_squeeze %dma_start3A_92 : memref<1x256xi32, #tpu.memory_space<vmem>> -> memref<256xi32, #tpu.memory_space<vmem>>
    %dma_start3A_94 = arith.constant 0 : i32
    %dma_start3A_95 = arith.constant 0 : i32
    %dma_start3A_96 = tpu.memref_slice %arg21[%dma_start3A_94, %dma_start3A_95] : memref<10240x16xf32, #tpu.memory_space<vmem_shared>> -> memref<10240x16xf32, #tpu.memory_space<vmem_shared>>
    tpu.enqueue_indirect_dma source(%dma_start3A_96 : memref<10240x16xf32, #tpu.memory_space<vmem_shared>>) target(%arg17 : memref<256x16xf32, #tpu.memory_space<vmem>>) offsets(%dma_start3A_93 : memref<256xi32, #tpu.memory_space<vmem>>) semaphore(%arg30 : memref<!tpu.dma_semaphore, #tpu.memory_space<semaphore_mem>>)
    %scan3A = arith.constant 0 : i32
    %scan3A_97 = arith.constant 0 : i32
    %scan3A_98 = arith.constant 4 : i32
    %scan3A_99 = arith.addi %scan3A_97, %scan3A_98 : i32
    %scan3A_100 = arith.constant 1 : i32
    %scan3A_101 = scf.for %scan3A_121 = %scan3A_97 to %scan3A_99 step %scan3A_100 iter_args(%scan3A_122 = %scan3A) -> (i32)  : i32 {
      %mul3A_123 = arith.constant 10 : i32
      %mul3A_124 = arith.muli %mul3A_123, %scan3A_121 : i32
      %add3A_125 = arith.constant 0 : i32
      %add3A_126 = arith.addi %mul3A_124, %add3A_125 : i32
      %ge3A = arith.constant 1 : i32
      %ge3A_127 = arith.cmpi sge, %add3A_126, %ge3A : i32
      %convert_element_type3A_128 = arith.extui %ge3A_127 : i1 to i32
      %cond3A_129 = arith.constant 0 : i32
      %cond3A_130 = arith.cmpi ne, %convert_element_type3A_128, %cond3A_129 : i32
      scf.if %cond3A_130 {
        %sub3A_421 = arith.constant 1 : i32
        %sub3A_422 = arith.subi %add3A_126, %sub3A_421 : i32
        %dma_wait3A_423 = arith.constant 0 : i32
        %dma_wait3A_424 = tpu.memref_slice %arg8[%sub3A_422, %dma_wait3A_423] : memref<40x256xi32, #tpu.memory_space<vmem>> -> memref<1x256xi32, #tpu.memory_space<vmem>>
        %dma_wait3A_425 = tpu.memref_squeeze %dma_wait3A_424 : memref<1x256xi32, #tpu.memory_space<vmem>> -> memref<256xi32, #tpu.memory_space<vmem>>
        %dma_wait3A_426 = arith.constant 0 : i32
        %dma_wait3A_427 = arith.constant 0 : i32
        %dma_wait3A_428 = tpu.memref_slice %arg20[%dma_wait3A_426, %dma_wait3A_427] : memref<10240x16xf32, #tpu.memory_space<vmem_shared>> -> memref<10240x16xf32, #tpu.memory_space<vmem_shared>>
        tpu.wait_indirect_dma semaphore(%arg41 : memref<!tpu.dma_semaphore, #tpu.memory_space<semaphore_mem>>) src(%arg18 : memref<256x16xf32, #tpu.memory_space<vmem>>) dst(%dma_wait3A_428 : memref<10240x16xf32, #tpu.memory_space<vmem_shared>>)
      } else {
      }
      %add3A_131 = arith.constant 10 : i32
      %add3A_132 = arith.addi %add3A_126, %add3A_131 : i32
      %sub3A = arith.constant 1 : i32
      %sub3A_133 = arith.subi %add3A_132, %sub3A : i32
      %lt3A = arith.constant 40 : i32
      %lt3A_134 = arith.cmpi slt, %sub3A_133, %lt3A : i32
      %convert_element_type3A_135 = arith.extui %lt3A_134 : i1 to i32
      %cond3A_136 = arith.constant 0 : i32
      %cond3A_137 = arith.cmpi ne, %convert_element_type3A_135, %cond3A_136 : i32
      scf.if %cond3A_137 {
        %add3A_421 = arith.constant 10 : i32
        %add3A_422 = arith.addi %add3A_126, %add3A_421 : i32
        %sub3A_423 = arith.constant 1 : i32
        %sub3A_424 = arith.subi %add3A_422, %sub3A_423 : i32
        %dma_start3A_425 = arith.constant 0 : i32
        %dma_start3A_426 = tpu.memref_slice %arg7[%sub3A_424, %dma_start3A_425] : memref<40x256xi32, #tpu.memory_space<vmem>> -> memref<1x256xi32, #tpu.memory_space<vmem>>
        %dma_start3A_427 = tpu.memref_squeeze %dma_start3A_426 : memref<1x256xi32, #tpu.memory_space<vmem>> -> memref<256xi32, #tpu.memory_space<vmem>>
        %dma_start3A_428 = arith.constant 0 : i32
        %dma_start3A_429 = arith.constant 0 : i32
        %dma_start3A_430 = tpu.memref_slice %arg21[%dma_start3A_428, %dma_start3A_429] : memref<10240x16xf32, #tpu.memory_space<vmem_shared>> -> memref<10240x16xf32, #tpu.memory_space<vmem_shared>>
        tpu.enqueue_indirect_dma source(%dma_start3A_430 : memref<10240x16xf32, #tpu.memory_space<vmem_shared>>) target(%arg18 : memref<256x16xf32, #tpu.memory_space<vmem>>) offsets(%dma_start3A_427 : memref<256xi32, #tpu.memory_space<vmem>>) semaphore(%arg31 : memref<!tpu.dma_semaphore, #tpu.memory_space<semaphore_mem>>)
      } else {
      }
      %dma_wait3A_138 = arith.constant 0 : i32
      %dma_wait3A_139 = tpu.memref_slice %arg7[%add3A_126, %dma_wait3A_138] : memref<40x256xi32, #tpu.memory_space<vmem>> -> memref<1x256xi32, #tpu.memory_space<vmem>>
      %dma_wait3A_140 = tpu.memref_squeeze %dma_wait3A_139 : memref<1x256xi32, #tpu.memory_space<vmem>> -> memref<256xi32, #tpu.memory_space<vmem>>
      %dma_wait3A_141 = arith.constant 0 : i32
      %dma_wait3A_142 = arith.constant 0 : i32
      %dma_wait3A_143 = tpu.memref_slice %arg21[%dma_wait3A_141, %dma_wait3A_142] : memref<10240x16xf32, #tpu.memory_space<vmem_shared>> -> memref<10240x16xf32, #tpu.memory_space<vmem_shared>>
      tpu.wait_indirect_dma semaphore(%arg22 : memref<!tpu.dma_semaphore, #tpu.memory_space<semaphore_mem>>) src(%dma_wait3A_143 : memref<10240x16xf32, #tpu.memory_space<vmem_shared>>) dst(%arg9 : memref<256x16xf32, #tpu.memory_space<vmem>>)
      %dma_start3A_144 = arith.constant 0 : i32
      %dma_start3A_145 = tpu.memref_slice %arg8[%add3A_126, %dma_start3A_144] : memref<40x256xi32, #tpu.memory_space<vmem>> -> memref<1x256xi32, #tpu.memory_space<vmem>>
      %dma_start3A_146 = tpu.memref_squeeze %dma_start3A_145 : memref<1x256xi32, #tpu.memory_space<vmem>> -> memref<256xi32, #tpu.memory_space<vmem>>
      %dma_start3A_147 = arith.constant 0 : i32
      %dma_start3A_148 = arith.constant 0 : i32
      %dma_start3A_149 = tpu.memref_slice %arg20[%dma_start3A_147, %dma_start3A_148] : memref<10240x16xf32, #tpu.memory_space<vmem_shared>> -> memref<10240x16xf32, #tpu.memory_space<vmem_shared>>
      tpu.enqueue_indirect_dma source(%arg9 : memref<256x16xf32, #tpu.memory_space<vmem>>) target(%dma_start3A_149 : memref<10240x16xf32, #tpu.memory_space<vmem_shared>>) offsets(%dma_start3A_146 : memref<256xi32, #tpu.memory_space<vmem>>) semaphore(%arg32 : memref<!tpu.dma_semaphore, #tpu.memory_space<semaphore_mem>>) {add = true}
      %mul3A_150 = arith.constant 10 : i32
      %mul3A_151 = arith.muli %mul3A_150, %scan3A_121 : i32
      %add3A_152 = arith.constant 1 : i32
      %add3A_153 = arith.addi %mul3A_151, %add3A_152 : i32
      %ge3A_154 = arith.constant 1 : i32
      %ge3A_155 = arith.cmpi sge, %add3A_153, %ge3A_154 : i32
      %convert_element_type3A_156 = arith.extui %ge3A_155 : i1 to i32
      %cond3A_157 = arith.constant 0 : i32
      %cond3A_158 = arith.cmpi ne, %convert_element_type3A_156, %cond3A_157 : i32
      scf.if %cond3A_158 {
        %sub3A_421 = arith.constant 1 : i32
        %sub3A_422 = arith.subi %add3A_153, %sub3A_421 : i32
        %dma_wait3A_423 = arith.constant 0 : i32
        %dma_wait3A_424 = tpu.memref_slice %arg8[%sub3A_422, %dma_wait3A_423] : memref<40x256xi32, #tpu.memory_space<vmem>> -> memref<1x256xi32, #tpu.memory_space<vmem>>
        %dma_wait3A_425 = tpu.memref_squeeze %dma_wait3A_424 : memref<1x256xi32, #tpu.memory_space<vmem>> -> memref<256xi32, #tpu.memory_space<vmem>>
        %dma_wait3A_426 = arith.constant 0 : i32
        %dma_wait3A_427 = arith.constant 0 : i32
        %dma_wait3A_428 = tpu.memref_slice %arg20[%dma_wait3A_426, %dma_wait3A_427] : memref<10240x16xf32, #tpu.memory_space<vmem_shared>> -> memref<10240x16xf32, #tpu.memory_space<vmem_shared>>
        tpu.wait_indirect_dma semaphore(%arg32 : memref<!tpu.dma_semaphore, #tpu.memory_space<semaphore_mem>>) src(%arg9 : memref<256x16xf32, #tpu.memory_space<vmem>>) dst(%dma_wait3A_428 : memref<10240x16xf32, #tpu.memory_space<vmem_shared>>)
      } else {
      }
      %add3A_159 = arith.constant 10 : i32
      %add3A_160 = arith.addi %add3A_153, %add3A_159 : i32
      %sub3A_161 = arith.constant 1 : i32
      %sub3A_162 = arith.subi %add3A_160, %sub3A_161 : i32
      %lt3A_163 = arith.constant 40 : i32
      %lt3A_164 = arith.cmpi slt, %sub3A_162, %lt3A_163 : i32
      %convert_element_type3A_165 = arith.extui %lt3A_164 : i1 to i32
      %cond3A_166 = arith.constant 0 : i32
      %cond3A_167 = arith.cmpi ne, %convert_element_type3A_165, %cond3A_166 : i32
      scf.if %cond3A_167 {
        %add3A_421 = arith.constant 10 : i32
        %add3A_422 = arith.addi %add3A_153, %add3A_421 : i32
        %sub3A_423 = arith.constant 1 : i32
        %sub3A_424 = arith.subi %add3A_422, %sub3A_423 : i32
        %dma_start3A_425 = arith.constant 0 : i32
        %dma_start3A_426 = tpu.memref_slice %arg7[%sub3A_424, %dma_start3A_425] : memref<40x256xi32, #tpu.memory_space<vmem>> -> memref<1x256xi32, #tpu.memory_space<vmem>>
        %dma_start3A_427 = tpu.memref_squeeze %dma_start3A_426 : memref<1x256xi32, #tpu.memory_space<vmem>> -> memref<256xi32, #tpu.memory_space<vmem>>
        %dma_start3A_428 = arith.constant 0 : i32
        %dma_start3A_429 = arith.constant 0 : i32
        %dma_start3A_430 = tpu.memref_slice %arg21[%dma_start3A_428, %dma_start3A_429] : memref<10240x16xf32, #tpu.memory_space<vmem_shared>> -> memref<10240x16xf32, #tpu.memory_space<vmem_shared>>
        tpu.enqueue_indirect_dma source(%dma_start3A_430 : memref<10240x16xf32, #tpu.memory_space<vmem_shared>>) target(%arg9 : memref<256x16xf32, #tpu.memory_space<vmem>>) offsets(%dma_start3A_427 : memref<256xi32, #tpu.memory_space<vmem>>) semaphore(%arg22 : memref<!tpu.dma_semaphore, #tpu.memory_space<semaphore_mem>>)
      } else {
      }
      %dma_wait3A_168 = arith.constant 0 : i32
      %dma_wait3A_169 = tpu.memref_slice %arg7[%add3A_153, %dma_wait3A_168] : memref<40x256xi32, #tpu.memory_space<vmem>> -> memref<1x256xi32, #tpu.memory_space<vmem>>
      %dma_wait3A_170 = tpu.memref_squeeze %dma_wait3A_169 : memref<1x256xi32, #tpu.memory_space<vmem>> -> memref<256xi32, #tpu.memory_space<vmem>>
      %dma_wait3A_171 = arith.constant 0 : i32
      %dma_wait3A_172 = arith.constant 0 : i32
      %dma_wait3A_173 = tpu.memref_slice %arg21[%dma_wait3A_171, %dma_wait3A_172] : memref<10240x16xf32, #tpu.memory_space<vmem_shared>> -> memref<10240x16xf32, #tpu.memory_space<vmem_shared>>
      tpu.wait_indirect_dma semaphore(%arg23 : memref<!tpu.dma_semaphore, #tpu.memory_space<semaphore_mem>>) src(%dma_wait3A_173 : memref<10240x16xf32, #tpu.memory_space<vmem_shared>>) dst(%arg10 : memref<256x16xf32, #tpu.memory_space<vmem>>)
      %dma_start3A_174 = arith.constant 0 : i32
      %dma_start3A_175 = tpu.memref_slice %arg8[%add3A_153, %dma_start3A_174] : memref<40x256xi32, #tpu.memory_space<vmem>> -> memref<1x256xi32, #tpu.memory_space<vmem>>
      %dma_start3A_176 = tpu.memref_squeeze %dma_start3A_175 : memref<1x256xi32, #tpu.memory_space<vmem>> -> memref<256xi32, #tpu.memory_space<vmem>>
      %dma_start3A_177 = arith.constant 0 : i32
      %dma_start3A_178 = arith.constant 0 : i32
      %dma_start3A_179 = tpu.memref_slice %arg20[%dma_start3A_177, %dma_start3A_178] : memref<10240x16xf32, #tpu.memory_space<vmem_shared>> -> memref<10240x16xf32, #tpu.memory_space<vmem_shared>>
      tpu.enqueue_indirect_dma source(%arg10 : memref<256x16xf32, #tpu.memory_space<vmem>>) target(%dma_start3A_179 : memref<10240x16xf32, #tpu.memory_space<vmem_shared>>) offsets(%dma_start3A_176 : memref<256xi32, #tpu.memory_space<vmem>>) semaphore(%arg33 : memref<!tpu.dma_semaphore, #tpu.memory_space<semaphore_mem>>) {add = true}
      %mul3A_180 = arith.constant 10 : i32
      %mul3A_181 = arith.muli %mul3A_180, %scan3A_121 : i32
      %add3A_182 = arith.constant 2 : i32
      %add3A_183 = arith.addi %mul3A_181, %add3A_182 : i32
      %ge3A_184 = arith.constant 1 : i32
      %ge3A_185 = arith.cmpi sge, %add3A_183, %ge3A_184 : i32
      %convert_element_type3A_186 = arith.extui %ge3A_185 : i1 to i32
      %cond3A_187 = arith.constant 0 : i32
      %cond3A_188 = arith.cmpi ne, %convert_element_type3A_186, %cond3A_187 : i32
      scf.if %cond3A_188 {
        %sub3A_421 = arith.constant 1 : i32
        %sub3A_422 = arith.subi %add3A_183, %sub3A_421 : i32
        %dma_wait3A_423 = arith.constant 0 : i32
        %dma_wait3A_424 = tpu.memref_slice %arg8[%sub3A_422, %dma_wait3A_423] : memref<40x256xi32, #tpu.memory_space<vmem>> -> memref<1x256xi32, #tpu.memory_space<vmem>>
        %dma_wait3A_425 = tpu.memref_squeeze %dma_wait3A_424 : memref<1x256xi32, #tpu.memory_space<vmem>> -> memref<256xi32, #tpu.memory_space<vmem>>
        %dma_wait3A_426 = arith.constant 0 : i32
        %dma_wait3A_427 = arith.constant 0 : i32
        %dma_wait3A_428 = tpu.memref_slice %arg20[%dma_wait3A_426, %dma_wait3A_427] : memref<10240x16xf32, #tpu.memory_space<vmem_shared>> -> memref<10240x16xf32, #tpu.memory_space<vmem_shared>>
        tpu.wait_indirect_dma semaphore(%arg33 : memref<!tpu.dma_semaphore, #tpu.memory_space<semaphore_mem>>) src(%arg10 : memref<256x16xf32, #tpu.memory_space<vmem>>) dst(%dma_wait3A_428 : memref<10240x16xf32, #tpu.memory_space<vmem_shared>>)
      } else {
      }
      %add3A_189 = arith.constant 10 : i32
      %add3A_190 = arith.addi %add3A_183, %add3A_189 : i32
      %sub3A_191 = arith.constant 1 : i32
      %sub3A_192 = arith.subi %add3A_190, %sub3A_191 : i32
      %lt3A_193 = arith.constant 40 : i32
      %lt3A_194 = arith.cmpi slt, %sub3A_192, %lt3A_193 : i32
      %convert_element_type3A_195 = arith.extui %lt3A_194 : i1 to i32
      %cond3A_196 = arith.constant 0 : i32
      %cond3A_197 = arith.cmpi ne, %convert_element_type3A_195, %cond3A_196 : i32
      scf.if %cond3A_197 {
        %add3A_421 = arith.constant 10 : i32
        %add3A_422 = arith.addi %add3A_183, %add3A_421 : i32
        %sub3A_423 = arith.constant 1 : i32
        %sub3A_424 = arith.subi %add3A_422, %sub3A_423 : i32
        %dma_start3A_425 = arith.constant 0 : i32
        %dma_start3A_426 = tpu.memref_slice %arg7[%sub3A_424, %dma_start3A_425] : memref<40x256xi32, #tpu.memory_space<vmem>> -> memref<1x256xi32, #tpu.memory_space<vmem>>
        %dma_start3A_427 = tpu.memref_squeeze %dma_start3A_426 : memref<1x256xi32, #tpu.memory_space<vmem>> -> memref<256xi32, #tpu.memory_space<vmem>>
        %dma_start3A_428 = arith.constant 0 : i32
        %dma_start3A_429 = arith.constant 0 : i32
        %dma_start3A_430 = tpu.memref_slice %arg21[%dma_start3A_428, %dma_start3A_429] : memref<10240x16xf32, #tpu.memory_space<vmem_shared>> -> memref<10240x16xf32, #tpu.memory_space<vmem_shared>>
        tpu.enqueue_indirect_dma source(%dma_start3A_430 : memref<10240x16xf32, #tpu.memory_space<vmem_shared>>) target(%arg10 : memref<256x16xf32, #tpu.memory_space<vmem>>) offsets(%dma_start3A_427 : memref<256xi32, #tpu.memory_space<vmem>>) semaphore(%arg23 : memref<!tpu.dma_semaphore, #tpu.memory_space<semaphore_mem>>)
      } else {
      }
      %dma_wait3A_198 = arith.constant 0 : i32
      %dma_wait3A_199 = tpu.memref_slice %arg7[%add3A_183, %dma_wait3A_198] : memref<40x256xi32, #tpu.memory_space<vmem>> -> memref<1x256xi32, #tpu.memory_space<vmem>>
      %dma_wait3A_200 = tpu.memref_squeeze %dma_wait3A_199 : memref<1x256xi32, #tpu.memory_space<vmem>> -> memref<256xi32, #tpu.memory_space<vmem>>
      %dma_wait3A_201 = arith.constant 0 : i32
      %dma_wait3A_202 = arith.constant 0 : i32
      %dma_wait3A_203 = tpu.memref_slice %arg21[%dma_wait3A_201, %dma_wait3A_202] : memref<10240x16xf32, #tpu.memory_space<vmem_shared>> -> memref<10240x16xf32, #tpu.memory_space<vmem_shared>>
      tpu.wait_indirect_dma semaphore(%arg24 : memref<!tpu.dma_semaphore, #tpu.memory_space<semaphore_mem>>) src(%dma_wait3A_203 : memref<10240x16xf32, #tpu.memory_space<vmem_shared>>) dst(%arg11 : memref<256x16xf32, #tpu.memory_space<vmem>>)
      %dma_start3A_204 = arith.constant 0 : i32
      %dma_start3A_205 = tpu.memref_slice %arg8[%add3A_183, %dma_start3A_204] : memref<40x256xi32, #tpu.memory_space<vmem>> -> memref<1x256xi32, #tpu.memory_space<vmem>>
      %dma_start3A_206 = tpu.memref_squeeze %dma_start3A_205 : memref<1x256xi32, #tpu.memory_space<vmem>> -> memref<256xi32, #tpu.memory_space<vmem>>
      %dma_start3A_207 = arith.constant 0 : i32
      %dma_start3A_208 = arith.constant 0 : i32
      %dma_start3A_209 = tpu.memref_slice %arg20[%dma_start3A_207, %dma_start3A_208] : memref<10240x16xf32, #tpu.memory_space<vmem_shared>> -> memref<10240x16xf32, #tpu.memory_space<vmem_shared>>
      tpu.enqueue_indirect_dma source(%arg11 : memref<256x16xf32, #tpu.memory_space<vmem>>) target(%dma_start3A_209 : memref<10240x16xf32, #tpu.memory_space<vmem_shared>>) offsets(%dma_start3A_206 : memref<256xi32, #tpu.memory_space<vmem>>) semaphore(%arg34 : memref<!tpu.dma_semaphore, #tpu.memory_space<semaphore_mem>>) {add = true}
      %mul3A_210 = arith.constant 10 : i32
      %mul3A_211 = arith.muli %mul3A_210, %scan3A_121 : i32
      %add3A_212 = arith.constant 3 : i32
      %add3A_213 = arith.addi %mul3A_211, %add3A_212 : i32
      %ge3A_214 = arith.constant 1 : i32
      %ge3A_215 = arith.cmpi sge, %add3A_213, %ge3A_214 : i32
      %convert_element_type3A_216 = arith.extui %ge3A_215 : i1 to i32
      %cond3A_217 = arith.constant 0 : i32
      %cond3A_218 = arith.cmpi ne, %convert_element_type3A_216, %cond3A_217 : i32
      scf.if %cond3A_218 {
        %sub3A_421 = arith.constant 1 : i32
        %sub3A_422 = arith.subi %add3A_213, %sub3A_421 : i32
        %dma_wait3A_423 = arith.constant 0 : i32
        %dma_wait3A_424 = tpu.memref_slice %arg8[%sub3A_422, %dma_wait3A_423] : memref<40x256xi32, #tpu.memory_space<vmem>> -> memref<1x256xi32, #tpu.memory_space<vmem>>
        %dma_wait3A_425 = tpu.memref_squeeze %dma_wait3A_424 : memref<1x256xi32, #tpu.memory_space<vmem>> -> memref<256xi32, #tpu.memory_space<vmem>>
        %dma_wait3A_426 = arith.constant 0 : i32
        %dma_wait3A_427 = arith.constant 0 : i32
        %dma_wait3A_428 = tpu.memref_slice %arg20[%dma_wait3A_426, %dma_wait3A_427] : memref<10240x16xf32, #tpu.memory_space<vmem_shared>> -> memref<10240x16xf32, #tpu.memory_space<vmem_shared>>
        tpu.wait_indirect_dma semaphore(%arg34 : memref<!tpu.dma_semaphore, #tpu.memory_space<semaphore_mem>>) src(%arg11 : memref<256x16xf32, #tpu.memory_space<vmem>>) dst(%dma_wait3A_428 : memref<10240x16xf32, #tpu.memory_space<vmem_shared>>)
      } else {
      }
      %add3A_219 = arith.constant 10 : i32
      %add3A_220 = arith.addi %add3A_213, %add3A_219 : i32
      %sub3A_221 = arith.constant 1 : i32
      %sub3A_222 = arith.subi %add3A_220, %sub3A_221 : i32
      %lt3A_223 = arith.constant 40 : i32
      %lt3A_224 = arith.cmpi slt, %sub3A_222, %lt3A_223 : i32
      %convert_element_type3A_225 = arith.extui %lt3A_224 : i1 to i32
      %cond3A_226 = arith.constant 0 : i32
      %cond3A_227 = arith.cmpi ne, %convert_element_type3A_225, %cond3A_226 : i32
      scf.if %cond3A_227 {
        %add3A_421 = arith.constant 10 : i32
        %add3A_422 = arith.addi %add3A_213, %add3A_421 : i32
        %sub3A_423 = arith.constant 1 : i32
        %sub3A_424 = arith.subi %add3A_422, %sub3A_423 : i32
        %dma_start3A_425 = arith.constant 0 : i32
        %dma_start3A_426 = tpu.memref_slice %arg7[%sub3A_424, %dma_start3A_425] : memref<40x256xi32, #tpu.memory_space<vmem>> -> memref<1x256xi32, #tpu.memory_space<vmem>>
        %dma_start3A_427 = tpu.memref_squeeze %dma_start3A_426 : memref<1x256xi32, #tpu.memory_space<vmem>> -> memref<256xi32, #tpu.memory_space<vmem>>
        %dma_start3A_428 = arith.constant 0 : i32
        %dma_start3A_429 = arith.constant 0 : i32
        %dma_start3A_430 = tpu.memref_slice %arg21[%dma_start3A_428, %dma_start3A_429] : memref<10240x16xf32, #tpu.memory_space<vmem_shared>> -> memref<10240x16xf32, #tpu.memory_space<vmem_shared>>
        tpu.enqueue_indirect_dma source(%dma_start3A_430 : memref<10240x16xf32, #tpu.memory_space<vmem_shared>>) target(%arg11 : memref<256x16xf32, #tpu.memory_space<vmem>>) offsets(%dma_start3A_427 : memref<256xi32, #tpu.memory_space<vmem>>) semaphore(%arg24 : memref<!tpu.dma_semaphore, #tpu.memory_space<semaphore_mem>>)
      } else {
      }
      %dma_wait3A_228 = arith.constant 0 : i32
      %dma_wait3A_229 = tpu.memref_slice %arg7[%add3A_213, %dma_wait3A_228] : memref<40x256xi32, #tpu.memory_space<vmem>> -> memref<1x256xi32, #tpu.memory_space<vmem>>
      %dma_wait3A_230 = tpu.memref_squeeze %dma_wait3A_229 : memref<1x256xi32, #tpu.memory_space<vmem>> -> memref<256xi32, #tpu.memory_space<vmem>>
      %dma_wait3A_231 = arith.constant 0 : i32
      %dma_wait3A_232 = arith.constant 0 : i32
      %dma_wait3A_233 = tpu.memref_slice %arg21[%dma_wait3A_231, %dma_wait3A_232] : memref<10240x16xf32, #tpu.memory_space<vmem_shared>> -> memref<10240x16xf32, #tpu.memory_space<vmem_shared>>
      tpu.wait_indirect_dma semaphore(%arg25 : memref<!tpu.dma_semaphore, #tpu.memory_space<semaphore_mem>>) src(%dma_wait3A_233 : memref<10240x16xf32, #tpu.memory_space<vmem_shared>>) dst(%arg12 : memref<256x16xf32, #tpu.memory_space<vmem>>)
      %dma_start3A_234 = arith.constant 0 : i32
      %dma_start3A_235 = tpu.memref_slice %arg8[%add3A_213, %dma_start3A_234] : memref<40x256xi32, #tpu.memory_space<vmem>> -> memref<1x256xi32, #tpu.memory_space<vmem>>
      %dma_start3A_236 = tpu.memref_squeeze %dma_start3A_235 : memref<1x256xi32, #tpu.memory_space<vmem>> -> memref<256xi32, #tpu.memory_space<vmem>>
      %dma_start3A_237 = arith.constant 0 : i32
      %dma_start3A_238 = arith.constant 0 : i32
      %dma_start3A_239 = tpu.memref_slice %arg20[%dma_start3A_237, %dma_start3A_238] : memref<10240x16xf32, #tpu.memory_space<vmem_shared>> -> memref<10240x16xf32, #tpu.memory_space<vmem_shared>>
      tpu.enqueue_indirect_dma source(%arg12 : memref<256x16xf32, #tpu.memory_space<vmem>>) target(%dma_start3A_239 : memref<10240x16xf32, #tpu.memory_space<vmem_shared>>) offsets(%dma_start3A_236 : memref<256xi32, #tpu.memory_space<vmem>>) semaphore(%arg35 : memref<!tpu.dma_semaphore, #tpu.memory_space<semaphore_mem>>) {add = true}
      %mul3A_240 = arith.constant 10 : i32
      %mul3A_241 = arith.muli %mul3A_240, %scan3A_121 : i32
      %add3A_242 = arith.constant 4 : i32
      %add3A_243 = arith.addi %mul3A_241, %add3A_242 : i32
      %ge3A_244 = arith.constant 1 : i32
      %ge3A_245 = arith.cmpi sge, %add3A_243, %ge3A_244 : i32
      %convert_element_type3A_246 = arith.extui %ge3A_245 : i1 to i32
      %cond3A_247 = arith.constant 0 : i32
      %cond3A_248 = arith.cmpi ne, %convert_element_type3A_246, %cond3A_247 : i32
      scf.if %cond3A_248 {
        %sub3A_421 = arith.constant 1 : i32
        %sub3A_422 = arith.subi %add3A_243, %sub3A_421 : i32
        %dma_wait3A_423 = arith.constant 0 : i32
        %dma_wait3A_424 = tpu.memref_slice %arg8[%sub3A_422, %dma_wait3A_423] : memref<40x256xi32, #tpu.memory_space<vmem>> -> memref<1x256xi32, #tpu.memory_space<vmem>>
        %dma_wait3A_425 = tpu.memref_squeeze %dma_wait3A_424 : memref<1x256xi32, #tpu.memory_space<vmem>> -> memref<256xi32, #tpu.memory_space<vmem>>
        %dma_wait3A_426 = arith.constant 0 : i32
        %dma_wait3A_427 = arith.constant 0 : i32
        %dma_wait3A_428 = tpu.memref_slice %arg20[%dma_wait3A_426, %dma_wait3A_427] : memref<10240x16xf32, #tpu.memory_space<vmem_shared>> -> memref<10240x16xf32, #tpu.memory_space<vmem_shared>>
        tpu.wait_indirect_dma semaphore(%arg35 : memref<!tpu.dma_semaphore, #tpu.memory_space<semaphore_mem>>) src(%arg12 : memref<256x16xf32, #tpu.memory_space<vmem>>) dst(%dma_wait3A_428 : memref<10240x16xf32, #tpu.memory_space<vmem_shared>>)
      } else {
      }
      %add3A_249 = arith.constant 10 : i32
      %add3A_250 = arith.addi %add3A_243, %add3A_249 : i32
      %sub3A_251 = arith.constant 1 : i32
      %sub3A_252 = arith.subi %add3A_250, %sub3A_251 : i32
      %lt3A_253 = arith.constant 40 : i32
      %lt3A_254 = arith.cmpi slt, %sub3A_252, %lt3A_253 : i32
      %convert_element_type3A_255 = arith.extui %lt3A_254 : i1 to i32
      %cond3A_256 = arith.constant 0 : i32
      %cond3A_257 = arith.cmpi ne, %convert_element_type3A_255, %cond3A_256 : i32
      scf.if %cond3A_257 {
        %add3A_421 = arith.constant 10 : i32
        %add3A_422 = arith.addi %add3A_243, %add3A_421 : i32
        %sub3A_423 = arith.constant 1 : i32
        %sub3A_424 = arith.subi %add3A_422, %sub3A_423 : i32
        %dma_start3A_425 = arith.constant 0 : i32
        %dma_start3A_426 = tpu.memref_slice %arg7[%sub3A_424, %dma_start3A_425] : memref<40x256xi32, #tpu.memory_space<vmem>> -> memref<1x256xi32, #tpu.memory_space<vmem>>
        %dma_start3A_427 = tpu.memref_squeeze %dma_start3A_426 : memref<1x256xi32, #tpu.memory_space<vmem>> -> memref<256xi32, #tpu.memory_space<vmem>>
        %dma_start3A_428 = arith.constant 0 : i32
        %dma_start3A_429 = arith.constant 0 : i32
        %dma_start3A_430 = tpu.memref_slice %arg21[%dma_start3A_428, %dma_start3A_429] : memref<10240x16xf32, #tpu.memory_space<vmem_shared>> -> memref<10240x16xf32, #tpu.memory_space<vmem_shared>>
        tpu.enqueue_indirect_dma source(%dma_start3A_430 : memref<10240x16xf32, #tpu.memory_space<vmem_shared>>) target(%arg12 : memref<256x16xf32, #tpu.memory_space<vmem>>) offsets(%dma_start3A_427 : memref<256xi32, #tpu.memory_space<vmem>>) semaphore(%arg25 : memref<!tpu.dma_semaphore, #tpu.memory_space<semaphore_mem>>)
      } else {
      }
      %dma_wait3A_258 = arith.constant 0 : i32
      %dma_wait3A_259 = tpu.memref_slice %arg7[%add3A_243, %dma_wait3A_258] : memref<40x256xi32, #tpu.memory_space<vmem>> -> memref<1x256xi32, #tpu.memory_space<vmem>>
      %dma_wait3A_260 = tpu.memref_squeeze %dma_wait3A_259 : memref<1x256xi32, #tpu.memory_space<vmem>> -> memref<256xi32, #tpu.memory_space<vmem>>
      %dma_wait3A_261 = arith.constant 0 : i32
      %dma_wait3A_262 = arith.constant 0 : i32
      %dma_wait3A_263 = tpu.memref_slice %arg21[%dma_wait3A_261, %dma_wait3A_262] : memref<10240x16xf32, #tpu.memory_space<vmem_shared>> -> memref<10240x16xf32, #tpu.memory_space<vmem_shared>>
      tpu.wait_indirect_dma semaphore(%arg26 : memref<!tpu.dma_semaphore, #tpu.memory_space<semaphore_mem>>) src(%dma_wait3A_263 : memref<10240x16xf32, #tpu.memory_space<vmem_shared>>) dst(%arg13 : memref<256x16xf32, #tpu.memory_space<vmem>>)
      %dma_start3A_264 = arith.constant 0 : i32
      %dma_start3A_265 = tpu.memref_slice %arg8[%add3A_243, %dma_start3A_264] : memref<40x256xi32, #tpu.memory_space<vmem>> -> memref<1x256xi32, #tpu.memory_space<vmem>>
      %dma_start3A_266 = tpu.memref_squeeze %dma_start3A_265 : memref<1x256xi32, #tpu.memory_space<vmem>> -> memref<256xi32, #tpu.memory_space<vmem>>
      %dma_start3A_267 = arith.constant 0 : i32
      %dma_start3A_268 = arith.constant 0 : i32
      %dma_start3A_269 = tpu.memref_slice %arg20[%dma_start3A_267, %dma_start3A_268] : memref<10240x16xf32, #tpu.memory_space<vmem_shared>> -> memref<10240x16xf32, #tpu.memory_space<vmem_shared>>
      tpu.enqueue_indirect_dma source(%arg13 : memref<256x16xf32, #tpu.memory_space<vmem>>) target(%dma_start3A_269 : memref<10240x16xf32, #tpu.memory_space<vmem_shared>>) offsets(%dma_start3A_266 : memref<256xi32, #tpu.memory_space<vmem>>) semaphore(%arg36 : memref<!tpu.dma_semaphore, #tpu.memory_space<semaphore_mem>>) {add = true}
      %mul3A_270 = arith.constant 10 : i32
      %mul3A_271 = arith.muli %mul3A_270, %scan3A_121 : i32
      %add3A_272 = arith.constant 5 : i32
      %add3A_273 = arith.addi %mul3A_271, %add3A_272 : i32
      %ge3A_274 = arith.constant 1 : i32
      %ge3A_275 = arith.cmpi sge, %add3A_273, %ge3A_274 : i32
      %convert_element_type3A_276 = arith.extui %ge3A_275 : i1 to i32
      %cond3A_277 = arith.constant 0 : i32
      %cond3A_278 = arith.cmpi ne, %convert_element_type3A_276, %cond3A_277 : i32
      scf.if %cond3A_278 {
        %sub3A_421 = arith.constant 1 : i32
        %sub3A_422 = arith.subi %add3A_273, %sub3A_421 : i32
        %dma_wait3A_423 = arith.constant 0 : i32
        %dma_wait3A_424 = tpu.memref_slice %arg8[%sub3A_422, %dma_wait3A_423] : memref<40x256xi32, #tpu.memory_space<vmem>> -> memref<1x256xi32, #tpu.memory_space<vmem>>
        %dma_wait3A_425 = tpu.memref_squeeze %dma_wait3A_424 : memref<1x256xi32, #tpu.memory_space<vmem>> -> memref<256xi32, #tpu.memory_space<vmem>>
        %dma_wait3A_426 = arith.constant 0 : i32
        %dma_wait3A_427 = arith.constant 0 : i32
        %dma_wait3A_428 = tpu.memref_slice %arg20[%dma_wait3A_426, %dma_wait3A_427] : memref<10240x16xf32, #tpu.memory_space<vmem_shared>> -> memref<10240x16xf32, #tpu.memory_space<vmem_shared>>
        tpu.wait_indirect_dma semaphore(%arg36 : memref<!tpu.dma_semaphore, #tpu.memory_space<semaphore_mem>>) src(%arg13 : memref<256x16xf32, #tpu.memory_space<vmem>>) dst(%dma_wait3A_428 : memref<10240x16xf32, #tpu.memory_space<vmem_shared>>)
      } else {
      }
      %add3A_279 = arith.constant 10 : i32
      %add3A_280 = arith.addi %add3A_273, %add3A_279 : i32
      %sub3A_281 = arith.constant 1 : i32
      %sub3A_282 = arith.subi %add3A_280, %sub3A_281 : i32
      %lt3A_283 = arith.constant 40 : i32
      %lt3A_284 = arith.cmpi slt, %sub3A_282, %lt3A_283 : i32
      %convert_element_type3A_285 = arith.extui %lt3A_284 : i1 to i32
      %cond3A_286 = arith.constant 0 : i32
      %cond3A_287 = arith.cmpi ne, %convert_element_type3A_285, %cond3A_286 : i32
      scf.if %cond3A_287 {
        %add3A_421 = arith.constant 10 : i32
        %add3A_422 = arith.addi %add3A_273, %add3A_421 : i32
        %sub3A_423 = arith.constant 1 : i32
        %sub3A_424 = arith.subi %add3A_422, %sub3A_423 : i32
        %dma_start3A_425 = arith.constant 0 : i32
        %dma_start3A_426 = tpu.memref_slice %arg7[%sub3A_424, %dma_start3A_425] : memref<40x256xi32, #tpu.memory_space<vmem>> -> memref<1x256xi32, #tpu.memory_space<vmem>>
        %dma_start3A_427 = tpu.memref_squeeze %dma_start3A_426 : memref<1x256xi32, #tpu.memory_space<vmem>> -> memref<256xi32, #tpu.memory_space<vmem>>
        %dma_start3A_428 = arith.constant 0 : i32
        %dma_start3A_429 = arith.constant 0 : i32
        %dma_start3A_430 = tpu.memref_slice %arg21[%dma_start3A_428, %dma_start3A_429] : memref<10240x16xf32, #tpu.memory_space<vmem_shared>> -> memref<10240x16xf32, #tpu.memory_space<vmem_shared>>
        tpu.enqueue_indirect_dma source(%dma_start3A_430 : memref<10240x16xf32, #tpu.memory_space<vmem_shared>>) target(%arg13 : memref<256x16xf32, #tpu.memory_space<vmem>>) offsets(%dma_start3A_427 : memref<256xi32, #tpu.memory_space<vmem>>) semaphore(%arg26 : memref<!tpu.dma_semaphore, #tpu.memory_space<semaphore_mem>>)
      } else {
      }
      %dma_wait3A_288 = arith.constant 0 : i32
      %dma_wait3A_289 = tpu.memref_slice %arg7[%add3A_273, %dma_wait3A_288] : memref<40x256xi32, #tpu.memory_space<vmem>> -> memref<1x256xi32, #tpu.memory_space<vmem>>
      %dma_wait3A_290 = tpu.memref_squeeze %dma_wait3A_289 : memref<1x256xi32, #tpu.memory_space<vmem>> -> memref<256xi32, #tpu.memory_space<vmem>>
      %dma_wait3A_291 = arith.constant 0 : i32
      %dma_wait3A_292 = arith.constant 0 : i32
      %dma_wait3A_293 = tpu.memref_slice %arg21[%dma_wait3A_291, %dma_wait3A_292] : memref<10240x16xf32, #tpu.memory_space<vmem_shared>> -> memref<10240x16xf32, #tpu.memory_space<vmem_shared>>
      tpu.wait_indirect_dma semaphore(%arg27 : memref<!tpu.dma_semaphore, #tpu.memory_space<semaphore_mem>>) src(%dma_wait3A_293 : memref<10240x16xf32, #tpu.memory_space<vmem_shared>>) dst(%arg14 : memref<256x16xf32, #tpu.memory_space<vmem>>)
      %dma_start3A_294 = arith.constant 0 : i32
      %dma_start3A_295 = tpu.memref_slice %arg8[%add3A_273, %dma_start3A_294] : memref<40x256xi32, #tpu.memory_space<vmem>> -> memref<1x256xi32, #tpu.memory_space<vmem>>
      %dma_start3A_296 = tpu.memref_squeeze %dma_start3A_295 : memref<1x256xi32, #tpu.memory_space<vmem>> -> memref<256xi32, #tpu.memory_space<vmem>>
      %dma_start3A_297 = arith.constant 0 : i32
      %dma_start3A_298 = arith.constant 0 : i32
      %dma_start3A_299 = tpu.memref_slice %arg20[%dma_start3A_297, %dma_start3A_298] : memref<10240x16xf32, #tpu.memory_space<vmem_shared>> -> memref<10240x16xf32, #tpu.memory_space<vmem_shared>>
      tpu.enqueue_indirect_dma source(%arg14 : memref<256x16xf32, #tpu.memory_space<vmem>>) target(%dma_start3A_299 : memref<10240x16xf32, #tpu.memory_space<vmem_shared>>) offsets(%dma_start3A_296 : memref<256xi32, #tpu.memory_space<vmem>>) semaphore(%arg37 : memref<!tpu.dma_semaphore, #tpu.memory_space<semaphore_mem>>) {add = true}
      %mul3A_300 = arith.constant 10 : i32
      %mul3A_301 = arith.muli %mul3A_300, %scan3A_121 : i32
      %add3A_302 = arith.constant 6 : i32
      %add3A_303 = arith.addi %mul3A_301, %add3A_302 : i32
      %ge3A_304 = arith.constant 1 : i32
      %ge3A_305 = arith.cmpi sge, %add3A_303, %ge3A_304 : i32
      %convert_element_type3A_306 = arith.extui %ge3A_305 : i1 to i32
      %cond3A_307 = arith.constant 0 : i32
      %cond3A_308 = arith.cmpi ne, %convert_element_type3A_306, %cond3A_307 : i32
      scf.if %cond3A_308 {
        %sub3A_421 = arith.constant 1 : i32
        %sub3A_422 = arith.subi %add3A_303, %sub3A_421 : i32
        %dma_wait3A_423 = arith.constant 0 : i32
        %dma_wait3A_424 = tpu.memref_slice %arg8[%sub3A_422, %dma_wait3A_423] : memref<40x256xi32, #tpu.memory_space<vmem>> -> memref<1x256xi32, #tpu.memory_space<vmem>>
        %dma_wait3A_425 = tpu.memref_squeeze %dma_wait3A_424 : memref<1x256xi32, #tpu.memory_space<vmem>> -> memref<256xi32, #tpu.memory_space<vmem>>
        %dma_wait3A_426 = arith.constant 0 : i32
        %dma_wait3A_427 = arith.constant 0 : i32
        %dma_wait3A_428 = tpu.memref_slice %arg20[%dma_wait3A_426, %dma_wait3A_427] : memref<10240x16xf32, #tpu.memory_space<vmem_shared>> -> memref<10240x16xf32, #tpu.memory_space<vmem_shared>>
        tpu.wait_indirect_dma semaphore(%arg37 : memref<!tpu.dma_semaphore, #tpu.memory_space<semaphore_mem>>) src(%arg14 : memref<256x16xf32, #tpu.memory_space<vmem>>) dst(%dma_wait3A_428 : memref<10240x16xf32, #tpu.memory_space<vmem_shared>>)
      } else {
      }
      %add3A_309 = arith.constant 10 : i32
      %add3A_310 = arith.addi %add3A_303, %add3A_309 : i32
      %sub3A_311 = arith.constant 1 : i32
      %sub3A_312 = arith.subi %add3A_310, %sub3A_311 : i32
      %lt3A_313 = arith.constant 40 : i32
      %lt3A_314 = arith.cmpi slt, %sub3A_312, %lt3A_313 : i32
      %convert_element_type3A_315 = arith.extui %lt3A_314 : i1 to i32
      %cond3A_316 = arith.constant 0 : i32
      %cond3A_317 = arith.cmpi ne, %convert_element_type3A_315, %cond3A_316 : i32
      scf.if %cond3A_317 {
        %add3A_421 = arith.constant 10 : i32
        %add3A_422 = arith.addi %add3A_303, %add3A_421 : i32
        %sub3A_423 = arith.constant 1 : i32
        %sub3A_424 = arith.subi %add3A_422, %sub3A_423 : i32
        %dma_start3A_425 = arith.constant 0 : i32
        %dma_start3A_426 = tpu.memref_slice %arg7[%sub3A_424, %dma_start3A_425] : memref<40x256xi32, #tpu.memory_space<vmem>> -> memref<1x256xi32, #tpu.memory_space<vmem>>
        %dma_start3A_427 = tpu.memref_squeeze %dma_start3A_426 : memref<1x256xi32, #tpu.memory_space<vmem>> -> memref<256xi32, #tpu.memory_space<vmem>>
        %dma_start3A_428 = arith.constant 0 : i32
        %dma_start3A_429 = arith.constant 0 : i32
        %dma_start3A_430 = tpu.memref_slice %arg21[%dma_start3A_428, %dma_start3A_429] : memref<10240x16xf32, #tpu.memory_space<vmem_shared>> -> memref<10240x16xf32, #tpu.memory_space<vmem_shared>>
        tpu.enqueue_indirect_dma source(%dma_start3A_430 : memref<10240x16xf32, #tpu.memory_space<vmem_shared>>) target(%arg14 : memref<256x16xf32, #tpu.memory_space<vmem>>) offsets(%dma_start3A_427 : memref<256xi32, #tpu.memory_space<vmem>>) semaphore(%arg27 : memref<!tpu.dma_semaphore, #tpu.memory_space<semaphore_mem>>)
      } else {
      }
      %dma_wait3A_318 = arith.constant 0 : i32
      %dma_wait3A_319 = tpu.memref_slice %arg7[%add3A_303, %dma_wait3A_318] : memref<40x256xi32, #tpu.memory_space<vmem>> -> memref<1x256xi32, #tpu.memory_space<vmem>>
      %dma_wait3A_320 = tpu.memref_squeeze %dma_wait3A_319 : memref<1x256xi32, #tpu.memory_space<vmem>> -> memref<256xi32, #tpu.memory_space<vmem>>
      %dma_wait3A_321 = arith.constant 0 : i32
      %dma_wait3A_322 = arith.constant 0 : i32
      %dma_wait3A_323 = tpu.memref_slice %arg21[%dma_wait3A_321, %dma_wait3A_322] : memref<10240x16xf32, #tpu.memory_space<vmem_shared>> -> memref<10240x16xf32, #tpu.memory_space<vmem_shared>>
      tpu.wait_indirect_dma semaphore(%arg28 : memref<!tpu.dma_semaphore, #tpu.memory_space<semaphore_mem>>) src(%dma_wait3A_323 : memref<10240x16xf32, #tpu.memory_space<vmem_shared>>) dst(%arg15 : memref<256x16xf32, #tpu.memory_space<vmem>>)
      %dma_start3A_324 = arith.constant 0 : i32
      %dma_start3A_325 = tpu.memref_slice %arg8[%add3A_303, %dma_start3A_324] : memref<40x256xi32, #tpu.memory_space<vmem>> -> memref<1x256xi32, #tpu.memory_space<vmem>>
      %dma_start3A_326 = tpu.memref_squeeze %dma_start3A_325 : memref<1x256xi32, #tpu.memory_space<vmem>> -> memref<256xi32, #tpu.memory_space<vmem>>
      %dma_start3A_327 = arith.constant 0 : i32
      %dma_start3A_328 = arith.constant 0 : i32
      %dma_start3A_329 = tpu.memref_slice %arg20[%dma_start3A_327, %dma_start3A_328] : memref<10240x16xf32, #tpu.memory_space<vmem_shared>> -> memref<10240x16xf32, #tpu.memory_space<vmem_shared>>
      tpu.enqueue_indirect_dma source(%arg15 : memref<256x16xf32, #tpu.memory_space<vmem>>) target(%dma_start3A_329 : memref<10240x16xf32, #tpu.memory_space<vmem_shared>>) offsets(%dma_start3A_326 : memref<256xi32, #tpu.memory_space<vmem>>) semaphore(%arg38 : memref<!tpu.dma_semaphore, #tpu.memory_space<semaphore_mem>>) {add = true}
      %mul3A_330 = arith.constant 10 : i32
      %mul3A_331 = arith.muli %mul3A_330, %scan3A_121 : i32
      %add3A_332 = arith.constant 7 : i32
      %add3A_333 = arith.addi %mul3A_331, %add3A_332 : i32
      %ge3A_334 = arith.constant 1 : i32
      %ge3A_335 = arith.cmpi sge, %add3A_333, %ge3A_334 : i32
      %convert_element_type3A_336 = arith.extui %ge3A_335 : i1 to i32
      %cond3A_337 = arith.constant 0 : i32
      %cond3A_338 = arith.cmpi ne, %convert_element_type3A_336, %cond3A_337 : i32
      scf.if %cond3A_338 {
        %sub3A_421 = arith.constant 1 : i32
        %sub3A_422 = arith.subi %add3A_333, %sub3A_421 : i32
        %dma_wait3A_423 = arith.constant 0 : i32
        %dma_wait3A_424 = tpu.memref_slice %arg8[%sub3A_422, %dma_wait3A_423] : memref<40x256xi32, #tpu.memory_space<vmem>> -> memref<1x256xi32, #tpu.memory_space<vmem>>
        %dma_wait3A_425 = tpu.memref_squeeze %dma_wait3A_424 : memref<1x256xi32, #tpu.memory_space<vmem>> -> memref<256xi32, #tpu.memory_space<vmem>>
        %dma_wait3A_426 = arith.constant 0 : i32
        %dma_wait3A_427 = arith.constant 0 : i32
        %dma_wait3A_428 = tpu.memref_slice %arg20[%dma_wait3A_426, %dma_wait3A_427] : memref<10240x16xf32, #tpu.memory_space<vmem_shared>> -> memref<10240x16xf32, #tpu.memory_space<vmem_shared>>
        tpu.wait_indirect_dma semaphore(%arg38 : memref<!tpu.dma_semaphore, #tpu.memory_space<semaphore_mem>>) src(%arg15 : memref<256x16xf32, #tpu.memory_space<vmem>>) dst(%dma_wait3A_428 : memref<10240x16xf32, #tpu.memory_space<vmem_shared>>)
      } else {
      }
      %add3A_339 = arith.constant 10 : i32
      %add3A_340 = arith.addi %add3A_333, %add3A_339 : i32
      %sub3A_341 = arith.constant 1 : i32
      %sub3A_342 = arith.subi %add3A_340, %sub3A_341 : i32
      %lt3A_343 = arith.constant 40 : i32
      %lt3A_344 = arith.cmpi slt, %sub3A_342, %lt3A_343 : i32
      %convert_element_type3A_345 = arith.extui %lt3A_344 : i1 to i32
      %cond3A_346 = arith.constant 0 : i32
      %cond3A_347 = arith.cmpi ne, %convert_element_type3A_345, %cond3A_346 : i32
      scf.if %cond3A_347 {
        %add3A_421 = arith.constant 10 : i32
        %add3A_422 = arith.addi %add3A_333, %add3A_421 : i32
        %sub3A_423 = arith.constant 1 : i32
        %sub3A_424 = arith.subi %add3A_422, %sub3A_423 : i32
        %dma_start3A_425 = arith.constant 0 : i32
        %dma_start3A_426 = tpu.memref_slice %arg7[%sub3A_424, %dma_start3A_425] : memref<40x256xi32, #tpu.memory_space<vmem>> -> memref<1x256xi32, #tpu.memory_space<vmem>>
        %dma_start3A_427 = tpu.memref_squeeze %dma_start3A_426 : memref<1x256xi32, #tpu.memory_space<vmem>> -> memref<256xi32, #tpu.memory_space<vmem>>
        %dma_start3A_428 = arith.constant 0 : i32
        %dma_start3A_429 = arith.constant 0 : i32
        %dma_start3A_430 = tpu.memref_slice %arg21[%dma_start3A_428, %dma_start3A_429] : memref<10240x16xf32, #tpu.memory_space<vmem_shared>> -> memref<10240x16xf32, #tpu.memory_space<vmem_shared>>
        tpu.enqueue_indirect_dma source(%dma_start3A_430 : memref<10240x16xf32, #tpu.memory_space<vmem_shared>>) target(%arg15 : memref<256x16xf32, #tpu.memory_space<vmem>>) offsets(%dma_start3A_427 : memref<256xi32, #tpu.memory_space<vmem>>) semaphore(%arg28 : memref<!tpu.dma_semaphore, #tpu.memory_space<semaphore_mem>>)
      } else {
      }
      %dma_wait3A_348 = arith.constant 0 : i32
      %dma_wait3A_349 = tpu.memref_slice %arg7[%add3A_333, %dma_wait3A_348] : memref<40x256xi32, #tpu.memory_space<vmem>> -> memref<1x256xi32, #tpu.memory_space<vmem>>
      %dma_wait3A_350 = tpu.memref_squeeze %dma_wait3A_349 : memref<1x256xi32, #tpu.memory_space<vmem>> -> memref<256xi32, #tpu.memory_space<vmem>>
      %dma_wait3A_351 = arith.constant 0 : i32
      %dma_wait3A_352 = arith.constant 0 : i32
      %dma_wait3A_353 = tpu.memref_slice %arg21[%dma_wait3A_351, %dma_wait3A_352] : memref<10240x16xf32, #tpu.memory_space<vmem_shared>> -> memref<10240x16xf32, #tpu.memory_space<vmem_shared>>
      tpu.wait_indirect_dma semaphore(%arg29 : memref<!tpu.dma_semaphore, #tpu.memory_space<semaphore_mem>>) src(%dma_wait3A_353 : memref<10240x16xf32, #tpu.memory_space<vmem_shared>>) dst(%arg16 : memref<256x16xf32, #tpu.memory_space<vmem>>)
      %dma_start3A_354 = arith.constant 0 : i32
      %dma_start3A_355 = tpu.memref_slice %arg8[%add3A_333, %dma_start3A_354] : memref<40x256xi32, #tpu.memory_space<vmem>> -> memref<1x256xi32, #tpu.memory_space<vmem>>
      %dma_start3A_356 = tpu.memref_squeeze %dma_start3A_355 : memref<1x256xi32, #tpu.memory_space<vmem>> -> memref<256xi32, #tpu.memory_space<vmem>>
      %dma_start3A_357 = arith.constant 0 : i32
      %dma_start3A_358 = arith.constant 0 : i32
      %dma_start3A_359 = tpu.memref_slice %arg20[%dma_start3A_357, %dma_start3A_358] : memref<10240x16xf32, #tpu.memory_space<vmem_shared>> -> memref<10240x16xf32, #tpu.memory_space<vmem_shared>>
      tpu.enqueue_indirect_dma source(%arg16 : memref<256x16xf32, #tpu.memory_space<vmem>>) target(%dma_start3A_359 : memref<10240x16xf32, #tpu.memory_space<vmem_shared>>) offsets(%dma_start3A_356 : memref<256xi32, #tpu.memory_space<vmem>>) semaphore(%arg39 : memref<!tpu.dma_semaphore, #tpu.memory_space<semaphore_mem>>) {add = true}
      %mul3A_360 = arith.constant 10 : i32
      %mul3A_361 = arith.muli %mul3A_360, %scan3A_121 : i32
      %add3A_362 = arith.constant 8 : i32
      %add3A_363 = arith.addi %mul3A_361, %add3A_362 : i32
      %ge3A_364 = arith.constant 1 : i32
      %ge3A_365 = arith.cmpi sge, %add3A_363, %ge3A_364 : i32
      %convert_element_type3A_366 = arith.extui %ge3A_365 : i1 to i32
      %cond3A_367 = arith.constant 0 : i32
      %cond3A_368 = arith.cmpi ne, %convert_element_type3A_366, %cond3A_367 : i32
      scf.if %cond3A_368 {
        %sub3A_421 = arith.constant 1 : i32
        %sub3A_422 = arith.subi %add3A_363, %sub3A_421 : i32
        %dma_wait3A_423 = arith.constant 0 : i32
        %dma_wait3A_424 = tpu.memref_slice %arg8[%sub3A_422, %dma_wait3A_423] : memref<40x256xi32, #tpu.memory_space<vmem>> -> memref<1x256xi32, #tpu.memory_space<vmem>>
        %dma_wait3A_425 = tpu.memref_squeeze %dma_wait3A_424 : memref<1x256xi32, #tpu.memory_space<vmem>> -> memref<256xi32, #tpu.memory_space<vmem>>
        %dma_wait3A_426 = arith.constant 0 : i32
        %dma_wait3A_427 = arith.constant 0 : i32
        %dma_wait3A_428 = tpu.memref_slice %arg20[%dma_wait3A_426, %dma_wait3A_427] : memref<10240x16xf32, #tpu.memory_space<vmem_shared>> -> memref<10240x16xf32, #tpu.memory_space<vmem_shared>>
        tpu.wait_indirect_dma semaphore(%arg39 : memref<!tpu.dma_semaphore, #tpu.memory_space<semaphore_mem>>) src(%arg16 : memref<256x16xf32, #tpu.memory_space<vmem>>) dst(%dma_wait3A_428 : memref<10240x16xf32, #tpu.memory_space<vmem_shared>>)
      } else {
      }
      %add3A_369 = arith.constant 10 : i32
      %add3A_370 = arith.addi %add3A_363, %add3A_369 : i32
      %sub3A_371 = arith.constant 1 : i32
      %sub3A_372 = arith.subi %add3A_370, %sub3A_371 : i32
      %lt3A_373 = arith.constant 40 : i32
      %lt3A_374 = arith.cmpi slt, %sub3A_372, %lt3A_373 : i32
      %convert_element_type3A_375 = arith.extui %lt3A_374 : i1 to i32
      %cond3A_376 = arith.constant 0 : i32
      %cond3A_377 = arith.cmpi ne, %convert_element_type3A_375, %cond3A_376 : i32
      scf.if %cond3A_377 {
        %add3A_421 = arith.constant 10 : i32
        %add3A_422 = arith.addi %add3A_363, %add3A_421 : i32
        %sub3A_423 = arith.constant 1 : i32
        %sub3A_424 = arith.subi %add3A_422, %sub3A_423 : i32
        %dma_start3A_425 = arith.constant 0 : i32
        %dma_start3A_426 = tpu.memref_slice %arg7[%sub3A_424, %dma_start3A_425] : memref<40x256xi32, #tpu.memory_space<vmem>> -> memref<1x256xi32, #tpu.memory_space<vmem>>
        %dma_start3A_427 = tpu.memref_squeeze %dma_start3A_426 : memref<1x256xi32, #tpu.memory_space<vmem>> -> memref<256xi32, #tpu.memory_space<vmem>>
        %dma_start3A_428 = arith.constant 0 : i32
        %dma_start3A_429 = arith.constant 0 : i32
        %dma_start3A_430 = tpu.memref_slice %arg21[%dma_start3A_428, %dma_start3A_429] : memref<10240x16xf32, #tpu.memory_space<vmem_shared>> -> memref<10240x16xf32, #tpu.memory_space<vmem_shared>>
        tpu.enqueue_indirect_dma source(%dma_start3A_430 : memref<10240x16xf32, #tpu.memory_space<vmem_shared>>) target(%arg16 : memref<256x16xf32, #tpu.memory_space<vmem>>) offsets(%dma_start3A_427 : memref<256xi32, #tpu.memory_space<vmem>>) semaphore(%arg29 : memref<!tpu.dma_semaphore, #tpu.memory_space<semaphore_mem>>)
      } else {
      }
      %dma_wait3A_378 = arith.constant 0 : i32
      %dma_wait3A_379 = tpu.memref_slice %arg7[%add3A_363, %dma_wait3A_378] : memref<40x256xi32, #tpu.memory_space<vmem>> -> memref<1x256xi32, #tpu.memory_space<vmem>>
      %dma_wait3A_380 = tpu.memref_squeeze %dma_wait3A_379 : memref<1x256xi32, #tpu.memory_space<vmem>> -> memref<256xi32, #tpu.memory_space<vmem>>
      %dma_wait3A_381 = arith.constant 0 : i32
      %dma_wait3A_382 = arith.constant 0 : i32
      %dma_wait3A_383 = tpu.memref_slice %arg21[%dma_wait3A_381, %dma_wait3A_382] : memref<10240x16xf32, #tpu.memory_space<vmem_shared>> -> memref<10240x16xf32, #tpu.memory_space<vmem_shared>>
      tpu.wait_indirect_dma semaphore(%arg30 : memref<!tpu.dma_semaphore, #tpu.memory_space<semaphore_mem>>) src(%dma_wait3A_383 : memref<10240x16xf32, #tpu.memory_space<vmem_shared>>) dst(%arg17 : memref<256x16xf32, #tpu.memory_space<vmem>>)
      %dma_start3A_384 = arith.constant 0 : i32
      %dma_start3A_385 = tpu.memref_slice %arg8[%add3A_363, %dma_start3A_384] : memref<40x256xi32, #tpu.memory_space<vmem>> -> memref<1x256xi32, #tpu.memory_space<vmem>>
      %dma_start3A_386 = tpu.memref_squeeze %dma_start3A_385 : memref<1x256xi32, #tpu.memory_space<vmem>> -> memref<256xi32, #tpu.memory_space<vmem>>
      %dma_start3A_387 = arith.constant 0 : i32
      %dma_start3A_388 = arith.constant 0 : i32
      %dma_start3A_389 = tpu.memref_slice %arg20[%dma_start3A_387, %dma_start3A_388] : memref<10240x16xf32, #tpu.memory_space<vmem_shared>> -> memref<10240x16xf32, #tpu.memory_space<vmem_shared>>
      tpu.enqueue_indirect_dma source(%arg17 : memref<256x16xf32, #tpu.memory_space<vmem>>) target(%dma_start3A_389 : memref<10240x16xf32, #tpu.memory_space<vmem_shared>>) offsets(%dma_start3A_386 : memref<256xi32, #tpu.memory_space<vmem>>) semaphore(%arg40 : memref<!tpu.dma_semaphore, #tpu.memory_space<semaphore_mem>>) {add = true}
      %mul3A_390 = arith.constant 10 : i32
      %mul3A_391 = arith.muli %mul3A_390, %scan3A_121 : i32
      %add3A_392 = arith.constant 9 : i32
      %add3A_393 = arith.addi %mul3A_391, %add3A_392 : i32
      %ge3A_394 = arith.constant 1 : i32
      %ge3A_395 = arith.cmpi sge, %add3A_393, %ge3A_394 : i32
      %convert_element_type3A_396 = arith.extui %ge3A_395 : i1 to i32
      %cond3A_397 = arith.constant 0 : i32
      %cond3A_398 = arith.cmpi ne, %convert_element_type3A_396, %cond3A_397 : i32
      scf.if %cond3A_398 {
        %sub3A_421 = arith.constant 1 : i32
        %sub3A_422 = arith.subi %add3A_393, %sub3A_421 : i32
        %dma_wait3A_423 = arith.constant 0 : i32
        %dma_wait3A_424 = tpu.memref_slice %arg8[%sub3A_422, %dma_wait3A_423] : memref<40x256xi32, #tpu.memory_space<vmem>> -> memref<1x256xi32, #tpu.memory_space<vmem>>
        %dma_wait3A_425 = tpu.memref_squeeze %dma_wait3A_424 : memref<1x256xi32, #tpu.memory_space<vmem>> -> memref<256xi32, #tpu.memory_space<vmem>>
        %dma_wait3A_426 = arith.constant 0 : i32
        %dma_wait3A_427 = arith.constant 0 : i32
        %dma_wait3A_428 = tpu.memref_slice %arg20[%dma_wait3A_426, %dma_wait3A_427] : memref<10240x16xf32, #tpu.memory_space<vmem_shared>> -> memref<10240x16xf32, #tpu.memory_space<vmem_shared>>
        tpu.wait_indirect_dma semaphore(%arg40 : memref<!tpu.dma_semaphore, #tpu.memory_space<semaphore_mem>>) src(%arg17 : memref<256x16xf32, #tpu.memory_space<vmem>>) dst(%dma_wait3A_428 : memref<10240x16xf32, #tpu.memory_space<vmem_shared>>)
      } else {
      }
      %add3A_399 = arith.constant 10 : i32
      %add3A_400 = arith.addi %add3A_393, %add3A_399 : i32
      %sub3A_401 = arith.constant 1 : i32
      %sub3A_402 = arith.subi %add3A_400, %sub3A_401 : i32
      %lt3A_403 = arith.constant 40 : i32
      %lt3A_404 = arith.cmpi slt, %sub3A_402, %lt3A_403 : i32
      %convert_element_type3A_405 = arith.extui %lt3A_404 : i1 to i32
      %cond3A_406 = arith.constant 0 : i32
      %cond3A_407 = arith.cmpi ne, %convert_element_type3A_405, %cond3A_406 : i32
      scf.if %cond3A_407 {
        %add3A_421 = arith.constant 10 : i32
        %add3A_422 = arith.addi %add3A_393, %add3A_421 : i32
        %sub3A_423 = arith.constant 1 : i32
        %sub3A_424 = arith.subi %add3A_422, %sub3A_423 : i32
        %dma_start3A_425 = arith.constant 0 : i32
        %dma_start3A_426 = tpu.memref_slice %arg7[%sub3A_424, %dma_start3A_425] : memref<40x256xi32, #tpu.memory_space<vmem>> -> memref<1x256xi32, #tpu.memory_space<vmem>>
        %dma_start3A_427 = tpu.memref_squeeze %dma_start3A_426 : memref<1x256xi32, #tpu.memory_space<vmem>> -> memref<256xi32, #tpu.memory_space<vmem>>
        %dma_start3A_428 = arith.constant 0 : i32
        %dma_start3A_429 = arith.constant 0 : i32
        %dma_start3A_430 = tpu.memref_slice %arg21[%dma_start3A_428, %dma_start3A_429] : memref<10240x16xf32, #tpu.memory_space<vmem_shared>> -> memref<10240x16xf32, #tpu.memory_space<vmem_shared>>
        tpu.enqueue_indirect_dma source(%dma_start3A_430 : memref<10240x16xf32, #tpu.memory_space<vmem_shared>>) target(%arg17 : memref<256x16xf32, #tpu.memory_space<vmem>>) offsets(%dma_start3A_427 : memref<256xi32, #tpu.memory_space<vmem>>) semaphore(%arg30 : memref<!tpu.dma_semaphore, #tpu.memory_space<semaphore_mem>>)
      } else {
      }
      %dma_wait3A_408 = arith.constant 0 : i32
      %dma_wait3A_409 = tpu.memref_slice %arg7[%add3A_393, %dma_wait3A_408] : memref<40x256xi32, #tpu.memory_space<vmem>> -> memref<1x256xi32, #tpu.memory_space<vmem>>
      %dma_wait3A_410 = tpu.memref_squeeze %dma_wait3A_409 : memref<1x256xi32, #tpu.memory_space<vmem>> -> memref<256xi32, #tpu.memory_space<vmem>>
      %dma_wait3A_411 = arith.constant 0 : i32
      %dma_wait3A_412 = arith.constant 0 : i32
      %dma_wait3A_413 = tpu.memref_slice %arg21[%dma_wait3A_411, %dma_wait3A_412] : memref<10240x16xf32, #tpu.memory_space<vmem_shared>> -> memref<10240x16xf32, #tpu.memory_space<vmem_shared>>
      tpu.wait_indirect_dma semaphore(%arg31 : memref<!tpu.dma_semaphore, #tpu.memory_space<semaphore_mem>>) src(%dma_wait3A_413 : memref<10240x16xf32, #tpu.memory_space<vmem_shared>>) dst(%arg18 : memref<256x16xf32, #tpu.memory_space<vmem>>)
      %dma_start3A_414 = arith.constant 0 : i32
      %dma_start3A_415 = tpu.memref_slice %arg8[%add3A_393, %dma_start3A_414] : memref<40x256xi32, #tpu.memory_space<vmem>> -> memref<1x256xi32, #tpu.memory_space<vmem>>
      %dma_start3A_416 = tpu.memref_squeeze %dma_start3A_415 : memref<1x256xi32, #tpu.memory_space<vmem>> -> memref<256xi32, #tpu.memory_space<vmem>>
      %dma_start3A_417 = arith.constant 0 : i32
      %dma_start3A_418 = arith.constant 0 : i32
      %dma_start3A_419 = tpu.memref_slice %arg20[%dma_start3A_417, %dma_start3A_418] : memref<10240x16xf32, #tpu.memory_space<vmem_shared>> -> memref<10240x16xf32, #tpu.memory_space<vmem_shared>>
      tpu.enqueue_indirect_dma source(%arg18 : memref<256x16xf32, #tpu.memory_space<vmem>>) target(%dma_start3A_419 : memref<10240x16xf32, #tpu.memory_space<vmem_shared>>) offsets(%dma_start3A_416 : memref<256xi32, #tpu.memory_space<vmem>>) semaphore(%arg41 : memref<!tpu.dma_semaphore, #tpu.memory_space<semaphore_mem>>) {add = true}
      %scan3A_420 = arith.constant 0 : i32
      scf.yield %scan3A_420 : i32
    }
    %scan3A_102 = arith.constant 4 : i32
    %dma_wait3A_103 = arith.constant 39 : i32
    %dma_wait3A_104 = arith.constant 0 : i32
    %dma_wait3A_105 = tpu.memref_slice %arg8[%dma_wait3A_103, %dma_wait3A_104] : memref<40x256xi32, #tpu.memory_space<vmem>> -> memref<1x256xi32, #tpu.memory_space<vmem>>
    %dma_wait3A_106 = tpu.memref_squeeze %dma_wait3A_105 : memref<1x256xi32, #tpu.memory_space<vmem>> -> memref<256xi32, #tpu.memory_space<vmem>>
    %dma_wait3A_107 = arith.constant 0 : i32
    %dma_wait3A_108 = arith.constant 0 : i32
    %dma_wait3A_109 = tpu.memref_slice %arg20[%dma_wait3A_107, %dma_wait3A_108] : memref<10240x16xf32, #tpu.memory_space<vmem_shared>> -> memref<10240x16xf32, #tpu.memory_space<vmem_shared>>
    tpu.wait_indirect_dma semaphore(%arg41 : memref<!tpu.dma_semaphore, #tpu.memory_space<semaphore_mem>>) src(%arg18 : memref<256x16xf32, #tpu.memory_space<vmem>>) dst(%dma_wait3A_109 : memref<10240x16xf32, #tpu.memory_space<vmem_shared>>)
    %barrier3A_110 = arith.constant 0 : index
    tpu.barrier barrier_id(%barrier3A_110)
    %eq3A_111 = arith.constant 0 : i32
    %eq3A_112 = arith.cmpi eq, %arg0, %eq3A_111 : i32
    %convert_element_type3A_113 = arith.extui %eq3A_112 : i1 to i32
    %cond3A_114 = arith.constant 0 : i32
    %cond3A_115 = arith.cmpi ne, %convert_element_type3A_113, %cond3A_114 : i32
    scf.if %cond3A_115 {
      %mul3A_121 = arith.constant 640 : i32
      %mul3A_122 = arith.muli %arg1, %mul3A_121 : i32
      %mul3A_123 = arith.constant 640 : i32
      %mul3A_124 = arith.muli %arg1, %mul3A_123 : i32
      "tpu.region"() ({
        %run_scoped3A = tpu.sem_alloc : memref<!tpu.dma_semaphore, #tpu.memory_space<semaphore_mem>>
        %dma_start3A_125 = arith.constant 0 : i32
        %dma_start3A_126 = tpu.memref_slice %arg5[%mul3A_124, %dma_start3A_125] : memref<10240x16xf32, #tpu.memory_space<hbm>> -> memref<640x16xf32, #tpu.memory_space<hbm>>
        %dma_start3A_127 = arith.constant 0 : i32
        %dma_start3A_128 = tpu.memref_slice %arg20[%mul3A_122, %dma_start3A_127] : memref<10240x16xf32, #tpu.memory_space<vmem_shared>> -> memref<640x16xf32, #tpu.memory_space<vmem_shared>>
        tpu.enqueue_dma source(%dma_start3A_128 : memref<640x16xf32, #tpu.memory_space<vmem_shared>>) target(%dma_start3A_126 : memref<640x16xf32, #tpu.memory_space<hbm>>) target_semaphore(%run_scoped3A : memref<!tpu.dma_semaphore, #tpu.memory_space<semaphore_mem>>)
        %dma_wait3A_129 = arith.constant 0 : i32
        %dma_wait3A_130 = tpu.memref_slice %arg5[%mul3A_124, %dma_wait3A_129] : memref<10240x16xf32, #tpu.memory_space<hbm>> -> memref<640x16xf32, #tpu.memory_space<hbm>>
        %dma_wait3A_131 = arith.constant 0 : i32
        %dma_wait3A_132 = tpu.memref_slice %arg20[%mul3A_122, %dma_wait3A_131] : memref<10240x16xf32, #tpu.memory_space<vmem_shared>> -> memref<640x16xf32, #tpu.memory_space<vmem_shared>>
        tpu.wait_dma2 semaphore(%run_scoped3A : memref<!tpu.dma_semaphore, #tpu.memory_space<semaphore_mem>>) src(%dma_wait3A_132 : memref<640x16xf32, #tpu.memory_space<vmem_shared>>) dst(%dma_wait3A_130 : memref<640x16xf32, #tpu.memory_space<hbm>>)
        tpu.yield
      }) : () -> ()
    } else {
    }
    %eq3A_116 = arith.constant 1 : i32
    %eq3A_117 = arith.cmpi eq, %arg0, %eq3A_116 : i32
    %convert_element_type3A_118 = arith.extui %eq3A_117 : i1 to i32
    %cond3A_119 = arith.constant 0 : i32
    %cond3A_120 = arith.cmpi ne, %convert_element_type3A_118, %cond3A_119 : i32
    scf.if %cond3A_120 {
      %mul3A_121 = arith.constant 640 : i32
      %mul3A_122 = arith.muli %arg1, %mul3A_121 : i32
      %mul3A_123 = arith.constant 640 : i32
      %mul3A_124 = arith.muli %arg1, %mul3A_123 : i32
      "tpu.region"() ({
        %run_scoped3A = tpu.sem_alloc : memref<!tpu.dma_semaphore, #tpu.memory_space<semaphore_mem>>
        %dma_start3A_125 = arith.constant 0 : i32
        %dma_start3A_126 = tpu.memref_slice %arg6[%mul3A_124, %dma_start3A_125] : memref<10240x16xf32, #tpu.memory_space<hbm>> -> memref<640x16xf32, #tpu.memory_space<hbm>>
        %dma_start3A_127 = arith.constant 0 : i32
        %dma_start3A_128 = tpu.memref_slice %arg20[%mul3A_122, %dma_start3A_127] : memref<10240x16xf32, #tpu.memory_space<vmem_shared>> -> memref<640x16xf32, #tpu.memory_space<vmem_shared>>
        tpu.enqueue_dma source(%dma_start3A_128 : memref<640x16xf32, #tpu.memory_space<vmem_shared>>) target(%dma_start3A_126 : memref<640x16xf32, #tpu.memory_space<hbm>>) target_semaphore(%run_scoped3A : memref<!tpu.dma_semaphore, #tpu.memory_space<semaphore_mem>>)
        %dma_wait3A_129 = arith.constant 0 : i32
        %dma_wait3A_130 = tpu.memref_slice %arg6[%mul3A_124, %dma_wait3A_129] : memref<10240x16xf32, #tpu.memory_space<hbm>> -> memref<640x16xf32, #tpu.memory_space<hbm>>
        %dma_wait3A_131 = arith.constant 0 : i32
        %dma_wait3A_132 = tpu.memref_slice %arg20[%mul3A_122, %dma_wait3A_131] : memref<10240x16xf32, #tpu.memory_space<vmem_shared>> -> memref<640x16xf32, #tpu.memory_space<vmem_shared>>
        tpu.wait_dma2 semaphore(%run_scoped3A : memref<!tpu.dma_semaphore, #tpu.memory_space<semaphore_mem>>) src(%dma_wait3A_132 : memref<640x16xf32, #tpu.memory_space<vmem_shared>>) dst(%dma_wait3A_130 : memref<640x16xf32, #tpu.memory_space<hbm>>)
        tpu.yield
      }) : () -> ()
    } else {
    }
    return
  }
}

#map = affine_map<(d0, d1) -> (0, 0)>
#map1 = affine_map<(d0, d1) -> (0)>
module attributes {stable_mosaic.version = 14 : i64} {
  func.func @kern(%arg0: i32, %arg1: i32, %arg2: memref<1280x256xi32, #tpu.memory_space<hbm>>, %arg3: memref<10240xf32, #tpu.memory_space<hbm>>, %arg4: memref<10240xf32, #tpu.memory_space<hbm>>, %arg5: memref<40x256xi32, #tpu.memory_space<vmem>>, %arg6: memref<256xf32, #tpu.memory_space<vmem>>, %arg7: memref<640xf32, #tpu.memory_space<vmem>>, %arg8: memref<10240xf32, #tpu.memory_space<vmem_shared>>, %arg9: memref<!tpu.dma_semaphore, #tpu.memory_space<semaphore_mem>>) attributes {dimension_semantics = [#tpu.dimension_semantics<core_parallel>, #tpu.dimension_semantics<subcore_parallel>], iteration_bounds = array<i64: 2, 16>, scalar_prefetch = 0 : i64, scratch_operands = 5 : i64, tpu.core_type = #tpu.core_type<sc_vector_subcore>, window_params = [{transform_indices = #map}, {transform_indices = #map1}, {transform_indices = #map1}]} {
    %mul3A = arith.constant 2 : i32
    %mul3A_0 = arith.muli %arg1, %mul3A : i32
    %add3A = arith.addi %mul3A_0, %arg0 : i32
    %scan3A = arith.constant 0 : i32
    %scan3A_1 = arith.constant 0 : i32
    %scan3A_2 = arith.constant 16 : i32
    %scan3A_3 = arith.addi %scan3A_1, %scan3A_2 : i32
    %scan3A_4 = arith.constant 1 : i32
    %scan3A_5 = scf.for %scan3A_40 = %scan3A_1 to %scan3A_3 step %scan3A_4 iter_args(%scan3A_41 = %scan3A) -> (i32)  : i32 {
      %broadcast_in_dim3A = arith.constant 1.000000e+00 : f32
      %broadcast_in_dim3A_42 = vector.broadcast %broadcast_in_dim3A : f32 to vector<16xf32>
      %mul3A_43 = arith.constant 16 : i32
      %mul3A_44 = arith.muli %scan3A_40, %mul3A_43 : i32
      %swap3A = arith.index_cast %mul3A_44 : i32 to index
      %swap3A_45 = tpu.vector_load %arg6[%swap3A] {strides = array<i32>} : memref<256xf32, #tpu.memory_space<vmem>>, vector<16xf32>,
      %swap3A_46 = vector.shape_cast %swap3A_45 : vector<16xf32> to vector<16xf32>
      %swap3A_47 = vector.shape_cast %broadcast_in_dim3A_42 : vector<16xf32> to vector<16xf32>
      tpu.vector_store %arg6[%swap3A], %swap3A_47 {strides = array<i32>} : memref<256xf32, #tpu.memory_space<vmem>>, vector<16xf32>,
      %scan3A_48 = arith.constant 0 : i32
      scf.yield %scan3A_48 : i32
    }
    %scan3A_6 = arith.constant 16 : i32
    %scan3A_7 = arith.constant 0 : i32
    %scan3A_8 = arith.constant 0 : i32
    %scan3A_9 = arith.constant 40 : i32
    %scan3A_10 = arith.addi %scan3A_8, %scan3A_9 : i32
    %scan3A_11 = arith.constant 1 : i32
    %scan3A_12 = scf.for %scan3A_40 = %scan3A_8 to %scan3A_10 step %scan3A_11 iter_args(%scan3A_41 = %scan3A_7) -> (i32)  : i32 {
      %broadcast_in_dim3A = arith.constant 0.000000e+00 : f32
      %broadcast_in_dim3A_42 = vector.broadcast %broadcast_in_dim3A : f32 to vector<16xf32>
      %mul3A_43 = arith.constant 16 : i32
      %mul3A_44 = arith.muli %scan3A_40, %mul3A_43 : i32
      %swap3A = arith.index_cast %mul3A_44 : i32 to index
      %swap3A_45 = tpu.vector_load %arg7[%swap3A] {strides = array<i32>} : memref<640xf32, #tpu.memory_space<vmem>>, vector<16xf32>,
      %swap3A_46 = vector.shape_cast %swap3A_45 : vector<16xf32> to vector<16xf32>
      %swap3A_47 = vector.shape_cast %broadcast_in_dim3A_42 : vector<16xf32> to vector<16xf32>
      tpu.vector_store %arg7[%swap3A], %swap3A_47 {strides = array<i32>} : memref<640xf32, #tpu.memory_space<vmem>>, vector<16xf32>,
      %scan3A_48 = arith.constant 0 : i32
      scf.yield %scan3A_48 : i32
    }
    %scan3A_13 = arith.constant 40 : i32
    %mul3A_14 = arith.constant 640 : i32
    %mul3A_15 = arith.muli %arg1, %mul3A_14 : i32
    "tpu.region"() ({
      %run_scoped3A = tpu.sem_alloc : memref<!tpu.dma_semaphore, #tpu.memory_space<semaphore_mem>>
      %dma_start3A = tpu.memref_slice %arg8[%mul3A_15] : memref<10240xf32, #tpu.memory_space<vmem_shared>> -> memref<640xf32, #tpu.memory_space<vmem_shared>>
      %dma_start3A_40 = tpu.memref_slice %arg8[%mul3A_15] : memref<10240xf32, #tpu.memory_space<vmem_shared>> -> memref<640xf32, #tpu.memory_space<vmem_shared>>
      tpu.enqueue_dma source(%arg7 : memref<640xf32, #tpu.memory_space<vmem>>) target(%dma_start3A_40 : memref<640xf32, #tpu.memory_space<vmem_shared>>) target_semaphore(%run_scoped3A : memref<!tpu.dma_semaphore, #tpu.memory_space<semaphore_mem>>)
      %dma_wait3A = tpu.memref_slice %arg8[%mul3A_15] : memref<10240xf32, #tpu.memory_space<vmem_shared>> -> memref<640xf32, #tpu.memory_space<vmem_shared>>
      %dma_wait3A_41 = tpu.memref_slice %arg8[%mul3A_15] : memref<10240xf32, #tpu.memory_space<vmem_shared>> -> memref<640xf32, #tpu.memory_space<vmem_shared>>
      tpu.wait_dma2 semaphore(%run_scoped3A : memref<!tpu.dma_semaphore, #tpu.memory_space<semaphore_mem>>) src(%arg7 : memref<640xf32, #tpu.memory_space<vmem>>) dst(%dma_wait3A_41 : memref<640xf32, #tpu.memory_space<vmem_shared>>)
      tpu.yield
    }) : () -> ()
    %barrier3A = arith.constant 0 : index
    tpu.barrier barrier_id(%barrier3A)
    %mul3A_16 = arith.constant 40 : i32
    %mul3A_17 = arith.muli %add3A, %mul3A_16 : i32
    "tpu.region"() ({
      %run_scoped3A = tpu.sem_alloc : memref<!tpu.dma_semaphore, #tpu.memory_space<semaphore_mem>>
      %dma_start3A = arith.constant 0 : i32
      %dma_start3A_40 = tpu.memref_slice %arg2[%mul3A_17, %dma_start3A] : memref<1280x256xi32, #tpu.memory_space<hbm>> -> memref<40x256xi32, #tpu.memory_space<hbm>>
      %dma_start3A_41 = arith.constant 0 : i32
      %dma_start3A_42 = tpu.memref_slice %arg2[%mul3A_17, %dma_start3A_41] : memref<1280x256xi32, #tpu.memory_space<hbm>> -> memref<40x256xi32, #tpu.memory_space<hbm>>
      tpu.enqueue_dma source(%dma_start3A_42 : memref<40x256xi32, #tpu.memory_space<hbm>>) target(%arg5 : memref<40x256xi32, #tpu.memory_space<vmem>>) target_semaphore(%run_scoped3A : memref<!tpu.dma_semaphore, #tpu.memory_space<semaphore_mem>>)
      %dma_wait3A = arith.constant 0 : i32
      %dma_wait3A_43 = tpu.memref_slice %arg2[%mul3A_17, %dma_wait3A] : memref<1280x256xi32, #tpu.memory_space<hbm>> -> memref<40x256xi32, #tpu.memory_space<hbm>>
      %dma_wait3A_44 = arith.constant 0 : i32
      %dma_wait3A_45 = tpu.memref_slice %arg2[%mul3A_17, %dma_wait3A_44] : memref<1280x256xi32, #tpu.memory_space<hbm>> -> memref<40x256xi32, #tpu.memory_space<hbm>>
      tpu.wait_dma2 semaphore(%run_scoped3A : memref<!tpu.dma_semaphore, #tpu.memory_space<semaphore_mem>>) src(%dma_wait3A_45 : memref<40x256xi32, #tpu.memory_space<hbm>>) dst(%arg5 : memref<40x256xi32, #tpu.memory_space<vmem>>)
      tpu.yield
    }) : () -> ()
    %scan3A_18 = arith.constant 0 : i32
    %scan3A_19 = arith.constant 0 : i32
    %scan3A_20 = arith.constant 40 : i32
    %scan3A_21 = arith.addi %scan3A_19, %scan3A_20 : i32
    %scan3A_22 = arith.constant 1 : i32
    %scan3A_23 = scf.for %scan3A_40 = %scan3A_19 to %scan3A_21 step %scan3A_22 iter_args(%scan3A_41 = %scan3A_18) -> (i32)  : i32 {
      %dma_start3A = arith.constant 0 : i32
      %dma_start3A_42 = tpu.memref_slice %arg5[%scan3A_40, %dma_start3A] : memref<40x256xi32, #tpu.memory_space<vmem>> -> memref<1x256xi32, #tpu.memory_space<vmem>>
      %dma_start3A_43 = tpu.memref_squeeze %dma_start3A_42 : memref<1x256xi32, #tpu.memory_space<vmem>> -> memref<256xi32, #tpu.memory_space<vmem>>
      %dma_start3A_44 = arith.constant 0 : i32
      %dma_start3A_45 = tpu.memref_slice %arg8[%dma_start3A_44] : memref<10240xf32, #tpu.memory_space<vmem_shared>> -> memref<10240xf32, #tpu.memory_space<vmem_shared>>
      tpu.enqueue_indirect_dma source(%arg6 : memref<256xf32, #tpu.memory_space<vmem>>) target(%dma_start3A_45 : memref<10240xf32, #tpu.memory_space<vmem_shared>>) offsets(%dma_start3A_43 : memref<256xi32, #tpu.memory_space<vmem>>) semaphore(%arg9 : memref<!tpu.dma_semaphore, #tpu.memory_space<semaphore_mem>>) {add = true}
      %scan3A_46 = arith.constant 0 : i32
      scf.yield %scan3A_46 : i32
    }
    %scan3A_24 = arith.constant 40 : i32
    %scan3A_25 = arith.constant 0 : i32
    %scan3A_26 = arith.constant 0 : i32
    %scan3A_27 = arith.constant 40 : i32
    %scan3A_28 = arith.addi %scan3A_26, %scan3A_27 : i32
    %scan3A_29 = arith.constant 1 : i32
    %scan3A_30 = scf.for %scan3A_40 = %scan3A_26 to %scan3A_28 step %scan3A_29 iter_args(%scan3A_41 = %scan3A_25) -> (i32)  : i32 {
      %dma_wait3A = arith.constant 0 : i32
      %dma_wait3A_42 = tpu.memref_slice %arg5[%scan3A_40, %dma_wait3A] : memref<40x256xi32, #tpu.memory_space<vmem>> -> memref<1x256xi32, #tpu.memory_space<vmem>>
      %dma_wait3A_43 = tpu.memref_squeeze %dma_wait3A_42 : memref<1x256xi32, #tpu.memory_space<vmem>> -> memref<256xi32, #tpu.memory_space<vmem>>
      %dma_wait3A_44 = arith.constant 0 : i32
      %dma_wait3A_45 = tpu.memref_slice %arg8[%dma_wait3A_44] : memref<10240xf32, #tpu.memory_space<vmem_shared>> -> memref<10240xf32, #tpu.memory_space<vmem_shared>>
      tpu.wait_indirect_dma semaphore(%arg9 : memref<!tpu.dma_semaphore, #tpu.memory_space<semaphore_mem>>) src(%arg6 : memref<256xf32, #tpu.memory_space<vmem>>) dst(%dma_wait3A_45 : memref<10240xf32, #tpu.memory_space<vmem_shared>>)
      %scan3A_46 = arith.constant 0 : i32
      scf.yield %scan3A_46 : i32
    }
    %scan3A_31 = arith.constant 40 : i32
    %barrier3A_32 = arith.constant 0 : index
    tpu.barrier barrier_id(%barrier3A_32)
    %eq3A = arith.constant 0 : i32
    %eq3A_33 = arith.cmpi eq, %arg0, %eq3A : i32
    %convert_element_type3A = arith.extui %eq3A_33 : i1 to i32
    %cond3A = arith.constant 0 : i32
    %cond3A_34 = arith.cmpi ne, %convert_element_type3A, %cond3A : i32
    scf.if %cond3A_34 {
      %mul3A_40 = arith.constant 640 : i32
      %mul3A_41 = arith.muli %arg1, %mul3A_40 : i32
      %mul3A_42 = arith.constant 640 : i32
      %mul3A_43 = arith.muli %arg1, %mul3A_42 : i32
      "tpu.region"() ({
        %run_scoped3A = tpu.sem_alloc : memref<!tpu.dma_semaphore, #tpu.memory_space<semaphore_mem>>
        %dma_start3A = tpu.memref_slice %arg3[%mul3A_43] : memref<10240xf32, #tpu.memory_space<hbm>> -> memref<640xf32, #tpu.memory_space<hbm>>
        %dma_start3A_44 = tpu.memref_slice %arg8[%mul3A_41] : memref<10240xf32, #tpu.memory_space<vmem_shared>> -> memref<640xf32, #tpu.memory_space<vmem_shared>>
        tpu.enqueue_dma source(%dma_start3A_44 : memref<640xf32, #tpu.memory_space<vmem_shared>>) target(%dma_start3A : memref<640xf32, #tpu.memory_space<hbm>>) target_semaphore(%run_scoped3A : memref<!tpu.dma_semaphore, #tpu.memory_space<semaphore_mem>>)
        %dma_wait3A = tpu.memref_slice %arg3[%mul3A_43] : memref<10240xf32, #tpu.memory_space<hbm>> -> memref<640xf32, #tpu.memory_space<hbm>>
        %dma_wait3A_45 = tpu.memref_slice %arg8[%mul3A_41] : memref<10240xf32, #tpu.memory_space<vmem_shared>> -> memref<640xf32, #tpu.memory_space<vmem_shared>>
        tpu.wait_dma2 semaphore(%run_scoped3A : memref<!tpu.dma_semaphore, #tpu.memory_space<semaphore_mem>>) src(%dma_wait3A_45 : memref<640xf32, #tpu.memory_space<vmem_shared>>) dst(%dma_wait3A : memref<640xf32, #tpu.memory_space<hbm>>)
        tpu.yield
      }) : () -> ()
    } else {
    }
    %eq3A_35 = arith.constant 1 : i32
    %eq3A_36 = arith.cmpi eq, %arg0, %eq3A_35 : i32
    %convert_element_type3A_37 = arith.extui %eq3A_36 : i1 to i32
    %cond3A_38 = arith.constant 0 : i32
    %cond3A_39 = arith.cmpi ne, %convert_element_type3A_37, %cond3A_38 : i32
    scf.if %cond3A_39 {
      %mul3A_40 = arith.constant 640 : i32
      %mul3A_41 = arith.muli %arg1, %mul3A_40 : i32
      %mul3A_42 = arith.constant 640 : i32
      %mul3A_43 = arith.muli %arg1, %mul3A_42 : i32
      "tpu.region"() ({
        %run_scoped3A = tpu.sem_alloc : memref<!tpu.dma_semaphore, #tpu.memory_space<semaphore_mem>>
        %dma_start3A = tpu.memref_slice %arg4[%mul3A_43] : memref<10240xf32, #tpu.memory_space<hbm>> -> memref<640xf32, #tpu.memory_space<hbm>>
        %dma_start3A_44 = tpu.memref_slice %arg8[%mul3A_41] : memref<10240xf32, #tpu.memory_space<vmem_shared>> -> memref<640xf32, #tpu.memory_space<vmem_shared>>
        tpu.enqueue_dma source(%dma_start3A_44 : memref<640xf32, #tpu.memory_space<vmem_shared>>) target(%dma_start3A : memref<640xf32, #tpu.memory_space<hbm>>) target_semaphore(%run_scoped3A : memref<!tpu.dma_semaphore, #tpu.memory_space<semaphore_mem>>)
        %dma_wait3A = tpu.memref_slice %arg4[%mul3A_43] : memref<10240xf32, #tpu.memory_space<hbm>> -> memref<640xf32, #tpu.memory_space<hbm>>
        %dma_wait3A_45 = tpu.memref_slice %arg8[%mul3A_41] : memref<10240xf32, #tpu.memory_space<vmem_shared>> -> memref<640xf32, #tpu.memory_space<vmem_shared>>
        tpu.wait_dma2 semaphore(%run_scoped3A : memref<!tpu.dma_semaphore, #tpu.memory_space<semaphore_mem>>) src(%dma_wait3A_45 : memref<640xf32, #tpu.memory_space<vmem_shared>>) dst(%dma_wait3A : memref<640xf32, #tpu.memory_space<hbm>>)
        tpu.yield
      }) : () -> ()
    } else {
    }
    return
  }
}

#map = affine_map<(d0, d1) -> (0, 0)>
module attributes {stable_mosaic.version = 14 : i64} {
  func.func @kern(%arg0: i32, %arg1: i32, %arg2: memref<10240x64xf32, #tpu.memory_space<hbm>>, %arg3: memref<1280x256xi32, #tpu.memory_space<hbm>>, %arg4: memref<1280x256xi32, #tpu.memory_space<hbm>>, %arg5: memref<10240x64xf32, #tpu.memory_space<hbm>>, %arg6: memref<10240x64xf32, #tpu.memory_space<hbm>>, %arg7: memref<40x256xi32, #tpu.memory_space<vmem>>, %arg8: memref<40x256xi32, #tpu.memory_space<vmem>>, %arg9: memref<256x64xf32, #tpu.memory_space<vmem>>, %arg10: memref<256x64xf32, #tpu.memory_space<vmem>>, %arg11: memref<256x64xf32, #tpu.memory_space<vmem>>, %arg12: memref<256x64xf32, #tpu.memory_space<vmem>>, %arg13: memref<64x64xf32, #tpu.memory_space<vmem>>, %arg14: memref<10240x64xf32, #tpu.memory_space<vmem_shared>>, %arg15: memref<8x64xf32, #tpu.memory_space<vmem>>, %arg16: memref<!tpu.dma_semaphore, #tpu.memory_space<semaphore_mem>>, %arg17: memref<!tpu.dma_semaphore, #tpu.memory_space<semaphore_mem>>, %arg18: memref<!tpu.dma_semaphore, #tpu.memory_space<semaphore_mem>>, %arg19: memref<!tpu.dma_semaphore, #tpu.memory_space<semaphore_mem>>, %arg20: memref<!tpu.dma_semaphore, #tpu.memory_space<semaphore_mem>>, %arg21: memref<!tpu.dma_semaphore, #tpu.memory_space<semaphore_mem>>, %arg22: memref<!tpu.dma_semaphore, #tpu.memory_space<semaphore_mem>>, %arg23: memref<!tpu.dma_semaphore, #tpu.memory_space<semaphore_mem>>, %arg24: memref<!tpu.dma_semaphore, #tpu.memory_space<semaphore_mem>>) attributes {dimension_semantics = [#tpu.dimension_semantics<core_parallel>, #tpu.dimension_semantics<subcore_parallel>], iteration_bounds = array<i64: 2, 16>, scalar_prefetch = 0 : i64, scratch_operands = 18 : i64, tpu.core_type = #tpu.core_type<sc_vector_subcore>, window_params = [{transform_indices = #map}, {transform_indices = #map}, {transform_indices = #map}, {transform_indices = #map}, {transform_indices = #map}]} {
    %mul3A = arith.constant 2 : i32
    %mul3A_0 = arith.muli %arg1, %mul3A : i32
    %add3A = arith.addi %mul3A_0, %arg0 : i32
    %mul3A_1 = arith.constant 40 : i32
    %mul3A_2 = arith.muli %add3A, %mul3A_1 : i32
    %dma_start3A = arith.constant 0 : i32
    %dma_start3A_3 = tpu.memref_slice %arg3[%mul3A_2, %dma_start3A] : memref<1280x256xi32, #tpu.memory_space<hbm>> -> memref<40x256xi32, #tpu.memory_space<hbm>>
    %dma_start3A_4 = arith.constant 0 : i32
    %dma_start3A_5 = tpu.memref_slice %arg3[%mul3A_2, %dma_start3A_4] : memref<1280x256xi32, #tpu.memory_space<hbm>> -> memref<40x256xi32, #tpu.memory_space<hbm>>
    tpu.enqueue_dma source(%dma_start3A_5 : memref<40x256xi32, #tpu.memory_space<hbm>>) target(%arg7 : memref<40x256xi32, #tpu.memory_space<vmem>>) target_semaphore(%arg24 : memref<!tpu.dma_semaphore, #tpu.memory_space<semaphore_mem>>)
    %mul3A_6 = arith.constant 40 : i32
    %mul3A_7 = arith.muli %add3A, %mul3A_6 : i32
    %dma_start3A_8 = arith.constant 0 : i32
    %dma_start3A_9 = tpu.memref_slice %arg4[%mul3A_7, %dma_start3A_8] : memref<1280x256xi32, #tpu.memory_space<hbm>> -> memref<40x256xi32, #tpu.memory_space<hbm>>
    %dma_start3A_10 = arith.constant 0 : i32
    %dma_start3A_11 = tpu.memref_slice %arg4[%mul3A_7, %dma_start3A_10] : memref<1280x256xi32, #tpu.memory_space<hbm>> -> memref<40x256xi32, #tpu.memory_space<hbm>>
    tpu.enqueue_dma source(%dma_start3A_11 : memref<40x256xi32, #tpu.memory_space<hbm>>) target(%arg8 : memref<40x256xi32, #tpu.memory_space<vmem>>) target_semaphore(%arg24 : memref<!tpu.dma_semaphore, #tpu.memory_space<semaphore_mem>>)
    %eq3A = arith.constant 0 : i32
    %eq3A_12 = arith.cmpi eq, %arg0, %eq3A : i32
    %convert_element_type3A = arith.extui %eq3A_12 : i1 to i32
    %cond3A = arith.constant 0 : i32
    %cond3A_13 = arith.cmpi ne, %convert_element_type3A, %cond3A : i32
    scf.if %cond3A_13 {
      %mul3A_75 = arith.constant 640 : i32
      %mul3A_76 = arith.muli %arg1, %mul3A_75 : i32
      %mul3A_77 = arith.constant 640 : i32
      %mul3A_78 = arith.muli %arg1, %mul3A_77 : i32
      "tpu.region"() ({
        %run_scoped3A = tpu.sem_alloc : memref<!tpu.dma_semaphore, #tpu.memory_space<semaphore_mem>>
        %dma_start3A_79 = arith.constant 0 : i32
        %dma_start3A_80 = tpu.memref_slice %arg14[%mul3A_78, %dma_start3A_79] : memref<10240x64xf32, #tpu.memory_space<vmem_shared>> -> memref<640x64xf32, #tpu.memory_space<vmem_shared>>
        %dma_start3A_81 = arith.constant 0 : i32
        %dma_start3A_82 = tpu.memref_slice %arg2[%mul3A_76, %dma_start3A_81] : memref<10240x64xf32, #tpu.memory_space<hbm>> -> memref<640x64xf32, #tpu.memory_space<hbm>>
        tpu.enqueue_dma source(%dma_start3A_82 : memref<640x64xf32, #tpu.memory_space<hbm>>) target(%dma_start3A_80 : memref<640x64xf32, #tpu.memory_space<vmem_shared>>) target_semaphore(%run_scoped3A : memref<!tpu.dma_semaphore, #tpu.memory_space<semaphore_mem>>)
        %dma_wait3A_83 = arith.constant 0 : i32
        %dma_wait3A_84 = tpu.memref_slice %arg14[%mul3A_78, %dma_wait3A_83] : memref<10240x64xf32, #tpu.memory_space<vmem_shared>> -> memref<640x64xf32, #tpu.memory_space<vmem_shared>>
        %dma_wait3A_85 = arith.constant 0 : i32
        %dma_wait3A_86 = tpu.memref_slice %arg2[%mul3A_76, %dma_wait3A_85] : memref<10240x64xf32, #tpu.memory_space<hbm>> -> memref<640x64xf32, #tpu.memory_space<hbm>>
        tpu.wait_dma2 semaphore(%run_scoped3A : memref<!tpu.dma_semaphore, #tpu.memory_space<semaphore_mem>>) src(%dma_wait3A_86 : memref<640x64xf32, #tpu.memory_space<hbm>>) dst(%dma_wait3A_84 : memref<640x64xf32, #tpu.memory_space<vmem_shared>>)
        tpu.yield
      }) : () -> ()
    } else {
    }
    %eq3A_14 = arith.constant 1 : i32
    %eq3A_15 = arith.cmpi eq, %arg0, %eq3A_14 : i32
    %convert_element_type3A_16 = arith.extui %eq3A_15 : i1 to i32
    %cond3A_17 = arith.constant 0 : i32
    %cond3A_18 = arith.cmpi ne, %convert_element_type3A_16, %cond3A_17 : i32
    scf.if %cond3A_18 {
      %scan3A_75 = arith.constant 0 : i32
      %scan3A_76 = arith.constant 0 : i32
      %scan3A_77 = arith.constant 64 : i32
      %scan3A_78 = arith.addi %scan3A_76, %scan3A_77 : i32
      %scan3A_79 = arith.constant 1 : i32
      %scan3A_80 = scf.for %scan3A_89 = %scan3A_76 to %scan3A_78 step %scan3A_79 iter_args(%scan3A_90 = %scan3A_75) -> (i32)  : i32 {
        %broadcast_in_dim3A = arith.constant 0.000000e+00 : f32
        %broadcast_in_dim3A_91 = vector.broadcast %broadcast_in_dim3A : f32 to vector<16xf32>
        %swap3A = arith.index_cast %scan3A_89 : i32 to index
        %swap3A_92 = arith.constant 0 : index
        %swap3A_93 = tpu.vector_load %arg13[%swap3A, %swap3A_92] {strides = array<i32>} : memref<64x64xf32, #tpu.memory_space<vmem>>, vector<1x16xf32>,
        %swap3A_94 = vector.shape_cast %swap3A_93 : vector<1x16xf32> to vector<16xf32>
        %swap3A_95 = vector.shape_cast %broadcast_in_dim3A_91 : vector<16xf32> to vector<1x16xf32>
        tpu.vector_store %arg13[%swap3A, %swap3A_92], %swap3A_95 {strides = array<i32>} : memref<64x64xf32, #tpu.memory_space<vmem>>, vector<1x16xf32>,
        %broadcast_in_dim3A_96 = arith.constant 0.000000e+00 : f32
        %broadcast_in_dim3A_97 = vector.broadcast %broadcast_in_dim3A_96 : f32 to vector<16xf32>
        %swap3A_98 = arith.index_cast %scan3A_89 : i32 to index
        %swap3A_99 = arith.constant 16 : index
        %swap3A_100 = tpu.vector_load %arg13[%swap3A_98, %swap3A_99] {strides = array<i32>} : memref<64x64xf32, #tpu.memory_space<vmem>>, vector<1x16xf32>,
        %swap3A_101 = vector.shape_cast %swap3A_100 : vector<1x16xf32> to vector<16xf32>
        %swap3A_102 = vector.shape_cast %broadcast_in_dim3A_97 : vector<16xf32> to vector<1x16xf32>
        tpu.vector_store %arg13[%swap3A_98, %swap3A_99], %swap3A_102 {strides = array<i32>} : memref<64x64xf32, #tpu.memory_space<vmem>>, vector<1x16xf32>,
        %broadcast_in_dim3A_103 = arith.constant 0.000000e+00 : f32
        %broadcast_in_dim3A_104 = vector.broadcast %broadcast_in_dim3A_103 : f32 to vector<16xf32>
        %swap3A_105 = arith.index_cast %scan3A_89 : i32 to index
        %swap3A_106 = arith.constant 32 : index
        %swap3A_107 = tpu.vector_load %arg13[%swap3A_105, %swap3A_106] {strides = array<i32>} : memref<64x64xf32, #tpu.memory_space<vmem>>, vector<1x16xf32>,
        %swap3A_108 = vector.shape_cast %swap3A_107 : vector<1x16xf32> to vector<16xf32>
        %swap3A_109 = vector.shape_cast %broadcast_in_dim3A_104 : vector<16xf32> to vector<1x16xf32>
        tpu.vector_store %arg13[%swap3A_105, %swap3A_106], %swap3A_109 {strides = array<i32>} : memref<64x64xf32, #tpu.memory_space<vmem>>, vector<1x16xf32>,
        %broadcast_in_dim3A_110 = arith.constant 0.000000e+00 : f32
        %broadcast_in_dim3A_111 = vector.broadcast %broadcast_in_dim3A_110 : f32 to vector<16xf32>
        %swap3A_112 = arith.index_cast %scan3A_89 : i32 to index
        %swap3A_113 = arith.constant 48 : index
        %swap3A_114 = tpu.vector_load %arg13[%swap3A_112, %swap3A_113] {strides = array<i32>} : memref<64x64xf32, #tpu.memory_space<vmem>>, vector<1x16xf32>,
        %swap3A_115 = vector.shape_cast %swap3A_114 : vector<1x16xf32> to vector<16xf32>
        %swap3A_116 = vector.shape_cast %broadcast_in_dim3A_111 : vector<16xf32> to vector<1x16xf32>
        tpu.vector_store %arg13[%swap3A_112, %swap3A_113], %swap3A_116 {strides = array<i32>} : memref<64x64xf32, #tpu.memory_space<vmem>>, vector<1x16xf32>,
        %scan3A_117 = arith.constant 0 : i32
        scf.yield %scan3A_117 : i32
      }
      %scan3A_81 = arith.constant 64 : i32
      %scan3A_82 = arith.constant 0 : i32
      %scan3A_83 = arith.constant 0 : i32
      %scan3A_84 = arith.constant 10 : i32
      %scan3A_85 = arith.addi %scan3A_83, %scan3A_84 : i32
      %scan3A_86 = arith.constant 1 : i32
      %scan3A_87 = scf.for %scan3A_89 = %scan3A_83 to %scan3A_85 step %scan3A_86 iter_args(%scan3A_90 = %scan3A_82) -> (i32)  : i32 {
        %mul3A_91 = arith.constant 640 : i32
        %mul3A_92 = arith.muli %arg1, %mul3A_91 : i32
        %mul3A_93 = arith.constant 64 : i32
        %mul3A_94 = arith.muli %scan3A_89, %mul3A_93 : i32
        %add3A_95 = arith.addi %mul3A_92, %mul3A_94 : i32
        "tpu.region"() ({
          %run_scoped3A = tpu.sem_alloc : memref<!tpu.dma_semaphore, #tpu.memory_space<semaphore_mem>>
          %dma_start3A_97 = arith.constant 0 : i32
          %dma_start3A_98 = tpu.memref_slice %arg14[%add3A_95, %dma_start3A_97] : memref<10240x64xf32, #tpu.memory_space<vmem_shared>> -> memref<64x64xf32, #tpu.memory_space<vmem_shared>>
          %dma_start3A_99 = arith.constant 0 : i32
          %dma_start3A_100 = tpu.memref_slice %arg14[%add3A_95, %dma_start3A_99] : memref<10240x64xf32, #tpu.memory_space<vmem_shared>> -> memref<64x64xf32, #tpu.memory_space<vmem_shared>>
          tpu.enqueue_dma source(%arg13 : memref<64x64xf32, #tpu.memory_space<vmem>>) target(%dma_start3A_100 : memref<64x64xf32, #tpu.memory_space<vmem_shared>>) target_semaphore(%run_scoped3A : memref<!tpu.dma_semaphore, #tpu.memory_space<semaphore_mem>>)
          %dma_wait3A_101 = arith.constant 0 : i32
          %dma_wait3A_102 = tpu.memref_slice %arg14[%add3A_95, %dma_wait3A_101] : memref<10240x64xf32, #tpu.memory_space<vmem_shared>> -> memref<64x64xf32, #tpu.memory_space<vmem_shared>>
          %dma_wait3A_103 = arith.constant 0 : i32
          %dma_wait3A_104 = tpu.memref_slice %arg14[%add3A_95, %dma_wait3A_103] : memref<10240x64xf32, #tpu.memory_space<vmem_shared>> -> memref<64x64xf32, #tpu.memory_space<vmem_shared>>
          tpu.wait_dma2 semaphore(%run_scoped3A : memref<!tpu.dma_semaphore, #tpu.memory_space<semaphore_mem>>) src(%arg13 : memref<64x64xf32, #tpu.memory_space<vmem>>) dst(%dma_wait3A_104 : memref<64x64xf32, #tpu.memory_space<vmem_shared>>)
          tpu.yield
        }) : () -> ()
        %scan3A_96 = arith.constant 0 : i32
        scf.yield %scan3A_96 : i32
      }
      %scan3A_88 = arith.constant 10 : i32
    } else {
    }
    %mul3A_19 = arith.constant 40 : i32
    %mul3A_20 = arith.muli %add3A, %mul3A_19 : i32
    %dma_wait3A = arith.constant 0 : i32
    %dma_wait3A_21 = tpu.memref_slice %arg3[%mul3A_20, %dma_wait3A] : memref<1280x256xi32, #tpu.memory_space<hbm>> -> memref<40x256xi32, #tpu.memory_space<hbm>>
    %dma_wait3A_22 = arith.constant 0 : i32
    %dma_wait3A_23 = tpu.memref_slice %arg3[%mul3A_20, %dma_wait3A_22] : memref<1280x256xi32, #tpu.memory_space<hbm>> -> memref<40x256xi32, #tpu.memory_space<hbm>>
    tpu.wait_dma2 semaphore(%arg24 : memref<!tpu.dma_semaphore, #tpu.memory_space<semaphore_mem>>) src(%dma_wait3A_23 : memref<40x256xi32, #tpu.memory_space<hbm>>) dst(%arg7 : memref<40x256xi32, #tpu.memory_space<vmem>>)
    %mul3A_24 = arith.constant 40 : i32
    %mul3A_25 = arith.muli %add3A, %mul3A_24 : i32
    %dma_wait3A_26 = arith.constant 0 : i32
    %dma_wait3A_27 = tpu.memref_slice %arg4[%mul3A_25, %dma_wait3A_26] : memref<1280x256xi32, #tpu.memory_space<hbm>> -> memref<40x256xi32, #tpu.memory_space<hbm>>
    %dma_wait3A_28 = arith.constant 0 : i32
    %dma_wait3A_29 = tpu.memref_slice %arg4[%mul3A_25, %dma_wait3A_28] : memref<1280x256xi32, #tpu.memory_space<hbm>> -> memref<40x256xi32, #tpu.memory_space<hbm>>
    tpu.wait_dma2 semaphore(%arg24 : memref<!tpu.dma_semaphore, #tpu.memory_space<semaphore_mem>>) src(%dma_wait3A_29 : memref<40x256xi32, #tpu.memory_space<hbm>>) dst(%arg8 : memref<40x256xi32, #tpu.memory_space<vmem>>)
    %barrier3A = arith.constant 0 : index
    tpu.barrier barrier_id(%barrier3A)
    %dma_start3A_30 = arith.constant 0 : i32
    %dma_start3A_31 = arith.constant 0 : i32
    %dma_start3A_32 = tpu.memref_slice %arg7[%dma_start3A_30, %dma_start3A_31] : memref<40x256xi32, #tpu.memory_space<vmem>> -> memref<1x256xi32, #tpu.memory_space<vmem>>
    %dma_start3A_33 = tpu.memref_squeeze %dma_start3A_32 : memref<1x256xi32, #tpu.memory_space<vmem>> -> memref<256xi32, #tpu.memory_space<vmem>>
    %dma_start3A_34 = arith.constant 0 : i32
    %dma_start3A_35 = arith.constant 0 : i32
    %dma_start3A_36 = tpu.memref_slice %arg2[%dma_start3A_34, %dma_start3A_35] : memref<10240x64xf32, #tpu.memory_space<hbm>> -> memref<10240x64xf32, #tpu.memory_space<hbm>>
    tpu.enqueue_indirect_dma source(%dma_start3A_36 : memref<10240x64xf32, #tpu.memory_space<hbm>>) target(%arg9 : memref<256x64xf32, #tpu.memory_space<vmem>>) offsets(%dma_start3A_33 : memref<256xi32, #tpu.memory_space<vmem>>) semaphore(%arg16 : memref<!tpu.dma_semaphore, #tpu.memory_space<semaphore_mem>>)
    %dma_start3A_37 = arith.constant 1 : i32
    %dma_start3A_38 = arith.constant 0 : i32
    %dma_start3A_39 = tpu.memref_slice %arg7[%dma_start3A_37, %dma_start3A_38] : memref<40x256xi32, #tpu.memory_space<vmem>> -> memref<1x256xi32, #tpu.memory_space<vmem>>
    %dma_start3A_40 = tpu.memref_squeeze %dma_start3A_39 : memref<1x256xi32, #tpu.memory_space<vmem>> -> memref<256xi32, #tpu.memory_space<vmem>>
    %dma_start3A_41 = arith.constant 0 : i32
    %dma_start3A_42 = arith.constant 0 : i32
    %dma_start3A_43 = tpu.memref_slice %arg2[%dma_start3A_41, %dma_start3A_42] : memref<10240x64xf32, #tpu.memory_space<hbm>> -> memref<10240x64xf32, #tpu.memory_space<hbm>>
    tpu.enqueue_indirect_dma source(%dma_start3A_43 : memref<10240x64xf32, #tpu.memory_space<hbm>>) target(%arg10 : memref<256x64xf32, #tpu.memory_space<vmem>>) offsets(%dma_start3A_40 : memref<256xi32, #tpu.memory_space<vmem>>) semaphore(%arg17 : memref<!tpu.dma_semaphore, #tpu.memory_space<semaphore_mem>>)
    %dma_start3A_44 = arith.constant 2 : i32
    %dma_start3A_45 = arith.constant 0 : i32
    %dma_start3A_46 = tpu.memref_slice %arg7[%dma_start3A_44, %dma_start3A_45] : memref<40x256xi32, #tpu.memory_space<vmem>> -> memref<1x256xi32, #tpu.memory_space<vmem>>
    %dma_start3A_47 = tpu.memref_squeeze %dma_start3A_46 : memref<1x256xi32, #tpu.memory_space<vmem>> -> memref<256xi32, #tpu.memory_space<vmem>>
    %dma_start3A_48 = arith.constant 0 : i32
    %dma_start3A_49 = arith.constant 0 : i32
    %dma_start3A_50 = tpu.memref_slice %arg2[%dma_start3A_48, %dma_start3A_49] : memref<10240x64xf32, #tpu.memory_space<hbm>> -> memref<10240x64xf32, #tpu.memory_space<hbm>>
    tpu.enqueue_indirect_dma source(%dma_start3A_50 : memref<10240x64xf32, #tpu.memory_space<hbm>>) target(%arg11 : memref<256x64xf32, #tpu.memory_space<vmem>>) offsets(%dma_start3A_47 : memref<256xi32, #tpu.memory_space<vmem>>) semaphore(%arg18 : memref<!tpu.dma_semaphore, #tpu.memory_space<semaphore_mem>>)
    %scan3A = arith.constant 0 : i32
    %scan3A_51 = arith.constant 0 : i32
    %scan3A_52 = arith.constant 10 : i32
    %scan3A_53 = arith.addi %scan3A_51, %scan3A_52 : i32
    %scan3A_54 = arith.constant 1 : i32
    %scan3A_55 = scf.for %scan3A_75 = %scan3A_51 to %scan3A_53 step %scan3A_54 iter_args(%scan3A_76 = %scan3A) -> (i32)  : i32 {
      %mul3A_77 = arith.constant 4 : i32
      %mul3A_78 = arith.muli %mul3A_77, %scan3A_75 : i32
      %add3A_79 = arith.constant 0 : i32
      %add3A_80 = arith.addi %mul3A_78, %add3A_79 : i32
      %ge3A = arith.constant 1 : i32
      %ge3A_81 = arith.cmpi sge, %add3A_80, %ge3A : i32
      %convert_element_type3A_82 = arith.extui %ge3A_81 : i1 to i32
      %cond3A_83 = arith.constant 0 : i32
      %cond3A_84 = arith.cmpi ne, %convert_element_type3A_82, %cond3A_83 : i32
      scf.if %cond3A_84 {
        %sub3A_195 = arith.constant 1 : i32
        %sub3A_196 = arith.subi %add3A_80, %sub3A_195 : i32
        %dma_wait3A_197 = arith.constant 0 : i32
        %dma_wait3A_198 = tpu.memref_slice %arg8[%sub3A_196, %dma_wait3A_197] : memref<40x256xi32, #tpu.memory_space<vmem>> -> memref<1x256xi32, #tpu.memory_space<vmem>>
        %dma_wait3A_199 = tpu.memref_squeeze %dma_wait3A_198 : memref<1x256xi32, #tpu.memory_space<vmem>> -> memref<256xi32, #tpu.memory_space<vmem>>
        %dma_wait3A_200 = arith.constant 0 : i32
        %dma_wait3A_201 = arith.constant 0 : i32
        %dma_wait3A_202 = tpu.memref_slice %arg14[%dma_wait3A_200, %dma_wait3A_201] : memref<10240x64xf32, #tpu.memory_space<vmem_shared>> -> memref<10240x64xf32, #tpu.memory_space<vmem_shared>>
        tpu.wait_indirect_dma semaphore(%arg23 : memref<!tpu.dma_semaphore, #tpu.memory_space<semaphore_mem>>) src(%arg12 : memref<256x64xf32, #tpu.memory_space<vmem>>) dst(%dma_wait3A_202 : memref<10240x64xf32, #tpu.memory_space<vmem_shared>>)
      } else {
      }
      %add3A_85 = arith.constant 4 : i32
      %add3A_86 = arith.addi %add3A_80, %add3A_85 : i32
      %sub3A = arith.constant 1 : i32
      %sub3A_87 = arith.subi %add3A_86, %sub3A : i32
      %lt3A = arith.constant 40 : i32
      %lt3A_88 = arith.cmpi slt, %sub3A_87, %lt3A : i32
      %convert_element_type3A_89 = arith.extui %lt3A_88 : i1 to i32
      %cond3A_90 = arith.constant 0 : i32
      %cond3A_91 = arith.cmpi ne, %convert_element_type3A_89, %cond3A_90 : i32
      scf.if %cond3A_91 {
        %add3A_195 = arith.constant 4 : i32
        %add3A_196 = arith.addi %add3A_80, %add3A_195 : i32
        %sub3A_197 = arith.constant 1 : i32
        %sub3A_198 = arith.subi %add3A_196, %sub3A_197 : i32
        %dma_start3A_199 = arith.constant 0 : i32
        %dma_start3A_200 = tpu.memref_slice %arg7[%sub3A_198, %dma_start3A_199] : memref<40x256xi32, #tpu.memory_space<vmem>> -> memref<1x256xi32, #tpu.memory_space<vmem>>
        %dma_start3A_201 = tpu.memref_squeeze %dma_start3A_200 : memref<1x256xi32, #tpu.memory_space<vmem>> -> memref<256xi32, #tpu.memory_space<vmem>>
        %dma_start3A_202 = arith.constant 0 : i32
        %dma_start3A_203 = arith.constant 0 : i32
        %dma_start3A_204 = tpu.memref_slice %arg2[%dma_start3A_202, %dma_start3A_203] : memref<10240x64xf32, #tpu.memory_space<hbm>> -> memref<10240x64xf32, #tpu.memory_space<hbm>>
        tpu.enqueue_indirect_dma source(%dma_start3A_204 : memref<10240x64xf32, #tpu.memory_space<hbm>>) target(%arg12 : memref<256x64xf32, #tpu.memory_space<vmem>>) offsets(%dma_start3A_201 : memref<256xi32, #tpu.memory_space<vmem>>) semaphore(%arg19 : memref<!tpu.dma_semaphore, #tpu.memory_space<semaphore_mem>>)
      } else {
      }
      %dma_wait3A_92 = arith.constant 0 : i32
      %dma_wait3A_93 = tpu.memref_slice %arg7[%add3A_80, %dma_wait3A_92] : memref<40x256xi32, #tpu.memory_space<vmem>> -> memref<1x256xi32, #tpu.memory_space<vmem>>
      %dma_wait3A_94 = tpu.memref_squeeze %dma_wait3A_93 : memref<1x256xi32, #tpu.memory_space<vmem>> -> memref<256xi32, #tpu.memory_space<vmem>>
      %dma_wait3A_95 = arith.constant 0 : i32
      %dma_wait3A_96 = arith.constant 0 : i32
      %dma_wait3A_97 = tpu.memref_slice %arg2[%dma_wait3A_95, %dma_wait3A_96] : memref<10240x64xf32, #tpu.memory_space<hbm>> -> memref<10240x64xf32, #tpu.memory_space<hbm>>
      tpu.wait_indirect_dma semaphore(%arg16 : memref<!tpu.dma_semaphore, #tpu.memory_space<semaphore_mem>>) src(%dma_wait3A_97 : memref<10240x64xf32, #tpu.memory_space<hbm>>) dst(%arg9 : memref<256x64xf32, #tpu.memory_space<vmem>>)
      %dma_start3A_98 = arith.constant 0 : i32
      %dma_start3A_99 = tpu.memref_slice %arg8[%add3A_80, %dma_start3A_98] : memref<40x256xi32, #tpu.memory_space<vmem>> -> memref<1x256xi32, #tpu.memory_space<vmem>>
      %dma_start3A_100 = tpu.memref_squeeze %dma_start3A_99 : memref<1x256xi32, #tpu.memory_space<vmem>> -> memref<256xi32, #tpu.memory_space<vmem>>
      %dma_start3A_101 = arith.constant 0 : i32
      %dma_start3A_102 = arith.constant 0 : i32
      %dma_start3A_103 = tpu.memref_slice %arg14[%dma_start3A_101, %dma_start3A_102] : memref<10240x64xf32, #tpu.memory_space<vmem_shared>> -> memref<10240x64xf32, #tpu.memory_space<vmem_shared>>
      tpu.enqueue_indirect_dma source(%arg9 : memref<256x64xf32, #tpu.memory_space<vmem>>) target(%dma_start3A_103 : memref<10240x64xf32, #tpu.memory_space<vmem_shared>>) offsets(%dma_start3A_100 : memref<256xi32, #tpu.memory_space<vmem>>) semaphore(%arg20 : memref<!tpu.dma_semaphore, #tpu.memory_space<semaphore_mem>>) {add = true}
      %mul3A_104 = arith.constant 4 : i32
      %mul3A_105 = arith.muli %mul3A_104, %scan3A_75 : i32
      %add3A_106 = arith.constant 1 : i32
      %add3A_107 = arith.addi %mul3A_105, %add3A_106 : i32
      %ge3A_108 = arith.constant 1 : i32
      %ge3A_109 = arith.cmpi sge, %add3A_107, %ge3A_108 : i32
      %convert_element_type3A_110 = arith.extui %ge3A_109 : i1 to i32
      %cond3A_111 = arith.constant 0 : i32
      %cond3A_112 = arith.cmpi ne, %convert_element_type3A_110, %cond3A_111 : i32
      scf.if %cond3A_112 {
        %sub3A_195 = arith.constant 1 : i32
        %sub3A_196 = arith.subi %add3A_107, %sub3A_195 : i32
        %dma_wait3A_197 = arith.constant 0 : i32
        %dma_wait3A_198 = tpu.memref_slice %arg8[%sub3A_196, %dma_wait3A_197] : memref<40x256xi32, #tpu.memory_space<vmem>> -> memref<1x256xi32, #tpu.memory_space<vmem>>
        %dma_wait3A_199 = tpu.memref_squeeze %dma_wait3A_198 : memref<1x256xi32, #tpu.memory_space<vmem>> -> memref<256xi32, #tpu.memory_space<vmem>>
        %dma_wait3A_200 = arith.constant 0 : i32
        %dma_wait3A_201 = arith.constant 0 : i32
        %dma_wait3A_202 = tpu.memref_slice %arg14[%dma_wait3A_200, %dma_wait3A_201] : memref<10240x64xf32, #tpu.memory_space<vmem_shared>> -> memref<10240x64xf32, #tpu.memory_space<vmem_shared>>
        tpu.wait_indirect_dma semaphore(%arg20 : memref<!tpu.dma_semaphore, #tpu.memory_space<semaphore_mem>>) src(%arg9 : memref<256x64xf32, #tpu.memory_space<vmem>>) dst(%dma_wait3A_202 : memref<10240x64xf32, #tpu.memory_space<vmem_shared>>)
      } else {
      }
      %add3A_113 = arith.constant 4 : i32
      %add3A_114 = arith.addi %add3A_107, %add3A_113 : i32
      %sub3A_115 = arith.constant 1 : i32
      %sub3A_116 = arith.subi %add3A_114, %sub3A_115 : i32
      %lt3A_117 = arith.constant 40 : i32
      %lt3A_118 = arith.cmpi slt, %sub3A_116, %lt3A_117 : i32
      %convert_element_type3A_119 = arith.extui %lt3A_118 : i1 to i32
      %cond3A_120 = arith.constant 0 : i32
      %cond3A_121 = arith.cmpi ne, %convert_element_type3A_119, %cond3A_120 : i32
      scf.if %cond3A_121 {
        %add3A_195 = arith.constant 4 : i32
        %add3A_196 = arith.addi %add3A_107, %add3A_195 : i32
        %sub3A_197 = arith.constant 1 : i32
        %sub3A_198 = arith.subi %add3A_196, %sub3A_197 : i32
        %dma_start3A_199 = arith.constant 0 : i32
        %dma_start3A_200 = tpu.memref_slice %arg7[%sub3A_198, %dma_start3A_199] : memref<40x256xi32, #tpu.memory_space<vmem>> -> memref<1x256xi32, #tpu.memory_space<vmem>>
        %dma_start3A_201 = tpu.memref_squeeze %dma_start3A_200 : memref<1x256xi32, #tpu.memory_space<vmem>> -> memref<256xi32, #tpu.memory_space<vmem>>
        %dma_start3A_202 = arith.constant 0 : i32
        %dma_start3A_203 = arith.constant 0 : i32
        %dma_start3A_204 = tpu.memref_slice %arg2[%dma_start3A_202, %dma_start3A_203] : memref<10240x64xf32, #tpu.memory_space<hbm>> -> memref<10240x64xf32, #tpu.memory_space<hbm>>
        tpu.enqueue_indirect_dma source(%dma_start3A_204 : memref<10240x64xf32, #tpu.memory_space<hbm>>) target(%arg9 : memref<256x64xf32, #tpu.memory_space<vmem>>) offsets(%dma_start3A_201 : memref<256xi32, #tpu.memory_space<vmem>>) semaphore(%arg16 : memref<!tpu.dma_semaphore, #tpu.memory_space<semaphore_mem>>)
      } else {
      }
      %dma_wait3A_122 = arith.constant 0 : i32
      %dma_wait3A_123 = tpu.memref_slice %arg7[%add3A_107, %dma_wait3A_122] : memref<40x256xi32, #tpu.memory_space<vmem>> -> memref<1x256xi32, #tpu.memory_space<vmem>>
      %dma_wait3A_124 = tpu.memref_squeeze %dma_wait3A_123 : memref<1x256xi32, #tpu.memory_space<vmem>> -> memref<256xi32, #tpu.memory_space<vmem>>
      %dma_wait3A_125 = arith.constant 0 : i32
      %dma_wait3A_126 = arith.constant 0 : i32
      %dma_wait3A_127 = tpu.memref_slice %arg2[%dma_wait3A_125, %dma_wait3A_126] : memref<10240x64xf32, #tpu.memory_space<hbm>> -> memref<10240x64xf32, #tpu.memory_space<hbm>>
      tpu.wait_indirect_dma semaphore(%arg17 : memref<!tpu.dma_semaphore, #tpu.memory_space<semaphore_mem>>) src(%dma_wait3A_127 : memref<10240x64xf32, #tpu.memory_space<hbm>>) dst(%arg10 : memref<256x64xf32, #tpu.memory_space<vmem>>)
      %dma_start3A_128 = arith.constant 0 : i32
      %dma_start3A_129 = tpu.memref_slice %arg8[%add3A_107, %dma_start3A_128] : memref<40x256xi32, #tpu.memory_space<vmem>> -> memref<1x256xi32, #tpu.memory_space<vmem>>
      %dma_start3A_130 = tpu.memref_squeeze %dma_start3A_129 : memref<1x256xi32, #tpu.memory_space<vmem>> -> memref<256xi32, #tpu.memory_space<vmem>>
      %dma_start3A_131 = arith.constant 0 : i32
      %dma_start3A_132 = arith.constant 0 : i32
      %dma_start3A_133 = tpu.memref_slice %arg14[%dma_start3A_131, %dma_start3A_132] : memref<10240x64xf32, #tpu.memory_space<vmem_shared>> -> memref<10240x64xf32, #tpu.memory_space<vmem_shared>>
      tpu.enqueue_indirect_dma source(%arg10 : memref<256x64xf32, #tpu.memory_space<vmem>>) target(%dma_start3A_133 : memref<10240x64xf32, #tpu.memory_space<vmem_shared>>) offsets(%dma_start3A_130 : memref<256xi32, #tpu.memory_space<vmem>>) semaphore(%arg21 : memref<!tpu.dma_semaphore, #tpu.memory_space<semaphore_mem>>) {add = true}
      %mul3A_134 = arith.constant 4 : i32
      %mul3A_135 = arith.muli %mul3A_134, %scan3A_75 : i32
      %add3A_136 = arith.constant 2 : i32
      %add3A_137 = arith.addi %mul3A_135, %add3A_136 : i32
      %ge3A_138 = arith.constant 1 : i32
      %ge3A_139 = arith.cmpi sge, %add3A_137, %ge3A_138 : i32
      %convert_element_type3A_140 = arith.extui %ge3A_139 : i1 to i32
      %cond3A_141 = arith.constant 0 : i32
      %cond3A_142 = arith.cmpi ne, %convert_element_type3A_140, %cond3A_141 : i32
      scf.if %cond3A_142 {
        %sub3A_195 = arith.constant 1 : i32
        %sub3A_196 = arith.subi %add3A_137, %sub3A_195 : i32
        %dma_wait3A_197 = arith.constant 0 : i32
        %dma_wait3A_198 = tpu.memref_slice %arg8[%sub3A_196, %dma_wait3A_197] : memref<40x256xi32, #tpu.memory_space<vmem>> -> memref<1x256xi32, #tpu.memory_space<vmem>>
        %dma_wait3A_199 = tpu.memref_squeeze %dma_wait3A_198 : memref<1x256xi32, #tpu.memory_space<vmem>> -> memref<256xi32, #tpu.memory_space<vmem>>
        %dma_wait3A_200 = arith.constant 0 : i32
        %dma_wait3A_201 = arith.constant 0 : i32
        %dma_wait3A_202 = tpu.memref_slice %arg14[%dma_wait3A_200, %dma_wait3A_201] : memref<10240x64xf32, #tpu.memory_space<vmem_shared>> -> memref<10240x64xf32, #tpu.memory_space<vmem_shared>>
        tpu.wait_indirect_dma semaphore(%arg21 : memref<!tpu.dma_semaphore, #tpu.memory_space<semaphore_mem>>) src(%arg10 : memref<256x64xf32, #tpu.memory_space<vmem>>) dst(%dma_wait3A_202 : memref<10240x64xf32, #tpu.memory_space<vmem_shared>>)
      } else {
      }
      %add3A_143 = arith.constant 4 : i32
      %add3A_144 = arith.addi %add3A_137, %add3A_143 : i32
      %sub3A_145 = arith.constant 1 : i32
      %sub3A_146 = arith.subi %add3A_144, %sub3A_145 : i32
      %lt3A_147 = arith.constant 40 : i32
      %lt3A_148 = arith.cmpi slt, %sub3A_146, %lt3A_147 : i32
      %convert_element_type3A_149 = arith.extui %lt3A_148 : i1 to i32
      %cond3A_150 = arith.constant 0 : i32
      %cond3A_151 = arith.cmpi ne, %convert_element_type3A_149, %cond3A_150 : i32
      scf.if %cond3A_151 {
        %add3A_195 = arith.constant 4 : i32
        %add3A_196 = arith.addi %add3A_137, %add3A_195 : i32
        %sub3A_197 = arith.constant 1 : i32
        %sub3A_198 = arith.subi %add3A_196, %sub3A_197 : i32
        %dma_start3A_199 = arith.constant 0 : i32
        %dma_start3A_200 = tpu.memref_slice %arg7[%sub3A_198, %dma_start3A_199] : memref<40x256xi32, #tpu.memory_space<vmem>> -> memref<1x256xi32, #tpu.memory_space<vmem>>
        %dma_start3A_201 = tpu.memref_squeeze %dma_start3A_200 : memref<1x256xi32, #tpu.memory_space<vmem>> -> memref<256xi32, #tpu.memory_space<vmem>>
        %dma_start3A_202 = arith.constant 0 : i32
        %dma_start3A_203 = arith.constant 0 : i32
        %dma_start3A_204 = tpu.memref_slice %arg2[%dma_start3A_202, %dma_start3A_203] : memref<10240x64xf32, #tpu.memory_space<hbm>> -> memref<10240x64xf32, #tpu.memory_space<hbm>>
        tpu.enqueue_indirect_dma source(%dma_start3A_204 : memref<10240x64xf32, #tpu.memory_space<hbm>>) target(%arg10 : memref<256x64xf32, #tpu.memory_space<vmem>>) offsets(%dma_start3A_201 : memref<256xi32, #tpu.memory_space<vmem>>) semaphore(%arg17 : memref<!tpu.dma_semaphore, #tpu.memory_space<semaphore_mem>>)
      } else {
      }
      %dma_wait3A_152 = arith.constant 0 : i32
      %dma_wait3A_153 = tpu.memref_slice %arg7[%add3A_137, %dma_wait3A_152] : memref<40x256xi32, #tpu.memory_space<vmem>> -> memref<1x256xi32, #tpu.memory_space<vmem>>
      %dma_wait3A_154 = tpu.memref_squeeze %dma_wait3A_153 : memref<1x256xi32, #tpu.memory_space<vmem>> -> memref<256xi32, #tpu.memory_space<vmem>>
      %dma_wait3A_155 = arith.constant 0 : i32
      %dma_wait3A_156 = arith.constant 0 : i32
      %dma_wait3A_157 = tpu.memref_slice %arg2[%dma_wait3A_155, %dma_wait3A_156] : memref<10240x64xf32, #tpu.memory_space<hbm>> -> memref<10240x64xf32, #tpu.memory_space<hbm>>
      tpu.wait_indirect_dma semaphore(%arg18 : memref<!tpu.dma_semaphore, #tpu.memory_space<semaphore_mem>>) src(%dma_wait3A_157 : memref<10240x64xf32, #tpu.memory_space<hbm>>) dst(%arg11 : memref<256x64xf32, #tpu.memory_space<vmem>>)
      %dma_start3A_158 = arith.constant 0 : i32
      %dma_start3A_159 = tpu.memref_slice %arg8[%add3A_137, %dma_start3A_158] : memref<40x256xi32, #tpu.memory_space<vmem>> -> memref<1x256xi32, #tpu.memory_space<vmem>>
      %dma_start3A_160 = tpu.memref_squeeze %dma_start3A_159 : memref<1x256xi32, #tpu.memory_space<vmem>> -> memref<256xi32, #tpu.memory_space<vmem>>
      %dma_start3A_161 = arith.constant 0 : i32
      %dma_start3A_162 = arith.constant 0 : i32
      %dma_start3A_163 = tpu.memref_slice %arg14[%dma_start3A_161, %dma_start3A_162] : memref<10240x64xf32, #tpu.memory_space<vmem_shared>> -> memref<10240x64xf32, #tpu.memory_space<vmem_shared>>
      tpu.enqueue_indirect_dma source(%arg11 : memref<256x64xf32, #tpu.memory_space<vmem>>) target(%dma_start3A_163 : memref<10240x64xf32, #tpu.memory_space<vmem_shared>>) offsets(%dma_start3A_160 : memref<256xi32, #tpu.memory_space<vmem>>) semaphore(%arg22 : memref<!tpu.dma_semaphore, #tpu.memory_space<semaphore_mem>>) {add = true}
      %mul3A_164 = arith.constant 4 : i32
      %mul3A_165 = arith.muli %mul3A_164, %scan3A_75 : i32
      %add3A_166 = arith.constant 3 : i32
      %add3A_167 = arith.addi %mul3A_165, %add3A_166 : i32
      %ge3A_168 = arith.constant 1 : i32
      %ge3A_169 = arith.cmpi sge, %add3A_167, %ge3A_168 : i32
      %convert_element_type3A_170 = arith.extui %ge3A_169 : i1 to i32
      %cond3A_171 = arith.constant 0 : i32
      %cond3A_172 = arith.cmpi ne, %convert_element_type3A_170, %cond3A_171 : i32
      scf.if %cond3A_172 {
        %sub3A_195 = arith.constant 1 : i32
        %sub3A_196 = arith.subi %add3A_167, %sub3A_195 : i32
        %dma_wait3A_197 = arith.constant 0 : i32
        %dma_wait3A_198 = tpu.memref_slice %arg8[%sub3A_196, %dma_wait3A_197] : memref<40x256xi32, #tpu.memory_space<vmem>> -> memref<1x256xi32, #tpu.memory_space<vmem>>
        %dma_wait3A_199 = tpu.memref_squeeze %dma_wait3A_198 : memref<1x256xi32, #tpu.memory_space<vmem>> -> memref<256xi32, #tpu.memory_space<vmem>>
        %dma_wait3A_200 = arith.constant 0 : i32
        %dma_wait3A_201 = arith.constant 0 : i32
        %dma_wait3A_202 = tpu.memref_slice %arg14[%dma_wait3A_200, %dma_wait3A_201] : memref<10240x64xf32, #tpu.memory_space<vmem_shared>> -> memref<10240x64xf32, #tpu.memory_space<vmem_shared>>
        tpu.wait_indirect_dma semaphore(%arg22 : memref<!tpu.dma_semaphore, #tpu.memory_space<semaphore_mem>>) src(%arg11 : memref<256x64xf32, #tpu.memory_space<vmem>>) dst(%dma_wait3A_202 : memref<10240x64xf32, #tpu.memory_space<vmem_shared>>)
      } else {
      }
      %add3A_173 = arith.constant 4 : i32
      %add3A_174 = arith.addi %add3A_167, %add3A_173 : i32
      %sub3A_175 = arith.constant 1 : i32
      %sub3A_176 = arith.subi %add3A_174, %sub3A_175 : i32
      %lt3A_177 = arith.constant 40 : i32
      %lt3A_178 = arith.cmpi slt, %sub3A_176, %lt3A_177 : i32
      %convert_element_type3A_179 = arith.extui %lt3A_178 : i1 to i32
      %cond3A_180 = arith.constant 0 : i32
      %cond3A_181 = arith.cmpi ne, %convert_element_type3A_179, %cond3A_180 : i32
      scf.if %cond3A_181 {
        %add3A_195 = arith.constant 4 : i32
        %add3A_196 = arith.addi %add3A_167, %add3A_195 : i32
        %sub3A_197 = arith.constant 1 : i32
        %sub3A_198 = arith.subi %add3A_196, %sub3A_197 : i32
        %dma_start3A_199 = arith.constant 0 : i32
        %dma_start3A_200 = tpu.memref_slice %arg7[%sub3A_198, %dma_start3A_199] : memref<40x256xi32, #tpu.memory_space<vmem>> -> memref<1x256xi32, #tpu.memory_space<vmem>>
        %dma_start3A_201 = tpu.memref_squeeze %dma_start3A_200 : memref<1x256xi32, #tpu.memory_space<vmem>> -> memref<256xi32, #tpu.memory_space<vmem>>
        %dma_start3A_202 = arith.constant 0 : i32
        %dma_start3A_203 = arith.constant 0 : i32
        %dma_start3A_204 = tpu.memref_slice %arg2[%dma_start3A_202, %dma_start3A_203] : memref<10240x64xf32, #tpu.memory_space<hbm>> -> memref<10240x64xf32, #tpu.memory_space<hbm>>
        tpu.enqueue_indirect_dma source(%dma_start3A_204 : memref<10240x64xf32, #tpu.memory_space<hbm>>) target(%arg11 : memref<256x64xf32, #tpu.memory_space<vmem>>) offsets(%dma_start3A_201 : memref<256xi32, #tpu.memory_space<vmem>>) semaphore(%arg18 : memref<!tpu.dma_semaphore, #tpu.memory_space<semaphore_mem>>)
      } else {
      }
      %dma_wait3A_182 = arith.constant 0 : i32
      %dma_wait3A_183 = tpu.memref_slice %arg7[%add3A_167, %dma_wait3A_182] : memref<40x256xi32, #tpu.memory_space<vmem>> -> memref<1x256xi32, #tpu.memory_space<vmem>>
      %dma_wait3A_184 = tpu.memref_squeeze %dma_wait3A_183 : memref<1x256xi32, #tpu.memory_space<vmem>> -> memref<256xi32, #tpu.memory_space<vmem>>
      %dma_wait3A_185 = arith.constant 0 : i32
      %dma_wait3A_186 = arith.constant 0 : i32
      %dma_wait3A_187 = tpu.memref_slice %arg2[%dma_wait3A_185, %dma_wait3A_186] : memref<10240x64xf32, #tpu.memory_space<hbm>> -> memref<10240x64xf32, #tpu.memory_space<hbm>>
      tpu.wait_indirect_dma semaphore(%arg19 : memref<!tpu.dma_semaphore, #tpu.memory_space<semaphore_mem>>) src(%dma_wait3A_187 : memref<10240x64xf32, #tpu.memory_space<hbm>>) dst(%arg12 : memref<256x64xf32, #tpu.memory_space<vmem>>)
      %dma_start3A_188 = arith.constant 0 : i32
      %dma_start3A_189 = tpu.memref_slice %arg8[%add3A_167, %dma_start3A_188] : memref<40x256xi32, #tpu.memory_space<vmem>> -> memref<1x256xi32, #tpu.memory_space<vmem>>
      %dma_start3A_190 = tpu.memref_squeeze %dma_start3A_189 : memref<1x256xi32, #tpu.memory_space<vmem>> -> memref<256xi32, #tpu.memory_space<vmem>>
      %dma_start3A_191 = arith.constant 0 : i32
      %dma_start3A_192 = arith.constant 0 : i32
      %dma_start3A_193 = tpu.memref_slice %arg14[%dma_start3A_191, %dma_start3A_192] : memref<10240x64xf32, #tpu.memory_space<vmem_shared>> -> memref<10240x64xf32, #tpu.memory_space<vmem_shared>>
      tpu.enqueue_indirect_dma source(%arg12 : memref<256x64xf32, #tpu.memory_space<vmem>>) target(%dma_start3A_193 : memref<10240x64xf32, #tpu.memory_space<vmem_shared>>) offsets(%dma_start3A_190 : memref<256xi32, #tpu.memory_space<vmem>>) semaphore(%arg23 : memref<!tpu.dma_semaphore, #tpu.memory_space<semaphore_mem>>) {add = true}
      %scan3A_194 = arith.constant 0 : i32
      scf.yield %scan3A_194 : i32
    }
    %scan3A_56 = arith.constant 10 : i32
    %dma_wait3A_57 = arith.constant 39 : i32
    %dma_wait3A_58 = arith.constant 0 : i32
    %dma_wait3A_59 = tpu.memref_slice %arg8[%dma_wait3A_57, %dma_wait3A_58] : memref<40x256xi32, #tpu.memory_space<vmem>> -> memref<1x256xi32, #tpu.memory_space<vmem>>
    %dma_wait3A_60 = tpu.memref_squeeze %dma_wait3A_59 : memref<1x256xi32, #tpu.memory_space<vmem>> -> memref<256xi32, #tpu.memory_space<vmem>>
    %dma_wait3A_61 = arith.constant 0 : i32
    %dma_wait3A_62 = arith.constant 0 : i32
    %dma_wait3A_63 = tpu.memref_slice %arg14[%dma_wait3A_61, %dma_wait3A_62] : memref<10240x64xf32, #tpu.memory_space<vmem_shared>> -> memref<10240x64xf32, #tpu.memory_space<vmem_shared>>
    tpu.wait_indirect_dma semaphore(%arg23 : memref<!tpu.dma_semaphore, #tpu.memory_space<semaphore_mem>>) src(%arg12 : memref<256x64xf32, #tpu.memory_space<vmem>>) dst(%dma_wait3A_63 : memref<10240x64xf32, #tpu.memory_space<vmem_shared>>)
    %barrier3A_64 = arith.constant 0 : index
    tpu.barrier barrier_id(%barrier3A_64)
    %eq3A_65 = arith.constant 0 : i32
    %eq3A_66 = arith.cmpi eq, %arg0, %eq3A_65 : i32
    %convert_element_type3A_67 = arith.extui %eq3A_66 : i1 to i32
    %cond3A_68 = arith.constant 0 : i32
    %cond3A_69 = arith.cmpi ne, %convert_element_type3A_67, %cond3A_68 : i32
    scf.if %cond3A_69 {
      %mul3A_75 = arith.constant 640 : i32
      %mul3A_76 = arith.muli %arg1, %mul3A_75 : i32
      %mul3A_77 = arith.constant 640 : i32
      %mul3A_78 = arith.muli %arg1, %mul3A_77 : i32
      "tpu.region"() ({
        %run_scoped3A = tpu.sem_alloc : memref<!tpu.dma_semaphore, #tpu.memory_space<semaphore_mem>>
        %dma_start3A_79 = arith.constant 0 : i32
        %dma_start3A_80 = tpu.memref_slice %arg5[%mul3A_78, %dma_start3A_79] : memref<10240x64xf32, #tpu.memory_space<hbm>> -> memref<640x64xf32, #tpu.memory_space<hbm>>
        %dma_start3A_81 = arith.constant 0 : i32
        %dma_start3A_82 = tpu.memref_slice %arg14[%mul3A_76, %dma_start3A_81] : memref<10240x64xf32, #tpu.memory_space<vmem_shared>> -> memref<640x64xf32, #tpu.memory_space<vmem_shared>>
        tpu.enqueue_dma source(%dma_start3A_82 : memref<640x64xf32, #tpu.memory_space<vmem_shared>>) target(%dma_start3A_80 : memref<640x64xf32, #tpu.memory_space<hbm>>) target_semaphore(%run_scoped3A : memref<!tpu.dma_semaphore, #tpu.memory_space<semaphore_mem>>)
        %dma_wait3A_83 = arith.constant 0 : i32
        %dma_wait3A_84 = tpu.memref_slice %arg5[%mul3A_78, %dma_wait3A_83] : memref<10240x64xf32, #tpu.memory_space<hbm>> -> memref<640x64xf32, #tpu.memory_space<hbm>>
        %dma_wait3A_85 = arith.constant 0 : i32
        %dma_wait3A_86 = tpu.memref_slice %arg14[%mul3A_76, %dma_wait3A_85] : memref<10240x64xf32, #tpu.memory_space<vmem_shared>> -> memref<640x64xf32, #tpu.memory_space<vmem_shared>>
        tpu.wait_dma2 semaphore(%run_scoped3A : memref<!tpu.dma_semaphore, #tpu.memory_space<semaphore_mem>>) src(%dma_wait3A_86 : memref<640x64xf32, #tpu.memory_space<vmem_shared>>) dst(%dma_wait3A_84 : memref<640x64xf32, #tpu.memory_space<hbm>>)
        tpu.yield
      }) : () -> ()
    } else {
    }
    %eq3A_70 = arith.constant 1 : i32
    %eq3A_71 = arith.cmpi eq, %arg0, %eq3A_70 : i32
    %convert_element_type3A_72 = arith.extui %eq3A_71 : i1 to i32
    %cond3A_73 = arith.constant 0 : i32
    %cond3A_74 = arith.cmpi ne, %convert_element_type3A_72, %cond3A_73 : i32
    scf.if %cond3A_74 {
      %mul3A_75 = arith.constant 640 : i32
      %mul3A_76 = arith.muli %arg1, %mul3A_75 : i32
      %mul3A_77 = arith.constant 640 : i32
      %mul3A_78 = arith.muli %arg1, %mul3A_77 : i32
      "tpu.region"() ({
        %run_scoped3A = tpu.sem_alloc : memref<!tpu.dma_semaphore, #tpu.memory_space<semaphore_mem>>
        %dma_start3A_79 = arith.constant 0 : i32
        %dma_start3A_80 = tpu.memref_slice %arg6[%mul3A_78, %dma_start3A_79] : memref<10240x64xf32, #tpu.memory_space<hbm>> -> memref<640x64xf32, #tpu.memory_space<hbm>>
        %dma_start3A_81 = arith.constant 0 : i32
        %dma_start3A_82 = tpu.memref_slice %arg14[%mul3A_76, %dma_start3A_81] : memref<10240x64xf32, #tpu.memory_space<vmem_shared>> -> memref<640x64xf32, #tpu.memory_space<vmem_shared>>
        tpu.enqueue_dma source(%dma_start3A_82 : memref<640x64xf32, #tpu.memory_space<vmem_shared>>) target(%dma_start3A_80 : memref<640x64xf32, #tpu.memory_space<hbm>>) target_semaphore(%run_scoped3A : memref<!tpu.dma_semaphore, #tpu.memory_space<semaphore_mem>>)
        %dma_wait3A_83 = arith.constant 0 : i32
        %dma_wait3A_84 = tpu.memref_slice %arg6[%mul3A_78, %dma_wait3A_83] : memref<10240x64xf32, #tpu.memory_space<hbm>> -> memref<640x64xf32, #tpu.memory_space<hbm>>
        %dma_wait3A_85 = arith.constant 0 : i32
        %dma_wait3A_86 = tpu.memref_slice %arg14[%mul3A_76, %dma_wait3A_85] : memref<10240x64xf32, #tpu.memory_space<vmem_shared>> -> memref<640x64xf32, #tpu.memory_space<vmem_shared>>
        tpu.wait_dma2 semaphore(%run_scoped3A : memref<!tpu.dma_semaphore, #tpu.memory_space<semaphore_mem>>) src(%dma_wait3A_86 : memref<640x64xf32, #tpu.memory_space<vmem_shared>>) dst(%dma_wait3A_84 : memref<640x64xf32, #tpu.memory_space<hbm>>)
        tpu.yield
      }) : () -> ()
    } else {
    }
    return
  }
}

module attributes {stable_mosaic.version = 14 : i64} {
  func.func @_tc0_body(%arg0: i32, %arg1: memref<2000x128xf32, #tpu.memory_space<vmem>>, %arg2: memref<128x64xf32, #tpu.memory_space<vmem>>, %arg3: memref<2000x64xf32, #tpu.memory_space<vmem>>) attributes {dimension_semantics = [#tpu.dimension_semantics<arbitrary>], iteration_bounds = array<i64: 5>, scalar_prefetch = 0 : i64, scratch_operands = 0 : i64, tpu.core_type = #tpu.core_type<tc>, window_params = [{transform_indices = @transform_0, window_bounds = array<i64: 2000, 128>}, {pipeline_mode = #tpu.pipeline_mode<synchronous>, transform_indices = @transform_1, window_bounds = array<i64: 128, 64>}, {transform_indices = @transform_2, window_bounds = array<i64: 2000, 64>}]} {
    %get3A = arith.constant 0 : index
    %get3A_0 = arith.constant 0 : index
    %get3A_1 = vector.load %arg1[%get3A, %get3A_0] : memref<2000x128xf32, #tpu.memory_space<vmem>>, vector<2000x128xf32>
    %get3A_2 = arith.constant 0 : index
    %get3A_3 = arith.constant 0 : index
    %get3A_4 = vector.load %arg2[%get3A_2, %get3A_3] : memref<128x64xf32, #tpu.memory_space<vmem>>, vector<128x64xf32>
    %dot_general3A = arith.constant dense<0.000000e+00> : vector<2000x64xf32>
    %dot_general3A_5 = tpu.matmul %get3A_1, %get3A_4, %dot_general3A {dimension_numbers = #tpu.dot_dimension_numbers<[1], [0], [0], [1], [0, 0, 1, 1], [], []>, transpose_lhs_hint = false} : vector<2000x128xf32>, vector<128x64xf32>, vector<2000x64xf32> -> vector<2000x64xf32>
    %swap3A = arith.constant 0 : index
    %swap3A_6 = arith.constant 0 : index
    %swap3A_7 = vector.load %arg3[%swap3A, %swap3A_6] : memref<2000x64xf32, #tpu.memory_space<vmem>>, vector<2000x64xf32>
    tpu.vector_store %arg3[%swap3A, %swap3A_6], %dot_general3A_5 {strides = array<i32>} : memref<2000x64xf32, #tpu.memory_space<vmem>>, vector<2000x64xf32>,
    return
  }
  func.func @transform_0(%arg0: i32) -> (i32, i32) {
    %c0_i32 = arith.constant 0 : i32
    %c0_i32_0 = arith.constant 0 : i32
    return %arg0, %c0_i32 : i32, i32
  }
  func.func @transform_1(%arg0: i32) -> (i32, i32) {
    %c0_i32 = arith.constant 0 : i32
    %c0_i32_0 = arith.constant 0 : i32
    %c0_i32_1 = arith.constant 0 : i32
    return %c0_i32, %c0_i32_0 : i32, i32
  }
  func.func @transform_2(%arg0: i32) -> (i32, i32) {
    %c0_i32 = arith.constant 0 : i32
    %c0_i32_0 = arith.constant 0 : i32
    return %arg0, %c0_i32 : i32, i32
  }
}

module attributes {stable_mosaic.version = 14 : i64} {
  func.func @_tc1_body(%arg0: i32, %arg1: memref<2000x64xf32, #tpu.memory_space<vmem>>, %arg2: memref<2000x64xf32, #tpu.memory_space<vmem>>, %arg3: memref<2000x64xf32, #tpu.memory_space<vmem>>) attributes {dimension_semantics = [#tpu.dimension_semantics<arbitrary>], iteration_bounds = array<i64: 5>, scalar_prefetch = 0 : i64, scratch_operands = 0 : i64, tpu.core_type = #tpu.core_type<tc>, window_params = [{transform_indices = @transform_0, window_bounds = array<i64: 2000, 64>}, {transform_indices = @transform_1, window_bounds = array<i64: 2000, 64>}, {transform_indices = @transform_2, window_bounds = array<i64: 2000, 64>}]} {
    %get3A = arith.constant 0 : index
    %get3A_0 = arith.constant 0 : index
    %get3A_1 = vector.load %arg2[%get3A, %get3A_0] : memref<2000x64xf32, #tpu.memory_space<vmem>>, vector<2000x64xf32>
    %add3A = arith.constant 1.000000e+00 : f32
    %add3A_2 = vector.broadcast %add3A : f32 to vector<2000x64xf32>
    %add3A_3 = arith.addf %get3A_1, %add3A_2 : vector<2000x64xf32>
    %rsqrt3A = math.rsqrt %add3A_3 : vector<2000x64xf32>
    %get3A_4 = arith.constant 0 : index
    %get3A_5 = arith.constant 0 : index
    %get3A_6 = vector.load %arg1[%get3A_4, %get3A_5] : memref<2000x64xf32, #tpu.memory_space<vmem>>, vector<2000x64xf32>
    %mul3A = arith.mulf %rsqrt3A, %get3A_6 : vector<2000x64xf32>
    %swap3A = arith.constant 0 : index
    %swap3A_7 = arith.constant 0 : index
    %swap3A_8 = vector.load %arg3[%swap3A, %swap3A_7] : memref<2000x64xf32, #tpu.memory_space<vmem>>, vector<2000x64xf32>
    tpu.vector_store %arg3[%swap3A, %swap3A_7], %mul3A {strides = array<i32>} : memref<2000x64xf32, #tpu.memory_space<vmem>>, vector<2000x64xf32>,
    return
  }
  func.func @transform_0(%arg0: i32) -> (i32, i32) {
    %c0_i32 = arith.constant 0 : i32
    %c0_i32_0 = arith.constant 0 : i32
    return %arg0, %c0_i32 : i32, i32
  }
  func.func @transform_1(%arg0: i32) -> (i32, i32) {
    %c0_i32 = arith.constant 0 : i32
    %c0_i32_0 = arith.constant 0 : i32
    return %arg0, %c0_i32 : i32, i32
  }
  func.func @transform_2(%arg0: i32) -> (i32, i32) {
    %c0_i32 = arith.constant 0 : i32
    %c0_i32_0 = arith.constant 0 : i32
    return %arg0, %c0_i32 : i32, i32
  }
}

module attributes {stable_mosaic.version = 14 : i64} {
  func.func @_tc2_body(%arg0: i32, %arg1: memref<1024x128xf32, #tpu.memory_space<vmem>>, %arg2: memref<1024x128xf32, #tpu.memory_space<vmem>>, %arg3: memref<1024x128xf32, #tpu.memory_space<vmem>>, %arg4: memref<1024x32xf32, #tpu.memory_space<vmem>>, %arg5: memref<128x32xf32, #tpu.memory_space<vmem>>, %arg6: memref<1x128xf32, #tpu.memory_space<vmem>>, %arg7: memref<1024x32xf32, #tpu.memory_space<vmem>>) attributes {dimension_semantics = [#tpu.dimension_semantics<arbitrary>], iteration_bounds = array<i64: 5>, scalar_prefetch = 0 : i64, scratch_operands = 0 : i64, tpu.core_type = #tpu.core_type<tc>, window_params = [{transform_indices = @transform_0, window_bounds = array<i64: 1024, 128>}, {transform_indices = @transform_1, window_bounds = array<i64: 1024, 128>}, {transform_indices = @transform_2, window_bounds = array<i64: 1024, 128>}, {transform_indices = @transform_3, window_bounds = array<i64: 1024, 32>}, {pipeline_mode = #tpu.pipeline_mode<synchronous>, transform_indices = @transform_4, window_bounds = array<i64: 128, 32>}, {pipeline_mode = #tpu.pipeline_mode<synchronous>, transform_indices = @transform_5, window_bounds = array<i64: 1, 128>}, {transform_indices = @transform_6, window_bounds = array<i64: 1024, 32>}]} {
    %get3A = arith.constant 0 : index
    %get3A_0 = arith.constant 0 : index
    %get3A_1 = vector.load %arg3[%get3A, %get3A_0] : memref<1024x128xf32, #tpu.memory_space<vmem>>, vector<1024x128xf32>
    %add3A = arith.constant 1.000000e+00 : f32
    %add3A_2 = vector.broadcast %add3A : f32 to vector<1024x128xf32>
    %add3A_3 = arith.addf %get3A_1, %add3A_2 : vector<1024x128xf32>
    %rsqrt3A = math.rsqrt %add3A_3 : vector<1024x128xf32>
    %get3A_4 = arith.constant 0 : index
    %get3A_5 = arith.constant 0 : index
    %get3A_6 = vector.load %arg1[%get3A_4, %get3A_5] : memref<1024x128xf32, #tpu.memory_space<vmem>>, vector<1024x128xf32>
    %get3A_7 = arith.constant 0 : index
    %get3A_8 = arith.constant 0 : index
    %get3A_9 = vector.load %arg2[%get3A_7, %get3A_8] : memref<1024x128xf32, #tpu.memory_space<vmem>>, vector<1024x128xf32>
    %add3A_10 = arith.addf %get3A_6, %get3A_9 : vector<1024x128xf32>
    %mul3A = arith.mulf %rsqrt3A, %add3A_10 : vector<1024x128xf32>
    %get3A_11 = arith.constant 0 : index
    %get3A_12 = arith.constant 0 : index
    %get3A_13 = vector.load %arg6[%get3A_11, %get3A_12] : memref<1x128xf32, #tpu.memory_space<vmem>>, vector<1x128xf32>
    %add3A_14 = vector.broadcast %get3A_13 : vector<1x128xf32> to vector<1024x128xf32>
    %add3A_15 = arith.addf %mul3A, %add3A_14 : vector<1024x128xf32>
    %max3A = arith.constant 0.000000e+00 : f32
    %max3A_16 = vector.broadcast %max3A : f32 to vector<1024x128xf32>
    %max3A_17 = arith.maximumf %add3A_15, %max3A_16 : vector<1024x128xf32>
    %get3A_18 = arith.constant 0 : index
    %get3A_19 = arith.constant 0 : index
    %get3A_20 = vector.load %arg4[%get3A_18, %get3A_19] : memref<1024x32xf32, #tpu.memory_space<vmem>>, vector<1024x32xf32>
    %add3A_21 = arith.constant 1.000000e+00 : f32
    %add3A_22 = vector.broadcast %add3A_21 : f32 to vector<1024x32xf32>
    %add3A_23 = arith.addf %get3A_20, %add3A_22 : vector<1024x32xf32>
    %rsqrt3A_24 = math.rsqrt %add3A_23 : vector<1024x32xf32>
    %get3A_25 = arith.constant 0 : index
    %get3A_26 = arith.constant 0 : index
    %get3A_27 = vector.load %arg5[%get3A_25, %get3A_26] : memref<128x32xf32, #tpu.memory_space<vmem>>, vector<128x32xf32>
    %dot_general3A = arith.constant dense<0.000000e+00> : vector<1024x32xf32>
    %dot_general3A_28 = tpu.matmul %max3A_17, %get3A_27, %dot_general3A {dimension_numbers = #tpu.dot_dimension_numbers<[1], [0], [0], [1], [0, 0, 1, 1], [], []>, transpose_lhs_hint = false} : vector<1024x128xf32>, vector<128x32xf32>, vector<1024x32xf32> -> vector<1024x32xf32>
    %mul3A_29 = arith.mulf %rsqrt3A_24, %dot_general3A_28 : vector<1024x32xf32>
    %swap3A = arith.constant 0 : index
    %swap3A_30 = arith.constant 0 : index
    %swap3A_31 = vector.load %arg7[%swap3A, %swap3A_30] : memref<1024x32xf32, #tpu.memory_space<vmem>>, vector<1024x32xf32>
    tpu.vector_store %arg7[%swap3A, %swap3A_30], %mul3A_29 {strides = array<i32>} : memref<1024x32xf32, #tpu.memory_space<vmem>>, vector<1024x32xf32>,
    return
  }
  func.func @transform_0(%arg0: i32) -> (i32, i32) {
    %c0_i32 = arith.constant 0 : i32
    %c0_i32_0 = arith.constant 0 : i32
    return %arg0, %c0_i32 : i32, i32
  }
  func.func @transform_1(%arg0: i32) -> (i32, i32) {
    %c0_i32 = arith.constant 0 : i32
    %c0_i32_0 = arith.constant 0 : i32
    return %arg0, %c0_i32 : i32, i32
  }
  func.func @transform_2(%arg0: i32) -> (i32, i32) {
    %c0_i32 = arith.constant 0 : i32
    %c0_i32_0 = arith.constant 0 : i32
    return %arg0, %c0_i32 : i32, i32
  }
  func.func @transform_3(%arg0: i32) -> (i32, i32) {
    %c0_i32 = arith.constant 0 : i32
    %c0_i32_0 = arith.constant 0 : i32
    return %arg0, %c0_i32 : i32, i32
  }
  func.func @transform_4(%arg0: i32) -> (i32, i32) {
    %c0_i32 = arith.constant 0 : i32
    %c0_i32_0 = arith.constant 0 : i32
    %c0_i32_1 = arith.constant 0 : i32
    return %c0_i32, %c0_i32_0 : i32, i32
  }
  func.func @transform_5(%arg0: i32) -> (i32, i32) {
    %c0_i32 = arith.constant 0 : i32
    %c0_i32_0 = arith.constant 0 : i32
    %c0_i32_1 = arith.constant 0 : i32
    return %c0_i32, %c0_i32_0 : i32, i32
  }
  func.func @transform_6(%arg0: i32) -> (i32, i32) {
    %c0_i32 = arith.constant 0 : i32
    %c0_i32_0 = arith.constant 0 : i32
    return %arg0, %c0_i32 : i32, i32
  }
}

module attributes {stable_mosaic.version = 14 : i64} {
  func.func @_tc3_body(%arg0: i32, %arg1: memref<256x128xf32, #tpu.memory_space<vmem>>, %arg2: memref<256x128xf32, #tpu.memory_space<vmem>>, %arg3: memref<256x128xf32, #tpu.memory_space<vmem>>, %arg4: memref<1x128xf32, #tpu.memory_space<vmem>>, %arg5: memref<256x128xf32, #tpu.memory_space<vmem>>) attributes {dimension_semantics = [#tpu.dimension_semantics<arbitrary>], iteration_bounds = array<i64: 5>, scalar_prefetch = 0 : i64, scratch_operands = 0 : i64, tpu.core_type = #tpu.core_type<tc>, window_params = [{transform_indices = @transform_0, window_bounds = array<i64: 256, 128>}, {transform_indices = @transform_1, window_bounds = array<i64: 256, 128>}, {transform_indices = @transform_2, window_bounds = array<i64: 256, 128>}, {pipeline_mode = #tpu.pipeline_mode<synchronous>, transform_indices = @transform_3, window_bounds = array<i64: 1, 128>}, {transform_indices = @transform_4, window_bounds = array<i64: 256, 128>}]} {
    %get3A = arith.constant 0 : index
    %get3A_0 = arith.constant 0 : index
    %get3A_1 = vector.load %arg3[%get3A, %get3A_0] : memref<256x128xf32, #tpu.memory_space<vmem>>, vector<256x128xf32>
    %add3A = arith.constant 1.000000e+00 : f32
    %add3A_2 = vector.broadcast %add3A : f32 to vector<256x128xf32>
    %add3A_3 = arith.addf %get3A_1, %add3A_2 : vector<256x128xf32>
    %rsqrt3A = math.rsqrt %add3A_3 : vector<256x128xf32>
    %get3A_4 = arith.constant 0 : index
    %get3A_5 = arith.constant 0 : index
    %get3A_6 = vector.load %arg1[%get3A_4, %get3A_5] : memref<256x128xf32, #tpu.memory_space<vmem>>, vector<256x128xf32>
    %get3A_7 = arith.constant 0 : index
    %get3A_8 = arith.constant 0 : index
    %get3A_9 = vector.load %arg2[%get3A_7, %get3A_8] : memref<256x128xf32, #tpu.memory_space<vmem>>, vector<256x128xf32>
    %add3A_10 = arith.addf %get3A_6, %get3A_9 : vector<256x128xf32>
    %mul3A = arith.mulf %rsqrt3A, %add3A_10 : vector<256x128xf32>
    %get3A_11 = arith.constant 0 : index
    %get3A_12 = arith.constant 0 : index
    %get3A_13 = vector.load %arg4[%get3A_11, %get3A_12] : memref<1x128xf32, #tpu.memory_space<vmem>>, vector<1x128xf32>
    %add3A_14 = vector.broadcast %get3A_13 : vector<1x128xf32> to vector<256x128xf32>
    %add3A_15 = arith.addf %mul3A, %add3A_14 : vector<256x128xf32>
    %iota3A = tpu.iota {dimensions = array<i32: 0>} : vector<128x128xi32>
    %jit3A = arith.constant 16 : i32
    %div3A = vector.broadcast %jit3A : i32 to vector<128x128xi32>
    %div3A_16 = arith.divsi %iota3A, %div3A : vector<128x128xi32>
    %sign3A = arith.constant 0 : i32
    %sign3A_17 = vector.broadcast %sign3A : i32 to vector<128x128xi32>
    %sign3A_18 = arith.cmpi sgt, %iota3A, %sign3A_17 : vector<128x128xi32>
    %sign3A_19 = arith.extui %sign3A_18 : vector<128x128xi1> to vector<128x128xi32>
    %sign3A_20 = arith.constant 0 : i32
    %sign3A_21 = vector.broadcast %sign3A_20 : i32 to vector<128x128xi32>
    %sign3A_22 = arith.cmpi slt, %iota3A, %sign3A_21 : vector<128x128xi32>
    %sign3A_23 = arith.extui %sign3A_22 : vector<128x128xi1> to vector<128x128xi32>
    %sign3A_24 = arith.subi %sign3A_19, %sign3A_23 : vector<128x128xi32>
    %sign3A_25 = arith.constant 0 : i32
    %sign3A_26 = arith.cmpi sgt, %jit3A, %sign3A_25 : i32
    %sign3A_27 = arith.extui %sign3A_26 : i1 to i32
    %sign3A_28 = arith.constant 0 : i32
    %sign3A_29 = arith.cmpi slt, %jit3A, %sign3A_28 : i32
    %sign3A_30 = arith.extui %sign3A_29 : i1 to i32
    %sign3A_31 = arith.subi %sign3A_27, %sign3A_30 : i32
    %ne3A = vector.broadcast %sign3A_31 : i32 to vector<128x128xi32>
    %ne3A_32 = arith.cmpi ne, %sign3A_24, %ne3A : vector<128x128xi32>
    %rem3A = vector.broadcast %jit3A : i32 to vector<128x128xi32>
    %rem3A_33 = arith.remsi %iota3A, %rem3A : vector<128x128xi32>
    %ne3A_34 = arith.constant 0 : i32
    %ne3A_35 = vector.broadcast %ne3A_34 : i32 to vector<128x128xi32>
    %ne3A_36 = arith.cmpi ne, %rem3A_33, %ne3A_35 : vector<128x128xi32>
    %and3A = arith.andi %ne3A_32, %ne3A_36 : vector<128x128xi1>
    %sub3A = arith.constant 1 : i32
    %sub3A_37 = vector.broadcast %sub3A : i32 to vector<128x128xi32>
    %sub3A_38 = arith.subi %div3A_16, %sub3A_37 : vector<128x128xi32>
    %select_n3A = arith.select %and3A, %sub3A_38, %div3A_16 : vector<128x128xi1>, vector<128x128xi32>
    %iota3A_39 = tpu.iota {dimensions = array<i32: 1>} : vector<128x128xi32>
    %jit3A_40 = arith.constant 16 : i32
    %div3A_41 = vector.broadcast %jit3A_40 : i32 to vector<128x128xi32>
    %div3A_42 = arith.divsi %iota3A_39, %div3A_41 : vector<128x128xi32>
    %sign3A_43 = arith.constant 0 : i32
    %sign3A_44 = vector.broadcast %sign3A_43 : i32 to vector<128x128xi32>
    %sign3A_45 = arith.cmpi sgt, %iota3A_39, %sign3A_44 : vector<128x128xi32>
    %sign3A_46 = arith.extui %sign3A_45 : vector<128x128xi1> to vector<128x128xi32>
    %sign3A_47 = arith.constant 0 : i32
    %sign3A_48 = vector.broadcast %sign3A_47 : i32 to vector<128x128xi32>
    %sign3A_49 = arith.cmpi slt, %iota3A_39, %sign3A_48 : vector<128x128xi32>
    %sign3A_50 = arith.extui %sign3A_49 : vector<128x128xi1> to vector<128x128xi32>
    %sign3A_51 = arith.subi %sign3A_46, %sign3A_50 : vector<128x128xi32>
    %sign3A_52 = arith.constant 0 : i32
    %sign3A_53 = arith.cmpi sgt, %jit3A_40, %sign3A_52 : i32
    %sign3A_54 = arith.extui %sign3A_53 : i1 to i32
    %sign3A_55 = arith.constant 0 : i32
    %sign3A_56 = arith.cmpi slt, %jit3A_40, %sign3A_55 : i32
    %sign3A_57 = arith.extui %sign3A_56 : i1 to i32
    %sign3A_58 = arith.subi %sign3A_54, %sign3A_57 : i32
    %ne3A_59 = vector.broadcast %sign3A_58 : i32 to vector<128x128xi32>
    %ne3A_60 = arith.cmpi ne, %sign3A_51, %ne3A_59 : vector<128x128xi32>
    %rem3A_61 = vector.broadcast %jit3A_40 : i32 to vector<128x128xi32>
    %rem3A_62 = arith.remsi %iota3A_39, %rem3A_61 : vector<128x128xi32>
    %ne3A_63 = arith.constant 0 : i32
    %ne3A_64 = vector.broadcast %ne3A_63 : i32 to vector<128x128xi32>
    %ne3A_65 = arith.cmpi ne, %rem3A_62, %ne3A_64 : vector<128x128xi32>
    %and3A_66 = arith.andi %ne3A_60, %ne3A_65 : vector<128x128xi1>
    %sub3A_67 = arith.constant 1 : i32
    %sub3A_68 = vector.broadcast %sub3A_67 : i32 to vector<128x128xi32>
    %sub3A_69 = arith.subi %div3A_42, %sub3A_68 : vector<128x128xi32>
    %select_n3A_70 = arith.select %and3A_66, %sub3A_69, %div3A_42 : vector<128x128xi1>, vector<128x128xi32>
    %eq3A = arith.cmpi eq, %select_n3A, %select_n3A_70 : vector<128x128xi32>
    %convert_element_type3A = arith.extui %eq3A : vector<128x128xi1> to vector<128x128xi32>
    %convert_element_type3A_71 = arith.sitofp %convert_element_type3A : vector<128x128xi32> to vector<128x128xf32>
    %exp3A = math.exp %add3A_15 : vector<256x128xf32>
    %dot_general3A = arith.constant dense<0.000000e+00> : vector<256x128xf32>
    %dot_general3A_72 = tpu.matmul %exp3A, %convert_element_type3A_71, %dot_general3A {dimension_numbers = #tpu.dot_dimension_numbers<[1], [0], [0], [1], [0, 0, 1, 1], [], []>, transpose_lhs_hint = false} : vector<256x128xf32>, vector<128x128xf32>, vector<256x128xf32> -> vector<256x128xf32>
    %log3A = math.log %dot_general3A_72 : vector<256x128xf32>
    %sub3A_73 = arith.subf %add3A_15, %log3A : vector<256x128xf32>
    %swap3A = arith.constant 0 : index
    %swap3A_74 = arith.constant 0 : index
    %swap3A_75 = vector.load %arg5[%swap3A, %swap3A_74] : memref<256x128xf32, #tpu.memory_space<vmem>>, vector<256x128xf32>
    tpu.vector_store %arg5[%swap3A, %swap3A_74], %sub3A_73 {strides = array<i32>} : memref<256x128xf32, #tpu.memory_space<vmem>>, vector<256x128xf32>,
    return
  }
  func.func @transform_0(%arg0: i32) -> (i32, i32) {
    %c0_i32 = arith.constant 0 : i32
    %c0_i32_0 = arith.constant 0 : i32
    return %arg0, %c0_i32 : i32, i32
  }
  func.func @transform_1(%arg0: i32) -> (i32, i32) {
    %c0_i32 = arith.constant 0 : i32
    %c0_i32_0 = arith.constant 0 : i32
    return %arg0, %c0_i32 : i32, i32
  }
  func.func @transform_2(%arg0: i32) -> (i32, i32) {
    %c0_i32 = arith.constant 0 : i32
    %c0_i32_0 = arith.constant 0 : i32
    return %arg0, %c0_i32 : i32, i32
  }
  func.func @transform_3(%arg0: i32) -> (i32, i32) {
    %c0_i32 = arith.constant 0 : i32
    %c0_i32_0 = arith.constant 0 : i32
    %c0_i32_1 = arith.constant 0 : i32
    return %c0_i32, %c0_i32_0 : i32, i32
  }
  func.func @transform_4(%arg0: i32) -> (i32, i32) {
    %c0_i32 = arith.constant 0 : i32
    %c0_i32_0 = arith.constant 0 : i32
    return %arg0, %c0_i32 : i32, i32
  }
}

</mosaic_0001>

<sc_bundles>
// kernel: kernel.12.cloned.1.call-start
scs
__scs_entry_jumppad:
0x0: {  	(pc) =	sbr.rel $0x88, $3  }
0x1: {  	(tag) =	ssettag $0x0;
	lr =	simm.s32 $0x1  }
0x2: {  	[smem:$0x3F9B] =	sst lr;
	_ =	strace $0xD0000000  }
0x3: {  	_ = 	snop  }
0x4: {  	_ = 	snop  }
0x5: {  	_ = 	snop  }
0x6: {  	_ = 	snop  }
0x7: {  	_ = 	snop  }
__scs_overlays_trampoline_lowered:
0x8: {  	[smem:$0x3FAA] =	sst s0  }
0x9: {  	[smem:$0x3FAB] =	sst s1  }
0xa: {  	[smem:$0x3FAC] =	sst s2  }
0xb: {  	[smem:$0x3FAD] =	sst s3  }
0xc: {  	[smem:$0x3FAE] =	sst s4  }
0xd: {  	[smem:$0x3FAF] =	sst s5  }
0xe: {  	[smem:$0x3FB0] =	sst s6  }
0xf: {  	[smem:$0x3FB1] =	sst s7  }
0x10: {  	[smem:$0x3FB2] =	sst s8  }
0x11: {  	[smem:$0x3FB3] =	sst s9;
	s0 =	simm.s32 @!p0 $0x0  }
0x12: {  	s1 =	sld [smem:$0x3F99];
	s0 =	simm.s32 @p0 $0x1  }
0x13: {  	[smem:$0x3FB4] =	sst s0;
	s0 =	simm.s32 @!p1 $0x0  }
0x14: {  	s2 =	sld [smem:$0x3F98];
	s0 =	simm.s32 @p1 $0x1  }
0x15: {  	[smem:$0x3FB5] =	sst s0;
	s0 =	simm.s32 @!p2 $0x0  }
0x16: {  	s3 =	sld [smem:$0x3FDB];
	s0 =	simm.s32 @p2 $0x1  }
0x17: {  	s4 =	simm.s32 $0x1BF5;
	[smem:$0x3FB7] =	sst s0  }
0x18: {  	s0 =	sld [smem:$0x3F9A];
	_ =	swait.ge [sflag:s4], $0x0  }
0x19: {  	s7 =	sld [smem:$0x3F9B]  }
0x1a: {  	s8 =	sadd.s32 $0xFFFFE003, lr  }
0x1b: {  	s9 =	sadd.s32 $0xFFFFFEF7, lr;
	s5 =	simm.s32 $0xFFFFFFFF;
	p2 =	slt.u32 s8, $0xFFFFF086  }
0x1c: {  	p1 =	slt.u32 s9, $0xF7A;
	s5 =	simm.s32 @!p2 $0x0  }
0x1d: {  	s5 =	simm.s32 @p1 $0x1;
	p0 =	seq.s32 s7, s2  }
0x1e: {  	s7 =	smul.u32 @!p0 $0xF7A, s2;
	p2 =	seq.s32 @!p0 s5, $0x0  }
0x1f: {  	s9 =	smul.u32 $0xF7A, s1;
	s8 =	simm.s32 @!p0 $0x1BF5;
	p2 =	por !p2, p0  }
0x20: {  	[sflag:s8] =	ssyncset.s32 @!p0 $0xFFFFF086;
	s6 =	sadd.s32 @!p0 s3, s7;
	s7 =	simm.s32 @!p0 $0x108  }
0x21: {  	s3 =	sadd.s32 s3, s9;
	s6 =	sadd.s32 @!p0 $0x88, s6;
	s7 =	simm.s32 @p2 $0x1082  }
0x22: {  	[simem:s7], [sflag:s8] =	dma.local @!p0 [hbm:s6], $0xF7A  }
0x23: {  	s9 =	sor.u32 $0xD0000000, s2;
	s6 =	simm.s32 $0x108;
	_ =	swait.ge @!p0 [sflag:s8], $0x0  }
0x24: {  	s3 =	sadd.s32 $0x88, s3;
	s6 =	simm.s32 @!p1 $0x1082;
	[sflag:s4] =	ssyncset.s32 $0xFFFFF086  }
0x25: {  	[simem:s6], [sflag:s4] =	dma.local [hbm:s3], $0xF7A  }
0x26: {  	[smem:$0x3F9B] =	sst s1;
	(tag) =	ssettag s2;
	_ =	strace s9  }
0x27: {  	s1 =	sld [smem:$0x3FAB]  }
0x28: {  	s2 =	sld [smem:$0x3FAC]  }
0x29: {  	s4 =	sld [smem:$0x3FAE]  }
0x2a: {  	p0 =	seq.s32 s5, $0x0;
	s5 =	sld [smem:$0x3FAF]  }
0x2b: {  	s6 =	sld [smem:$0x3FB0]  }
0x2c: {  	s7 =	sld [smem:$0x3FB1]  }
0x2d: {  	s3 =	simm.s32 $0x108;
	s8 =	sld [smem:$0x3FB2]  }
0x2e: {  	s3 =	simm.s32 @!p0 $0x1082;
	s9 =	sld [smem:$0x3FB3]  }
0x2f: {  	lr =	sadd.s32 s0, s3;
	s0 =	sld [smem:$0x3FAA]  }
0x30: {  	s3 =	sld [smem:$0x3FAD]  }
0x31: {  	[smem:$0x3FB6] =	sst s10  }
0x32: {  	s10 =	sld [smem:$0x3FB4];
	_ =	sdelay $0x3  }
0x33: {  	p0 =	seq.s32 s10, $0x1;
	s10 =	sld [smem:$0x3FB6];
	_ =	sdelay $0x3  }
0x34: {  	[smem:$0x3FB6] =	sst s10  }
0x35: {  	s10 =	sld [smem:$0x3FB5];
	_ =	sdelay $0x3  }
0x36: {  	p1 =	seq.s32 s10, $0x1;
	s10 =	sld [smem:$0x3FB6];
	_ =	sdelay $0x3  }
0x37: {  	[smem:$0x3FB6] =	sst s10  }
0x38: {  	s10 =	sld [smem:$0x3FB7]  }
0x39: {  	_ = 	snop;
	(pc) =	sbr.ind lr, $3  }
0x3a: {  	_ = 	snop  }
0x3b: {  	_ = 	snop  }
0x3c: {  	p2 =	seq.s32 s10, $0x1;
	s10 =	sld [smem:$0x3FB6]  }
0x3d: {  	_ =	shalt  }
0x3e: {  	_ =	shalt  }
0x3f: {  	_ =	shalt  }
0x40: {  	_ =	shalt  }
0x41: {  	_ =	shalt  }
0x42: {  	_ =	shalt  }
0x43: {  	_ =	shalt  }
0x44: {  	_ =	shalt  }
0x45: {  	_ =	shalt  }
0x46: {  	_ =	shalt  }
0x47: {  	_ =	shalt  }
0x48: {  	_ =	shalt  }
0x49: {  	_ =	shalt  }
0x4a: {  	_ =	shalt  }
0x4b: {  	_ =	shalt  }
0x4c: {  	_ =	shalt  }
0x4d: {  	_ =	shalt  }
0x4e: {  	_ =	shalt  }
0x4f: {  	_ =	shalt  }
0x50: {  	_ =	shalt  }
0x51: {  	_ =	shalt  }
0x52: {  	_ =	shalt  }
0x53: {  	_ =	shalt  }
0x54: {  	_ =	shalt  }
0x55: {  	_ =	shalt  }
0x56: {  	_ =	shalt  }
0x57: {  	_ =	shalt  }
0x58: {  	_ =	shalt  }
0x59: {  	_ =	shalt  }
0x5a: {  	_ =	shalt  }
0x5b: {  	_ =	shalt  }
0x5c: {  	_ =	shalt  }
0x5d: {  	_ =	shalt  }
0x5e: {  	_ =	shalt  }
0x5f: {  	_ =	shalt  }
0x60: {  	_ =	shalt  }
0x61: {  	_ =	shalt  }
0x62: {  	_ =	shalt  }
0x63: {  	_ =	shalt  }
0x64: {  	_ =	shalt  }
0x65: {  	_ =	shalt  }
0x66: {  	_ =	shalt  }
0x67: {  	_ =	shalt  }
0x68: {  	_ =	shalt  }
0x69: {  	_ =	shalt  }
0x6a: {  	_ =	shalt  }
0x6b: {  	_ =	shalt  }
0x6c: {  	_ =	shalt  }
0x6d: {  	_ =	shalt  }
0x6e: {  	_ =	shalt  }
0x6f: {  	_ =	shalt  }
0x70: {  	_ =	shalt  }
0x71: {  	_ =	shalt  }
0x72: {  	_ =	shalt  }
0x73: {  	_ =	shalt  }
0x74: {  	_ =	shalt  }
0x75: {  	_ =	shalt  }
0x76: {  	_ =	shalt  }
0x77: {  	_ =	shalt  }
0x78: {  	_ =	shalt  }
0x79: {  	_ =	shalt  }
0x7a: {  	_ =	shalt  }
0x7b: {  	_ =	shalt  }
0x7c: {  	_ =	shalt  }
0x7d: {  	_ =	shalt  }
0x7e: {  	_ =	shalt  }
0x7f: {  	_ =	shalt  }
0x80: {  	_ =	shalt  }
0x81: {  	_ =	shalt  }
0x82: {  	_ =	shalt  }
0x83: {  	_ =	shalt  }
0x84: {  	_ =	shalt  }
0x85: {  	_ =	shalt  }
0x86: {  	_ =	shalt  }
0x87: {  	_ =	shalt  }
.Lfunc_end0:
.L_simem_size_0:
called_computation.1_lowered:
.L_overlay_start_0:
0x88: {  	s2 =	sld [smem:$0x3FD9]  }
0x89: {  	s3 =	sld [smem:$0x3FFE];
	_ =	sdelay $0x1  }
0x8a: {  	s1 =	srdreg.scid  }
0x8b: {  	s0 =	sand.u32 $0x1, s1  }
0x8c: {  	s16 =	sshll.u32 s0, $0xA;
	s2 =	sadd.s32 s3, s2  }
0x8d: {  	s2 =	sadd.s32 s2, s16  }
0x8e: {  	[smem:$0x3FC2] =	sst s2  }
0x8f: {  	_ = 	snop  }
0x90: {  	(tm) =	ssettm $0x1  }
0x91: {  	s17 =	sld [smem:$0x3FFB];
	_ =	sdelay $0x3  }
0x92: {  	_ =	strace s17  }
0x93: {  	s2 =	sld [smem:$0x3FFC];
	_ =	sdelay $0x3  }
0x94: {  	_ =	strace s2  }
0x95: {  	s2 =	sld [smem:$0x3FFD];
	_ =	sdelay $0x3  }
0x96: {  	_ =	strace s2  }
0x97: {  	_ =	strace $0x8FFFFFFF  }
0x98: {  	s18 =	sld [smem:$0x3FDB];
	_ =	sdelay $0x1  }
0x99: {  	s19 =	simm.s32 $_scs_section_size  }
0x9a: {  	s4 =	simm.s32 $_size__tile_overlayer_lowered;
	s5 =	simm.s32 $_tile_overlayer_lowered  }
0x9b: {  	s22 =	simm.s32 $0x1BFF;
	s21 =	sshll.u32 s5, $0x1;
	s2 =	sadd.s32 s19, s18  }
0x9c: {  	s6 =	simm.s32 $0x0;
	s20 =	sshll.u32 s4, $0x1;
	s4 =	sadd.s32 s21, s2  }
0x9d: {  	[timem:s6], [sflag:s22] =	dma.local [hbm:s4], s20  }
0x9e: {  	_ =	swait.ge [sflag:s22], s20  }
0x9f: {  	s3 =	ssub.s32 $0x0, s20;
	[sflag:s22] =	ssyncset.done $0x0  }
0xa0: {  	[sflag:s22] =	ssyncadd.s32 s3;
	_ =	sdelay $0x1  }
0xa1: {  	s23 =	simm.s32 $0x1B8B  }
0xa2: {  	_ =	swait.ge [sflag:s23], $0x1  }
0xa3: {  	[sflag:s23] =	ssyncset.done $0x0  }
0xa4: {  	s25 =	simm.s32 $0x1B8E;
	s24 =	sld [smem:$0x3FFE];
	[sflag:s23] =	ssyncadd.s32 $0xFFFFFFFF  }
0xa5: {  	s26 =	simm.s32 $execute0_lowered;
	[smem:$0x3FD2] =	sst s25  }
0xa6: {  	s4 =	sshll.u32 s26, $0x1;
	_ =	strace $0x80000049;
	[dreg:$0x1] =	wrdreg $0xFFFFFFFF  }
0xa7: {  	s28 =	simm.s32 $_size_execute0_lowered;
	s2 =	sadd.s32 s2, s4;
	[dreg:$0x0] =	wrdreg $0x0  }
0xa8: {  	s4 =	sshll.u32 s28, $0x1;
	[dreg:$0x2] =	wrdreg s2  }
0xa9: {  	[dreg:$0x3] =	wrdreg s4  }
0xaa: {  	[dreg:$0x4] =	wrdreg $0xC0  }
0xab: {  	_ =	task [dreg:s6], $0x5FFFF  }
0xac: {  	[dreg:$0x1] =	wrdreg $0xFFFFFFFF  }
0xad: {  	[dreg:$0x0] =	wrdreg $0x60  }
0xae: {  	[dreg:$0x2] =	wrdreg s24  }
0xaf: {  	[dreg:$0x3] =	wrdreg $0x160000  }
0xb0: {  	[dreg:$0x4] =	wrdreg $0x9  }
0xb1: {  	_ =	task.clear_ibuf [dreg:s6], $0x5FFFF;
	_ =	strace $0x90000049  }
0xb2: {  	s29 =	simm.s32 $0x9;
	_ =	strace $0x8000004B  }
0xb3: {  	_ =	swait.ge [sflag:s29], $0x1  }
0xb4: {  	[sflag:s29] =	ssyncadd.s32 $0xFFFFFFFF  }
0xb5: {  	_ =	strace $0x9000004B  }
0xb6: {  	_ =	sfence  }
0xb7: {  	s30 =	sld [smem:$0x0];
	_ =	sdelay $0x2  }
0xb8: {  	s31 =	sshll.u32 s1, $0xD;
	s1 =	sshrl.u32 s1, $0x2  }
0xb9: {  	s3 =	sand.u32 $0x4000, s31;
	s1 =	sadd.s32 s1, s30  }
0xba: {  	s0 =	sor.u32 s3, s0;
	s1 =	sshll.u32 s1, $0x11  }
0xbb: {  	s0 =	sor.u32 s1, s0  }
0xbc: {  	s0 =	sadd.s32 $0x8F2B, s0  }
0xbd: {  	[sflag:s0] =	ssyncadd.remote.s32 $0x1  }
0xbe: {  	_ =	sfence.sel $0xFFFF  }
0xbf: {  	[dreg:$0x0] =	wrdreg $0xFFFFFFFF;
	(pc) =	sbr.abs _section_cstart, $3  }
0xc0: {  	[dreg:$0x1] =	wrdreg $0xFFFFFFFF  }
0xc1: {  	_ =	task.clear_ibuf [dreg:s6], $0x2FFFF;
	_ =	strace $0x9FFFFFFF  }
0xc2: {  	(tm) =	ssettm $0x7FFFFFFF  }
0xc3: {  	_ =	shalt  }
tec
execute0_lowered:
.L_overlay_start_1:
0x0: {  	(tag) =	ssettag $0x1  }
0x1: {  	s0 =	rddreg [dreg:$0x0]  }
0x2: {  	s2 =	rddreg [dreg:$0x1];
	s1 =	srdreg.scid  }
0x3: {  	s12 =	stileid.u32;
	s3 =	simm.s32 $0x0;
	s28 =	simm.s32 $0x9000  }
0x4: {  	s30 =	simm.s32 $0xD000;
	s15 =	simm.s32 $0x3;
	s29 =	simm.s32 $0x4  }
0x5: {  	s14 =	simm.s32 $0x0;
	s1 =	sand.u32 $0x1, s1;
	s8 =	smul.u32 $0x28000, s12  }
0x6: {  	s4 =	sshll.u32 s12, $0x1;
	[smem:$0x7FF] =	sst s3;
	s11 =	smul.u32 $0xA000, s12  }
0x7: {  	s31 =	sshll.u32 s12, $0x6;
	s12 =	simm.s32 $0x15000;
	s4 =	sor.u32 s1, s4  }
0x8: {  	s6 =	ssub.s32 $0x2, s1;
	s5 =	smul.u32 $0x500, s4;
	s4 =	sadd.s32 $0x16A00, s0  }
0x9: {  	s7 =	sshrl.u32 s6, $0x1;
	s16 =	sshrl.u32 s8, $0x2;
	s17 =	sshrl.u32 s11, $0x3  }
0xa: {  	s10 =	ssub.s32 s6, s7;
	s7 =	sadd.s32 s16, s2;
	s18 =	sadd.s32 s4, s17  }
0xb: {  	_ =	strace $0x8000004A;
	[dreg:$0x3] =	wrdreg s18;
	s19 =	sadd.s32 $0x1000, s7  }
0xc: {  	p0 =	seq.s32 s1, $0x0;
	s20 =	sadd.s32 $0x2000, s7;
	[dreg:$0x4] =	wrdreg s19  }
0xd: {  	s11 =	sadd.s32 s11, s2;
	s21 =	sadd.s32 $0x3000, s7;
	[dreg:$0x5] =	wrdreg s20  }
0xe: {  	s8 =	simm.s32 $0x5;
	s22 =	sadd.s32 $0x4000, s7;
	[dreg:$0x6] =	wrdreg s21  }
0xf: {  	s9 =	sadd.s32 s5, s0;
	s23 =	sadd.s32 $0x5000, s7;
	[dreg:$0x7] =	wrdreg s22  }
0x10: {  	s13 =	sadd.s32 $0x6000, s7;
	s24 =	sadd.s32 $0x7000, s7;
	[dreg:$0x8] =	wrdreg s23  }
0x11: {  	s25 =	sadd.s32 $0x8000, s7;
	s26 =	sadd.s32 $0x9000, s7;
	[dreg:$0x9] =	wrdreg s13  }
0x12: {  	s5 =	sadd.s32 $0x2A00, s9;
	s6 =	sadd.s32 $0xCA00, s9;
	[dreg:$0xa] =	wrdreg s24  }
0x13: {  	s9 =	smax.u32 s10, $0x1;
	s10 =	simm.s32 $0x2AA00;
	[dreg:$0xb] =	wrdreg s25  }
0x14: {  	[dreg:$0xc] =	wrdreg s26;
	s20 =	simm.s32 $0x2800;
	s21 =	sor.u32 $0x1C0A, s31  }
0x15: {  	s22 =	sshrl.u32 s11, $0x3;
	s23 =	simm.s32 $0xA;
	s24 =	simm.s32 $0x9  }
0x16: {  	s25 =	simm.s32 $0x100;
	s26 =	simm.s32 $0x5000;
	s11 =	simm.s32 $0x2  }
0x17: {  	s13 =	simm.s32 $0x6;
	s10 =	simm.s32 @!p0 $0x3EA00;
	p0 =	sne.s32 s1, $0x0  }
0x18: {  	s1 =	simm.s32 $0x1;
	s0 =	sadd.s32 s10, s0;
	s10 =	simm.s32 $0x8  }
0x19: {  	v0 =	vimm.f32 $0.0e+00;
	s19 =	sadd.s32 s0, s17;
	s0 =	simm.s32 $0x11000;
	s17 =	simm.s32 $0x7  }
.LBB2_1:
.Ltmp0:
0x1a: {  	(pc) =	sbr.rel @p0 .LBB2_3-.Ltmp0, $4  }
0x1b: {  	_ = 	snop  }
0x1c: {  	[tilespmem:s3], [sflag:$0x9] =	stream.linear.gather [hbm4b:s5+s3], $0x2800, $0x38;
	v63 =	vld [tilespmem:$0x0]  }
0x1d: {  	_ = 	snop  }
0x1e: {  	[tilespmem:s20], [sflag:$0x9] =	stream.linear.gather [hbm4b:s6+s3], $0x2800, $0x38;
	v63 =	vld [tilespmem:$0x0]  }
.Ltmp1:
0x1f: {  	s16 =	rddreg [dreg:$0x3];
	(pc) =	sbr.rel .LBB2_6-.Ltmp1, $4  }
0x20: {  	[spmem:s22], [sflag:s21] =	dma.local [hbm:s16], $0x1400  }
0x21: {  	_ =	swait.ge [sflag:s23], $0x1400  }
0x22: {  	[sflag:s23] =	ssyncset.done $0x0  }
0x23: {  	[sflag:s23] =	ssyncadd.s32 $0xFFFFEC00  }
.LBB2_3:
0x24: {  	s18 =	simm.s32 $0x100;
	s16 =	simm.s32 $0x0  }
.LBB2_4:
0x25: {  	p1 =	seq.s32 s18, $0x3F00;
	[tilespmem:s16+$0x15030] =	vst v0;
	s31 =	smov.u32 s18;
	s18 =	sadd.s32 $0x100, s18  }
.Ltmp2:
0x26: {  	[tilespmem:s16+$0x15020] =	vst v0;
	(pc) =	sbr.rel @!p1 .LBB2_4-.Ltmp2, $3  }
0x27: {  	[tilespmem:s16+$0x15000] =	vst v0  }
0x28: {  	[tilespmem:s16+$0x15010] =	vst v0;
	_ =	sdelay $0x1  }
0x29: {  	s16 =	sshra.s32 s31, $0x2  }
0x2a: {  	[tilespmem:s16+$0x15030] =	vst v0  }
0x2b: {  	[tilespmem:s16+$0x15020] =	vst v0  }
0x2c: {  	[tilespmem:s16+$0x15000] =	vst v0  }
0x2d: {  	[tilespmem:s16+$0x15010] =	vst v0  }
0x2e: {  	[spmem:s7] =	stream.linear.scatter [tilespmem:s12], [sflag:$0xA], $0x1000, $0x38;
	v63 =	vld [tilespmem:$0x0]  }
0x2f: {  	_ =	swait.ge [sflag:s23], $0x1000  }
0x30: {  	[sflag:s23] =	ssyncset.done $0x0  }
0x31: {  	s31 =	rddreg [dreg:$0x4];
	[sflag:s23] =	ssyncadd.s32 $0xFFFFF000  }
0x32: {  	[spmem:s31] =	stream.linear.scatter [tilespmem:s12], [sflag:$0xA], $0x1000, $0x38;
	v63 =	vld [tilespmem:$0x0]  }
0x33: {  	_ =	swait.ge [sflag:s23], $0x1000  }
0x34: {  	[sflag:s23] =	ssyncset.done $0x0  }
0x35: {  	s18 =	rddreg [dreg:$0x5];
	[sflag:s23] =	ssyncadd.s32 $0xFFFFF000  }
0x36: {  	[spmem:s18] =	stream.linear.scatter [tilespmem:s12], [sflag:$0xA], $0x1000, $0x38;
	v63 =	vld [tilespmem:$0x0]  }
0x37: {  	_ =	swait.ge [sflag:s23], $0x1000  }
0x38: {  	[sflag:s23] =	ssyncset.done $0x0  }
0x39: {  	s31 =	rddreg [dreg:$0x6];
	[sflag:s23] =	ssyncadd.s32 $0xFFFFF000  }
0x3a: {  	[spmem:s31] =	stream.linear.scatter [tilespmem:s12], [sflag:$0xA], $0x1000, $0x38;
	v63 =	vld [tilespmem:$0x0]  }
0x3b: {  	_ =	swait.ge [sflag:s23], $0x1000  }
0x3c: {  	[sflag:s23] =	ssyncset.done $0x0  }
0x3d: {  	s18 =	rddreg [dreg:$0x7];
	[sflag:s23] =	ssyncadd.s32 $0xFFFFF000  }
0x3e: {  	[spmem:s18] =	stream.linear.scatter [tilespmem:s12], [sflag:$0xA], $0x1000, $0x38;
	v63 =	vld [tilespmem:$0x0]  }
0x3f: {  	_ =	swait.ge [sflag:s23], $0x1000  }
0x40: {  	[sflag:s23] =	ssyncset.done $0x0  }
0x41: {  	s31 =	rddreg [dreg:$0x8];
	[sflag:s23] =	ssyncadd.s32 $0xFFFFF000  }
0x42: {  	[spmem:s31] =	stream.linear.scatter [tilespmem:s12], [sflag:$0xA], $0x1000, $0x38;
	v63 =	vld [tilespmem:$0x0]  }
0x43: {  	_ =	swait.ge [sflag:s23], $0x1000  }
0x44: {  	[sflag:s23] =	ssyncset.done $0x0  }
0x45: {  	s18 =	rddreg [dreg:$0x9];
	[sflag:s23] =	ssyncadd.s32 $0xFFFFF000  }
0x46: {  	[spmem:s18] =	stream.linear.scatter [tilespmem:s12], [sflag:$0xA], $0x1000, $0x38;
	v63 =	vld [tilespmem:$0x0]  }
0x47: {  	_ =	swait.ge [sflag:s23], $0x1000  }
0x48: {  	[sflag:s23] =	ssyncset.done $0x0  }
0x49: {  	s31 =	rddreg [dreg:$0xa];
	[sflag:s23] =	ssyncadd.s32 $0xFFFFF000  }
0x4a: {  	[spmem:s31] =	stream.linear.scatter [tilespmem:s12], [sflag:$0xA], $0x1000, $0x38;
	v63 =	vld [tilespmem:$0x0]  }
0x4b: {  	_ =	swait.ge [sflag:s23], $0x1000  }
0x4c: {  	[sflag:s23] =	ssyncset.done $0x0  }
0x4d: {  	s18 =	rddreg [dreg:$0xb];
	[sflag:s23] =	ssyncadd.s32 $0xFFFFF000  }
0x4e: {  	[spmem:s18] =	stream.linear.scatter [tilespmem:s12], [sflag:$0xA], $0x1000, $0x38;
	v63 =	vld [tilespmem:$0x0]  }
0x4f: {  	_ =	swait.ge [sflag:s23], $0x1000  }
0x50: {  	[sflag:s23] =	ssyncset.done $0x0  }
0x51: {  	s31 =	rddreg [dreg:$0xc];
	[sflag:s23] =	ssyncadd.s32 $0xFFFFF000  }
0x52: {  	[spmem:s31] =	stream.linear.scatter [tilespmem:s12], [sflag:$0xA], $0x1000, $0x38;
	v63 =	vld [tilespmem:$0x0]  }
0x53: {  	_ =	swait.ge [sflag:s23], $0x1000  }
0x54: {  	[sflag:s23] =	ssyncset.done $0x0  }
0x55: {  	[sflag:s23] =	ssyncadd.s32 $0xFFFFF000  }
.LBB2_6:
0x56: {  	_ =	swait.ge [sflag:s24], $0x2800  }
0x57: {  	[sflag:s24] =	ssyncset.done $0x0  }
0x58: {  	[sflag:s24] =	ssyncadd.s32 $0xFFFFD800  }
0x59: {  	_ =	swait.ge [sflag:s24], $0x2800  }
0x5a: {  	[sflag:s24] =	ssyncset.done $0x0  }
0x5b: {  	[sflag:s24] =	ssyncadd.s32 $0xFFFFD800  }
0x5c: {  	s16 =	simm.s32 $0x0;
	[bflag:$0x0] =	sbarrier.arrive $0xFFFF  }
0x5d: {  	[tilespmem:s26], [sflag:$0x1] =	stream.indirect.gather [hbm4b:s4+s25], $0x40, s16, s25, $0xb8;
	v63 =	vld [tilespmem:$0x0]  }
0x5e: {  	_ = 	snop  }
0x5f: {  	[tilespmem:s28], [sflag:$0x2] =	stream.indirect.gather [hbm4b:s4+s25], $0x40, s25, s25, $0xb8;
	v63 =	vld [tilespmem:$0x0]  }
0x60: {  	s31 =	simm.s32 $0x200  }
0x61: {  	[tilespmem:s30], [sflag:$0x3] =	stream.indirect.gather [hbm4b:s4+s25], $0x40, s31, s25, $0xb8;
	v63 =	vld [tilespmem:$0x0]  }
0x62: {  	s18 =	simm.s32 $0x300  }
0x63: {  	[tilespmem:s0], [sflag:$0x4] =	stream.indirect.gather [hbm4b:s4+s25], $0x40, s18, s25, $0xb8;
	v63 =	vld [tilespmem:$0x0]  }
0x64: {  	_ =	swait.ge [sflag:s1], $0x4000  }
0x65: {  	[sflag:s1] =	ssyncset.done $0x0  }
0x66: {  	[sflag:s1] =	ssyncadd.s32 $0xFFFFC000  }
0x67: {  	[spmem:s2] =	stream.indirect.scatter.add.f32 [tilespmem:s26], [sflag:$0x5], $0x40, s20, s25, $0xb8;
	v63 =	vld [tilespmem:$0x0]  }
0x68: {  	_ =	swait.ge [sflag:s8], $0x4000  }
0x69: {  	[sflag:s8] =	ssyncset.done $0x0  }
0x6a: {  	s31 =	simm.s32 $0x400;
	[sflag:s8] =	ssyncadd.s32 $0xFFFFC000  }
0x6b: {  	[tilespmem:s26], [sflag:$0x1] =	stream.indirect.gather [hbm4b:s4+s25], $0x40, s31, s25, $0xb8;
	v63 =	vld [tilespmem:$0x0]  }
0x6c: {  	_ =	swait.ge [sflag:s11], $0x4000  }
0x6d: {  	[sflag:s11] =	ssyncset.done $0x0  }
0x6e: {  	s18 =	simm.s32 $0x2900;
	[sflag:s11] =	ssyncadd.s32 $0xFFFFC000  }
0x6f: {  	[spmem:s2] =	stream.indirect.scatter.add.f32 [tilespmem:s28], [sflag:$0x6], $0x40, s18, s25, $0xb8;
	v63 =	vld [tilespmem:$0x0]  }
0x70: {  	_ =	swait.ge [sflag:s13], $0x4000  }
0x71: {  	[sflag:s13] =	ssyncset.done $0x0  }
0x72: {  	s31 =	simm.s32 $0x500;
	[sflag:s13] =	ssyncadd.s32 $0xFFFFC000  }
0x73: {  	[tilespmem:s28], [sflag:$0x2] =	stream.indirect.gather [hbm4b:s4+s25], $0x40, s31, s25, $0xb8;
	v63 =	vld [tilespmem:$0x0]  }
0x74: {  	_ =	swait.ge [sflag:s15], $0x4000  }
0x75: {  	[sflag:s15] =	ssyncset.done $0x0  }
0x76: {  	s18 =	simm.s32 $0x2A00;
	[sflag:s15] =	ssyncadd.s32 $0xFFFFC000  }
0x77: {  	[spmem:s2] =	stream.indirect.scatter.add.f32 [tilespmem:s30], [sflag:$0x7], $0x40, s18, s25, $0xb8;
	v63 =	vld [tilespmem:$0x0]  }
0x78: {  	_ =	swait.ge [sflag:s17], $0x4000  }
0x79: {  	[sflag:s17] =	ssyncset.done $0x0  }
0x7a: {  	s31 =	simm.s32 $0x600;
	[sflag:s17] =	ssyncadd.s32 $0xFFFFC000  }
0x7b: {  	[tilespmem:s30], [sflag:$0x3] =	stream.indirect.gather [hbm4b:s4+s25], $0x40, s31, s25, $0xb8;
	v63 =	vld [tilespmem:$0x0]  }
0x7c: {  	_ =	swait.ge [sflag:s29], $0x4000  }
0x7d: {  	[sflag:s29] =	ssyncset.done $0x0  }
0x7e: {  	s18 =	simm.s32 $0x2B00;
	[sflag:s29] =	ssyncadd.s32 $0xFFFFC000  }
0x7f: {  	[spmem:s2] =	stream.indirect.scatter.add.f32 [tilespmem:s0], [sflag:$0x8], $0x40, s18, s25, $0xb8;
	v63 =	vld [tilespmem:$0x0]  }
0x80: {  	_ =	swait.ge [sflag:s10], $0x4000  }
0x81: {  	[sflag:s10] =	ssyncset.done $0x0  }
0x82: {  	s31 =	simm.s32 $0x700;
	[sflag:s10] =	ssyncadd.s32 $0xFFFFC000  }
0x83: {  	[tilespmem:s0], [sflag:$0x4] =	stream.indirect.gather [hbm4b:s4+s25], $0x40, s31, s25, $0xb8;
	v63 =	vld [tilespmem:$0x0]  }
0x84: {  	_ =	swait.ge [sflag:s1], $0x4000  }
0x85: {  	[sflag:s1] =	ssyncset.done $0x0  }
0x86: {  	s18 =	simm.s32 $0x2C00;
	[sflag:s1] =	ssyncadd.s32 $0xFFFFC000  }
0x87: {  	[spmem:s2] =	stream.indirect.scatter.add.f32 [tilespmem:s26], [sflag:$0x5], $0x40, s18, s25, $0xb8;
	v63 =	vld [tilespmem:$0x0]  }
0x88: {  	_ =	swait.ge [sflag:s8], $0x4000  }
0x89: {  	[sflag:s8] =	ssyncset.done $0x0  }
0x8a: {  	s31 =	simm.s32 $0x800;
	[sflag:s8] =	ssyncadd.s32 $0xFFFFC000  }
0x8b: {  	[tilespmem:s26], [sflag:$0x1] =	stream.indirect.gather [hbm4b:s4+s25], $0x40, s31, s25, $0xb8;
	v63 =	vld [tilespmem:$0x0]  }
0x8c: {  	_ =	swait.ge [sflag:s11], $0x4000  }
0x8d: {  	[sflag:s11] =	ssyncset.done $0x0  }
0x8e: {  	s18 =	simm.s32 $0x2D00;
	[sflag:s11] =	ssyncadd.s32 $0xFFFFC000  }
0x8f: {  	[spmem:s2] =	stream.indirect.scatter.add.f32 [tilespmem:s28], [sflag:$0x6], $0x40, s18, s25, $0xb8;
	v63 =	vld [tilespmem:$0x0]  }
0x90: {  	_ =	swait.ge [sflag:s13], $0x4000  }
0x91: {  	[sflag:s13] =	ssyncset.done $0x0  }
0x92: {  	s31 =	simm.s32 $0x900;
	[sflag:s13] =	ssyncadd.s32 $0xFFFFC000  }
0x93: {  	[tilespmem:s28], [sflag:$0x2] =	stream.indirect.gather [hbm4b:s4+s25], $0x40, s31, s25, $0xb8;
	v63 =	vld [tilespmem:$0x0]  }
0x94: {  	_ =	swait.ge [sflag:s15], $0x4000  }
0x95: {  	[sflag:s15] =	ssyncset.done $0x0  }
0x96: {  	s18 =	simm.s32 $0x2E00;
	[sflag:s15] =	ssyncadd.s32 $0xFFFFC000  }
0x97: {  	[spmem:s2] =	stream.indirect.scatter.add.f32 [tilespmem:s30], [sflag:$0x7], $0x40, s18, s25, $0xb8;
	v63 =	vld [tilespmem:$0x0]  }
0x98: {  	_ =	swait.ge [sflag:s17], $0x4000  }
0x99: {  	[sflag:s17] =	ssyncset.done $0x0  }
0x9a: {  	s31 =	simm.s32 $0xA00;
	[sflag:s17] =	ssyncadd.s32 $0xFFFFC000  }
0x9b: {  	[tilespmem:s30], [sflag:$0x3] =	stream.indirect.gather [hbm4b:s4+s25], $0x40, s31, s25, $0xb8;
	v63 =	vld [tilespmem:$0x0]  }
0x9c: {  	_ =	swait.ge [sflag:s29], $0x4000  }
0x9d: {  	[sflag:s29] =	ssyncset.done $0x0  }
0x9e: {  	s16 =	simm.s32 $0x1000;
	s18 =	simm.s32 $0x2F00;
	[sflag:s29] =	ssyncadd.s32 $0xFFFFC000  }
.LBB2_7:
0x9f: {  	[spmem:s2] =	stream.indirect.scatter.add.f32 [tilespmem:s0], [sflag:$0x8], $0x40, s18, s25, $0xb8;
	v63 =	vld [tilespmem:$0x0]  }
0xa0: {  	s18 =	smov.u32 s16  }
0xa1: {  	p1 =	sne.s32 s16, $0x7000;
	s16 =	sadd.s32 $0x1000, s16;
	_ =	swait.ge [sflag:s10], $0x4000  }
0xa2: {  	s18 =	sshra.s32 s18, $0x2;
	[sflag:s10] =	ssyncset.done $0x0  }
0xa3: {  	s31 =	sadd.s32 $0x700, s18;
	[sflag:s10] =	ssyncadd.s32 $0xFFFFC000  }
0xa4: {  	[tilespmem:s0], [sflag:$0x4] =	stream.indirect.gather [hbm4b:s4+s25], $0x40, s31, s25, $0xb8;
	v63 =	vld [tilespmem:$0x0]  }
0xa5: {  	_ =	swait.ge [sflag:s1], $0x4000  }
0xa6: {  	[sflag:s1] =	ssyncset.done $0x0  }
0xa7: {  	s31 =	sadd.s32 $0x2C00, s18;
	[sflag:s1] =	ssyncadd.s32 $0xFFFFC000  }
0xa8: {  	[spmem:s2] =	stream.indirect.scatter.add.f32 [tilespmem:s26], [sflag:$0x5], $0x40, s31, s25, $0xb8;
	v63 =	vld [tilespmem:$0x0]  }
0xa9: {  	_ =	swait.ge [sflag:s8], $0x4000  }
0xaa: {  	[sflag:s8] =	ssyncset.done $0x0  }
0xab: {  	s31 =	sadd.s32 $0x800, s18;
	[sflag:s8] =	ssyncadd.s32 $0xFFFFC000  }
0xac: {  	[tilespmem:s26], [sflag:$0x1] =	stream.indirect.gather [hbm4b:s4+s25], $0x40, s31, s25, $0xb8;
	v63 =	vld [tilespmem:$0x0]  }
0xad: {  	_ =	swait.ge [sflag:s11], $0x4000  }
0xae: {  	[sflag:s11] =	ssyncset.done $0x0  }
0xaf: {  	s31 =	sadd.s32 $0x2D00, s18;
	[sflag:s11] =	ssyncadd.s32 $0xFFFFC000  }
0xb0: {  	[spmem:s2] =	stream.indirect.scatter.add.f32 [tilespmem:s28], [sflag:$0x6], $0x40, s31, s25, $0xb8;
	v63 =	vld [tilespmem:$0x0]  }
0xb1: {  	_ =	swait.ge [sflag:s13], $0x4000  }
0xb2: {  	[sflag:s13] =	ssyncset.done $0x0  }
0xb3: {  	s31 =	sadd.s32 $0x900, s18;
	[sflag:s13] =	ssyncadd.s32 $0xFFFFC000  }
0xb4: {  	[tilespmem:s28], [sflag:$0x2] =	stream.indirect.gather [hbm4b:s4+s25], $0x40, s31, s25, $0xb8;
	v63 =	vld [tilespmem:$0x0]  }
0xb5: {  	_ =	swait.ge [sflag:s15], $0x4000  }
0xb6: {  	[sflag:s15] =	ssyncset.done $0x0  }
0xb7: {  	s31 =	sadd.s32 $0x2E00, s18;
	[sflag:s15] =	ssyncadd.s32 $0xFFFFC000  }
0xb8: {  	[spmem:s2] =	stream.indirect.scatter.add.f32 [tilespmem:s30], [sflag:$0x7], $0x40, s31, s25, $0xb8;
	v63 =	vld [tilespmem:$0x0]  }
0xb9: {  	_ =	swait.ge [sflag:s17], $0x4000  }
0xba: {  	[sflag:s17] =	ssyncset.done $0x0  }
.Ltmp3:
0xbb: {  	s31 =	sadd.s32 $0xA00, s18;
	[sflag:s17] =	ssyncadd.s32 $0xFFFFC000;
	(pc) =	sbr.rel @p1 .LBB2_7-.Ltmp3, $4  }
0xbc: {  	[tilespmem:s30], [sflag:$0x3] =	stream.indirect.gather [hbm4b:s4+s25], $0x40, s31, s25, $0xb8;
	v63 =	vld [tilespmem:$0x0]  }
0xbd: {  	_ =	swait.ge [sflag:s29], $0x4000  }
0xbe: {  	[sflag:s29] =	ssyncset.done $0x0  }
0xbf: {  	s18 =	sadd.s32 $0x2F00, s18;
	[sflag:s29] =	ssyncadd.s32 $0xFFFFC000  }
0xc0: {  	[spmem:s2] =	stream.indirect.scatter.add.f32 [tilespmem:s0], [sflag:$0x8], $0x40, s18, s25, $0xb8;
	v63 =	vld [tilespmem:$0x0]  }
0xc1: {  	_ =	swait.ge [sflag:s10], $0x4000  }
0xc2: {  	[sflag:s10] =	ssyncset.done $0x0  }
0xc3: {  	s16 =	simm.s32 $0x2700;
	[sflag:s10] =	ssyncadd.s32 $0xFFFFC000  }
0xc4: {  	[tilespmem:s0], [sflag:$0x4] =	stream.indirect.gather [hbm4b:s4+s25], $0x40, s16, s25, $0xb8;
	v63 =	vld [tilespmem:$0x0]  }
0xc5: {  	_ =	swait.ge [sflag:s1], $0x4000  }
0xc6: {  	[sflag:s1] =	ssyncset.done $0x0  }
0xc7: {  	s18 =	simm.s32 $0x4C00;
	[sflag:s1] =	ssyncadd.s32 $0xFFFFC000  }
0xc8: {  	[spmem:s2] =	stream.indirect.scatter.add.f32 [tilespmem:s26], [sflag:$0x5], $0x40, s18, s25, $0xb8;
	v63 =	vld [tilespmem:$0x0]  }
0xc9: {  	_ =	swait.ge [sflag:s8], $0x4000  }
0xca: {  	[sflag:s8] =	ssyncset.done $0x0  }
0xcb: {  	[sflag:s8] =	ssyncadd.s32 $0xFFFFC000  }
0xcc: {  	_ =	swait.ge [sflag:s11], $0x4000  }
0xcd: {  	[sflag:s11] =	ssyncset.done $0x0  }
0xce: {  	s31 =	simm.s32 $0x4D00;
	[sflag:s11] =	ssyncadd.s32 $0xFFFFC000  }
0xcf: {  	[spmem:s2] =	stream.indirect.scatter.add.f32 [tilespmem:s28], [sflag:$0x6], $0x40, s31, s25, $0xb8;
	v63 =	vld [tilespmem:$0x0]  }
0xd0: {  	_ =	swait.ge [sflag:s13], $0x4000  }
0xd1: {  	[sflag:s13] =	ssyncset.done $0x0  }
0xd2: {  	[sflag:s13] =	ssyncadd.s32 $0xFFFFC000  }
0xd3: {  	_ =	swait.ge [sflag:s15], $0x4000  }
0xd4: {  	[sflag:s15] =	ssyncset.done $0x0  }
0xd5: {  	s18 =	simm.s32 $0x4E00;
	[sflag:s15] =	ssyncadd.s32 $0xFFFFC000  }
0xd6: {  	[spmem:s2] =	stream.indirect.scatter.add.f32 [tilespmem:s30], [sflag:$0x7], $0x40, s18, s25, $0xb8;
	v63 =	vld [tilespmem:$0x0]  }
0xd7: {  	_ =	swait.ge [sflag:s17], $0x4000  }
0xd8: {  	[sflag:s17] =	ssyncset.done $0x0  }
0xd9: {  	[sflag:s17] =	ssyncadd.s32 $0xFFFFC000  }
0xda: {  	_ =	swait.ge [sflag:s29], $0x4000  }
0xdb: {  	[sflag:s29] =	ssyncset.done $0x0  }
0xdc: {  	s31 =	simm.s32 $0x4F00;
	[sflag:s29] =	ssyncadd.s32 $0xFFFFC000  }
0xdd: {  	[spmem:s2] =	stream.indirect.scatter.add.f32 [tilespmem:s0], [sflag:$0x8], $0x40, s31, s25, $0xb8;
	v63 =	vld [tilespmem:$0x0]  }
0xde: {  	_ =	swait.ge [sflag:s10], $0x4000  }
0xdf: {  	s14 =	sadd.s32 $0x1, s14;
	[sflag:s10] =	ssyncset.done $0x0  }
0xe0: {  	p1 =	sne.s32 s14, s9;
	[sflag:s10] =	ssyncadd.s32 $0xFFFFC000  }
.Ltmp4:
0xe1: {  	[bflag:$0x0] =	sbarrier.arrive $0xFFFF;
	(pc) =	sbr.rel @p1 .LBB2_1-.Ltmp4, $4  }
0xe2: {  	[hbm:s19], [sflag:s21] =	dma.local [spmem:s22], $0x1400  }
0xe3: {  	_ =	swait.ge [sflag:s23], $0x1400  }
0xe4: {  	[sflag:s23] =	ssyncset.done $0x0  }
0xe5: {  	[sflag:s23] =	ssyncadd.s32 $0xFFFFEC00  }
0xe6: {  	_ =	sfence.sel $0x180000  }
0xe7: {  	[bflag:$0x0] =	sbarrier.arrive $0xFFFF  }
0xe8: {  	_ =	strace $0x9000004A  }
0xe9: {  	s0 =	stileid.u32;
	[bflag:$0x2] =	sbarrier.arrive $0xFFFF  }
0xea: {  	p0 =	sne.s32 s0, $0x0;
	s0 =	rddreg [dreg:$0x2]  }
0xeb: {  	s0 =	sadd.s32 @!p0 $0x100000, s0  }
0xec: {  	[sflag:s0] =	ssyncadd.tile.s32 @!p0 $0x1;
	_ =	shalt  }
.Lfunc_end2:
_tile_overlayer_lowered:
.L_overlay_start_2:
0xed: {  	(tag) =	ssettag $0x2  }
0xee: {  	s0 =	rddreg [dreg:$0x0];
	s2 =	stileid.u32  }
0xef: {  	s1 =	rddreg [dreg:$0x1];
	p0 =	sne.s32 s2, $0x0  }
0xf0: {  	s3 =	rddreg [dreg:$0x2];
	[bflag:$0x3] =	sbarrier.arrive $0xFFFF;
	s2 =	simm.s32 @!p0 $0x1C0A  }
0xf1: {  	[timem:s3], [sflag:s2] =	dma.local @!p0 [hbm:s0], s1  }
0xf2: {  	s0 =	simm.s32 @!p0 $0xA  }
0xf3: {  	_ =	swait.ge @!p0 [sflag:s0], s1  }
0xf4: {  	s1 =	ssub.s32 @!p0 $0x0, s1;
	[sflag:s0] =	ssyncset.done @!p0 $0x0  }
0xf5: {  	[sflag:s0] =	ssyncadd.s32 @!p0 s1  }
0xf6: {  	[bflag:$0x3] =	sbarrier.arrive $0xFFFF  }
0xf7: {  	_ =	shalt  }

// kernel: kernel.15.cloned.1.call-start
scs
__scs_entry_jumppad:
0x0: {  	(pc) =	sbr.rel $0x88, $3  }
0x1: {  	(tag) =	ssettag $0x0;
	lr =	simm.s32 $0x1  }
0x2: {  	[smem:$0x3F9B] =	sst lr;
	_ =	strace $0xD0000000  }
0x3: {  	_ = 	snop  }
0x4: {  	_ = 	snop  }
0x5: {  	_ = 	snop  }
0x6: {  	_ = 	snop  }
0x7: {  	_ = 	snop  }
__scs_overlays_trampoline_lowered:
0x8: {  	[smem:$0x3FAA] =	sst s0  }
0x9: {  	[smem:$0x3FAB] =	sst s1  }
0xa: {  	[smem:$0x3FAC] =	sst s2  }
0xb: {  	[smem:$0x3FAD] =	sst s3  }
0xc: {  	[smem:$0x3FAE] =	sst s4  }
0xd: {  	[smem:$0x3FAF] =	sst s5  }
0xe: {  	[smem:$0x3FB0] =	sst s6  }
0xf: {  	[smem:$0x3FB1] =	sst s7  }
0x10: {  	[smem:$0x3FB2] =	sst s8  }
0x11: {  	[smem:$0x3FB3] =	sst s9;
	s0 =	simm.s32 @!p0 $0x0  }
0x12: {  	s1 =	sld [smem:$0x3F99];
	s0 =	simm.s32 @p0 $0x1  }
0x13: {  	[smem:$0x3FB4] =	sst s0;
	s0 =	simm.s32 @!p1 $0x0  }
0x14: {  	s2 =	sld [smem:$0x3F98];
	s0 =	simm.s32 @p1 $0x1  }
0x15: {  	[smem:$0x3FB5] =	sst s0;
	s0 =	simm.s32 @!p2 $0x0  }
0x16: {  	s3 =	sld [smem:$0x3FDB];
	s0 =	simm.s32 @p2 $0x1  }
0x17: {  	s4 =	simm.s32 $0x1BF5;
	[smem:$0x3FB7] =	sst s0  }
0x18: {  	s0 =	sld [smem:$0x3F9A];
	_ =	swait.ge [sflag:s4], $0x0  }
0x19: {  	s7 =	sld [smem:$0x3F9B]  }
0x1a: {  	s8 =	sadd.s32 $0xFFFFE003, lr  }
0x1b: {  	s9 =	sadd.s32 $0xFFFFFEF7, lr;
	s5 =	simm.s32 $0xFFFFFFFF;
	p2 =	slt.u32 s8, $0xFFFFF086  }
0x1c: {  	p1 =	slt.u32 s9, $0xF7A;
	s5 =	simm.s32 @!p2 $0x0  }
0x1d: {  	s5 =	simm.s32 @p1 $0x1;
	p0 =	seq.s32 s7, s2  }
0x1e: {  	s7 =	smul.u32 @!p0 $0xF7A, s2;
	p2 =	seq.s32 @!p0 s5, $0x0  }
0x1f: {  	s9 =	smul.u32 $0xF7A, s1;
	s8 =	simm.s32 @!p0 $0x1BF5;
	p2 =	por !p2, p0  }
0x20: {  	[sflag:s8] =	ssyncset.s32 @!p0 $0xFFFFF086;
	s6 =	sadd.s32 @!p0 s3, s7;
	s7 =	simm.s32 @!p0 $0x108  }
0x21: {  	s3 =	sadd.s32 s3, s9;
	s6 =	sadd.s32 @!p0 $0x88, s6;
	s7 =	simm.s32 @p2 $0x1082  }
0x22: {  	[simem:s7], [sflag:s8] =	dma.local @!p0 [hbm:s6], $0xF7A  }
0x23: {  	s9 =	sor.u32 $0xD0000000, s2;
	s6 =	simm.s32 $0x108;
	_ =	swait.ge @!p0 [sflag:s8], $0x0  }
0x24: {  	s3 =	sadd.s32 $0x88, s3;
	s6 =	simm.s32 @!p1 $0x1082;
	[sflag:s4] =	ssyncset.s32 $0xFFFFF086  }
0x25: {  	[simem:s6], [sflag:s4] =	dma.local [hbm:s3], $0xF7A  }
0x26: {  	[smem:$0x3F9B] =	sst s1;
	(tag) =	ssettag s2;
	_ =	strace s9  }
0x27: {  	s1 =	sld [smem:$0x3FAB]  }
0x28: {  	s2 =	sld [smem:$0x3FAC]  }
0x29: {  	s4 =	sld [smem:$0x3FAE]  }
0x2a: {  	p0 =	seq.s32 s5, $0x0;
	s5 =	sld [smem:$0x3FAF]  }
0x2b: {  	s6 =	sld [smem:$0x3FB0]  }
0x2c: {  	s7 =	sld [smem:$0x3FB1]  }
0x2d: {  	s3 =	simm.s32 $0x108;
	s8 =	sld [smem:$0x3FB2]  }
0x2e: {  	s3 =	simm.s32 @!p0 $0x1082;
	s9 =	sld [smem:$0x3FB3]  }
0x2f: {  	lr =	sadd.s32 s0, s3;
	s0 =	sld [smem:$0x3FAA]  }
0x30: {  	s3 =	sld [smem:$0x3FAD]  }
0x31: {  	[smem:$0x3FB6] =	sst s10  }
0x32: {  	s10 =	sld [smem:$0x3FB4];
	_ =	sdelay $0x3  }
0x33: {  	p0 =	seq.s32 s10, $0x1;
	s10 =	sld [smem:$0x3FB6];
	_ =	sdelay $0x3  }
0x34: {  	[smem:$0x3FB6] =	sst s10  }
0x35: {  	s10 =	sld [smem:$0x3FB5];
	_ =	sdelay $0x3  }
0x36: {  	p1 =	seq.s32 s10, $0x1;
	s10 =	sld [smem:$0x3FB6];
	_ =	sdelay $0x3  }
0x37: {  	[smem:$0x3FB6] =	sst s10  }
0x38: {  	s10 =	sld [smem:$0x3FB7]  }
0x39: {  	_ = 	snop;
	(pc) =	sbr.ind lr, $3  }
0x3a: {  	_ = 	snop  }
0x3b: {  	_ = 	snop  }
0x3c: {  	p2 =	seq.s32 s10, $0x1;
	s10 =	sld [smem:$0x3FB6]  }
0x3d: {  	_ =	shalt  }
0x3e: {  	_ =	shalt  }
0x3f: {  	_ =	shalt  }
0x40: {  	_ =	shalt  }
0x41: {  	_ =	shalt  }
0x42: {  	_ =	shalt  }
0x43: {  	_ =	shalt  }
0x44: {  	_ =	shalt  }
0x45: {  	_ =	shalt  }
0x46: {  	_ =	shalt  }
0x47: {  	_ =	shalt  }
0x48: {  	_ =	shalt  }
0x49: {  	_ =	shalt  }
0x4a: {  	_ =	shalt  }
0x4b: {  	_ =	shalt  }
0x4c: {  	_ =	shalt  }
0x4d: {  	_ =	shalt  }
0x4e: {  	_ =	shalt  }
0x4f: {  	_ =	shalt  }
0x50: {  	_ =	shalt  }
0x51: {  	_ =	shalt  }
0x52: {  	_ =	shalt  }
0x53: {  	_ =	shalt  }
0x54: {  	_ =	shalt  }
0x55: {  	_ =	shalt  }
0x56: {  	_ =	shalt  }
0x57: {  	_ =	shalt  }
0x58: {  	_ =	shalt  }
0x59: {  	_ =	shalt  }
0x5a: {  	_ =	shalt  }
0x5b: {  	_ =	shalt  }
0x5c: {  	_ =	shalt  }
0x5d: {  	_ =	shalt  }
0x5e: {  	_ =	shalt  }
0x5f: {  	_ =	shalt  }
0x60: {  	_ =	shalt  }
0x61: {  	_ =	shalt  }
0x62: {  	_ =	shalt  }
0x63: {  	_ =	shalt  }
0x64: {  	_ =	shalt  }
0x65: {  	_ =	shalt  }
0x66: {  	_ =	shalt  }
0x67: {  	_ =	shalt  }
0x68: {  	_ =	shalt  }
0x69: {  	_ =	shalt  }
0x6a: {  	_ =	shalt  }
0x6b: {  	_ =	shalt  }
0x6c: {  	_ =	shalt  }
0x6d: {  	_ =	shalt  }
0x6e: {  	_ =	shalt  }
0x6f: {  	_ =	shalt  }
0x70: {  	_ =	shalt  }
0x71: {  	_ =	shalt  }
0x72: {  	_ =	shalt  }
0x73: {  	_ =	shalt  }
0x74: {  	_ =	shalt  }
0x75: {  	_ =	shalt  }
0x76: {  	_ =	shalt  }
0x77: {  	_ =	shalt  }
0x78: {  	_ =	shalt  }
0x79: {  	_ =	shalt  }
0x7a: {  	_ =	shalt  }
0x7b: {  	_ =	shalt  }
0x7c: {  	_ =	shalt  }
0x7d: {  	_ =	shalt  }
0x7e: {  	_ =	shalt  }
0x7f: {  	_ =	shalt  }
0x80: {  	_ =	shalt  }
0x81: {  	_ =	shalt  }
0x82: {  	_ =	shalt  }
0x83: {  	_ =	shalt  }
0x84: {  	_ =	shalt  }
0x85: {  	_ =	shalt  }
0x86: {  	_ =	shalt  }
0x87: {  	_ =	shalt  }
.Lfunc_end0:
.L_simem_size_0:
called_computation.2_lowered:
.L_overlay_start_0:
0x88: {  	s2 =	sld [smem:$0x3FD9]  }
0x89: {  	s3 =	sld [smem:$0x3FFE];
	_ =	sdelay $0x1  }
0x8a: {  	s1 =	srdreg.scid  }
0x8b: {  	s0 =	sand.u32 $0x1, s1  }
0x8c: {  	s16 =	sshll.u32 s0, $0xA;
	s2 =	sadd.s32 s3, s2  }
0x8d: {  	s2 =	sadd.s32 s2, s16  }
0x8e: {  	[smem:$0x3FC2] =	sst s2  }
0x8f: {  	_ = 	snop  }
0x90: {  	(tm) =	ssettm $0x1  }
0x91: {  	s17 =	sld [smem:$0x3FFB];
	_ =	sdelay $0x3  }
0x92: {  	_ =	strace s17  }
0x93: {  	s2 =	sld [smem:$0x3FFC];
	_ =	sdelay $0x3  }
0x94: {  	_ =	strace s2  }
0x95: {  	s2 =	sld [smem:$0x3FFD];
	_ =	sdelay $0x3  }
0x96: {  	_ =	strace s2  }
0x97: {  	_ =	strace $0x8FFFFFFF  }
0x98: {  	s18 =	sld [smem:$0x3FDB];
	_ =	sdelay $0x1  }
0x99: {  	s19 =	simm.s32 $_scs_section_size  }
0x9a: {  	s4 =	simm.s32 $_size__tile_overlayer_lowered;
	s5 =	simm.s32 $_tile_overlayer_lowered  }
0x9b: {  	s22 =	simm.s32 $0x1BFF;
	s21 =	sshll.u32 s5, $0x1;
	s2 =	sadd.s32 s19, s18  }
0x9c: {  	s6 =	simm.s32 $0x0;
	s20 =	sshll.u32 s4, $0x1;
	s4 =	sadd.s32 s21, s2  }
0x9d: {  	[timem:s6], [sflag:s22] =	dma.local [hbm:s4], s20  }
0x9e: {  	_ =	swait.ge [sflag:s22], s20  }
0x9f: {  	s3 =	ssub.s32 $0x0, s20;
	[sflag:s22] =	ssyncset.done $0x0  }
0xa0: {  	[sflag:s22] =	ssyncadd.s32 s3;
	_ =	sdelay $0x1  }
0xa1: {  	s23 =	simm.s32 $0x1B8B  }
0xa2: {  	_ =	swait.ge [sflag:s23], $0x1  }
0xa3: {  	[sflag:s23] =	ssyncset.done $0x0  }
0xa4: {  	s25 =	simm.s32 $0x1B8E;
	s24 =	sld [smem:$0x3FFE];
	[sflag:s23] =	ssyncadd.s32 $0xFFFFFFFF  }
0xa5: {  	s26 =	simm.s32 $execute0_lowered;
	[smem:$0x3FD2] =	sst s25  }
0xa6: {  	s4 =	sshll.u32 s26, $0x1;
	_ =	strace $0x8000004C;
	[dreg:$0x1] =	wrdreg $0xFFFFFFFF  }
0xa7: {  	s28 =	simm.s32 $_size_execute0_lowered;
	s2 =	sadd.s32 s2, s4;
	[dreg:$0x0] =	wrdreg $0x0  }
0xa8: {  	s4 =	sshll.u32 s28, $0x1;
	[dreg:$0x2] =	wrdreg s2  }
0xa9: {  	[dreg:$0x3] =	wrdreg s4  }
0xaa: {  	[dreg:$0x4] =	wrdreg $0xC0  }
0xab: {  	_ =	task [dreg:s6], $0x5FFFF  }
0xac: {  	[dreg:$0x1] =	wrdreg $0xFFFFFFFF  }
0xad: {  	[dreg:$0x0] =	wrdreg $0x60  }
0xae: {  	[dreg:$0x2] =	wrdreg s24  }
0xaf: {  	[dreg:$0x3] =	wrdreg $0x11C000  }
0xb0: {  	[dreg:$0x4] =	wrdreg $0xF4000  }
0xb1: {  	[dreg:$0x5] =	wrdreg $0x9  }
0xb2: {  	_ =	task.clear_ibuf [dreg:s6], $0x6FFFF;
	_ =	strace $0x9000004C  }
0xb3: {  	s29 =	simm.s32 $0x9;
	_ =	strace $0x8000004E  }
0xb4: {  	_ =	swait.ge [sflag:s29], $0x1  }
0xb5: {  	[sflag:s29] =	ssyncadd.s32 $0xFFFFFFFF  }
0xb6: {  	_ =	strace $0x9000004E  }
0xb7: {  	_ =	sfence  }
0xb8: {  	s30 =	sld [smem:$0x0];
	_ =	sdelay $0x2  }
0xb9: {  	s31 =	sshll.u32 s1, $0xD;
	s1 =	sshrl.u32 s1, $0x2  }
0xba: {  	s3 =	sand.u32 $0x4000, s31;
	s1 =	sadd.s32 s1, s30  }
0xbb: {  	s0 =	sor.u32 s3, s0;
	s1 =	sshll.u32 s1, $0x11  }
0xbc: {  	s0 =	sor.u32 s1, s0  }
0xbd: {  	s0 =	sadd.s32 $0x8F2B, s0  }
0xbe: {  	[sflag:s0] =	ssyncadd.remote.s32 $0x1  }
0xbf: {  	_ =	sfence.sel $0xFFFF  }
0xc0: {  	[dreg:$0x0] =	wrdreg $0xFFFFFFFF;
	(pc) =	sbr.abs _section_cstart, $3  }
0xc1: {  	[dreg:$0x1] =	wrdreg $0xFFFFFFFF  }
0xc2: {  	_ =	task.clear_ibuf [dreg:s6], $0x2FFFF;
	_ =	strace $0x9FFFFFFF  }
0xc3: {  	(tm) =	ssettm $0x7FFFFFFF  }
tec
execute0_lowered:
.L_overlay_start_1:
0x0: {  	(tag) =	ssettag $0x1  }
0x1: {  	s0 =	rddreg [dreg:$0x0]  }
0x2: {  	s2 =	rddreg [dreg:$0x1]  }
0x3: {  	s3 =	rddreg [dreg:$0x2]  }
0x4: {  	s6 =	simm.s32 $0x0;
	s9 =	stileid.u32;
	s1 =	srdreg.scid  }
0x5: {  	s28 =	simm.s32 $0x1;
	s29 =	simm.s32 $0xB;
	s11 =	simm.s32 $0x3  }
0x6: {  	s30 =	simm.s32 $0x5;
	s4 =	smul.u32 $0x2800, s9;
	s1 =	sand.u32 $0x1, s1  }
0x7: {  	s5 =	sshll.u32 s9, $0x1;
	[smem:$0x7FF] =	sst s6;
	s14 =	smul.u32 $0xA000, s9  }
0x8: {  	s17 =	sshll.u32 s9, $0x6;
	s5 =	sor.u32 s1, s5;
	s7 =	ssub.s32 $0x2, s1  }
0x9: {  	_ =	strace $0x8000004D;
	s12 =	sshrl.u32 s4, $0x3;
	s5 =	smul.u32 $0x500, s5  }
0xa: {  	s8 =	sshrl.u32 s7, $0x1;
	s16 =	sadd.s32 s4, s2;
	s4 =	sadd.s32 s4, s3  }
0xb: {  	s13 =	ssub.s32 s7, s8;
	s8 =	sor.u32 $0x1C16, s17;
	[dreg:$0x9] =	wrdreg s4  }
0xc: {  	s7 =	sshrl.u32 s14, $0x2;
	s18 =	smax.u32 s13, $0x1;
	[dreg:$0x7] =	wrdreg s8  }
0xd: {  	s6 =	sadd.s32 s12, s0;
	s7 =	sadd.s32 s7, s3;
	[dreg:$0xa] =	wrdreg s18  }
0xe: {  	s0 =	sadd.s32 s5, s0;
	s10 =	sadd.s32 $0x16A00, s6;
	[dreg:$0x8] =	wrdreg s7  }
0xf: {  	s9 =	simm.s32 $0xA;
	s15 =	sadd.s32 $0x2A00, s0;
	[dreg:$0x6] =	wrdreg s10  }
0x10: {  	p0 =	seq.s32 s1, $0x0;
	s0 =	sadd.s32 $0xCA00, s0;
	[dreg:$0x4] =	wrdreg s15  }
0x11: {  	s4 =	simm.s32 $0x1BA00;
	s19 =	sadd.s32 $0x400, s7;
	[dreg:$0x5] =	wrdreg s0  }
0x12: {  	s12 =	simm.s32 $0x9000;
	s20 =	sadd.s32 $0x800, s7;
	[dreg:$0xb] =	wrdreg s19  }
0x13: {  	s17 =	simm.s32 $0xD;
	s21 =	sadd.s32 $0xC00, s7;
	[dreg:$0xc] =	wrdreg s20  }
0x14: {  	s14 =	simm.s32 $0x9;
	s22 =	sadd.s32 $0x1000, s7;
	[dreg:$0xd] =	wrdreg s21  }
0x15: {  	s4 =	simm.s32 @!p0 $0x20A00;
	s23 =	sadd.s32 $0x1400, s7;
	[dreg:$0xe] =	wrdreg s22  }
0x16: {  	p0 =	sne.s32 s1, $0x0;
	s24 =	sadd.s32 $0x1800, s7;
	[dreg:$0xf] =	wrdreg s23  }
0x17: {  	s5 =	simm.s32 $0x16;
	s25 =	sadd.s32 $0x1C00, s7;
	[dreg:$0x10] =	wrdreg s24  }
0x18: {  	s13 =	simm.s32 $0x7;
	s26 =	sadd.s32 $0x2000, s7;
	[dreg:$0x11] =	wrdreg s25  }
0x19: {  	s1 =	simm.s32 $0x0;
	s31 =	sadd.s32 $0x2400, s7;
	[dreg:$0x12] =	wrdreg s26  }
0x1a: {  	s4 =	sadd.s32 s4, s6;
	s7 =	simm.s32 $0x7000;
	[dreg:$0x13] =	wrdreg s31  }
0x1b: {  	s18 =	simm.s32 $0xF;
	[dreg:$0x14] =	wrdreg s4;
	s0 =	sshrl.u32 s16, $0x3  }
0x1c: {  	s26 =	simm.s32 $0x100;
	s15 =	simm.s32 $0x5000;
	s16 =	simm.s32 $0xB000  }
0x1d: {  	s24 =	simm.s32 $0xD000;
	s25 =	simm.s32 $0xE000;
	s19 =	simm.s32 $0x11  }
0x1e: {  	v0 =	vimm.f32 $0.0e+00;
	s20 =	simm.s32 $0x13;
	s22 =	simm.s32 $0xD;
	[dreg:$0x15] =	wrdreg s0  }
.LBB2_1:
0x1f: {  	[dreg:$0x16] =	wrdreg s1  }
0x20: {  	s6 =	rddreg [dreg:$0x4]  }
0x21: {  	s0 =	simm.s32 $0x0;
	s21 =	rddreg [dreg:$0x5]  }
0x22: {  	[tilespmem:s0], [sflag:$0x15] =	stream.linear.gather [hbm4b:s6+s0], $0x2800, $0x38;
	[tilespmem:$0x14400] =	vst v63  }
0x23: {  	s4 =	simm.s32 $0x2800;
	s23 =	rddreg [dreg:$0x15]  }
0x24: {  	[tilespmem:s4], [sflag:$0x15] =	stream.linear.gather [hbm4b:s21+s0], $0x2800, $0x38;
	[tilespmem:$0x14400] =	vst v63  }
0x25: {  	[spmem:s23], [sflag:s8] =	dma.local [hbm:s10], $0x500  }
.Ltmp0:
0x26: {  	_ = 	snop;
	(pc) =	sbr.rel @p0 .LBB2_3-.Ltmp0, $4  }
0x27: {  	_ =	swait.ge [sflag:s5], $0x500  }
0x28: {  	s31 =	rddreg [dreg:$0x9]  }
0x29: {  	[sflag:s5] =	ssyncset.done $0x0;
	s0 =	sshrl.u32 s31, $0x3  }
0x2a: {  	[sflag:s5] =	ssyncadd.s32 $0xFFFFFB00;
	[dreg:$0x17] =	wrdreg s0  }
.Ltmp1:
0x2b: {  	(pc) =	sbr.rel .LBB2_6-.Ltmp1, $4  }
0x2c: {  	[spmem:s0], [sflag:s8] =	dma.local [hbm:s10], $0x500  }
0x2d: {  	_ =	swait.ge [sflag:s5], $0x500  }
0x2e: {  	[sflag:s5] =	ssyncset.done $0x0  }
0x2f: {  	[sflag:s5] =	ssyncadd.s32 $0xFFFFFB00  }
.LBB2_3:
0x30: {  	s0 =	simm.s32 $0x40;
	s4 =	simm.s32 $0x0  }
.LBB2_4:
0x31: {  	p1 =	sne.s32 s0, $0xFC0;
	[tilespmem:s4+$0xF000] =	vst v0;
	s4 =	smov.u32 s0;
	s0 =	sadd.s32 $0x40, s0  }
.Ltmp2:
0x32: {  	(pc) =	sbr.rel @p1 .LBB2_4-.Ltmp2, $2  }
0x33: {  	_ =	sdelay $0x2  }
0x34: {  	s4 =	sshra.s32 s4, $0x2  }
0x35: {  	[tilespmem:s4+$0xF000] =	vst v0;
	s0 =	rddreg [dreg:$0x8];
	s1 =	simm.s32 $0xF000  }
0x36: {  	[spmem:s0] =	stream.linear.scatter [tilespmem:s1], [sflag:$0x16], $0x400, $0x38;
	[tilespmem:$0x14400] =	vst v63  }
0x37: {  	_ =	swait.ge [sflag:s5], $0x400  }
0x38: {  	[sflag:s5] =	ssyncset.done $0x0  }
0x39: {  	s23 =	rddreg [dreg:$0xb];
	[sflag:s5] =	ssyncadd.s32 $0xFFFFFC00  }
0x3a: {  	[spmem:s23] =	stream.linear.scatter [tilespmem:s1], [sflag:$0x16], $0x400, $0x38;
	[tilespmem:$0x14400] =	vst v63  }
0x3b: {  	_ =	swait.ge [sflag:s5], $0x400  }
0x3c: {  	[sflag:s5] =	ssyncset.done $0x0  }
0x3d: {  	s31 =	rddreg [dreg:$0xc];
	[sflag:s5] =	ssyncadd.s32 $0xFFFFFC00  }
0x3e: {  	[spmem:s31] =	stream.linear.scatter [tilespmem:s1], [sflag:$0x16], $0x400, $0x38;
	[tilespmem:$0x14400] =	vst v63  }
0x3f: {  	_ =	swait.ge [sflag:s5], $0x400  }
0x40: {  	[sflag:s5] =	ssyncset.done $0x0  }
0x41: {  	s4 =	rddreg [dreg:$0xd];
	[sflag:s5] =	ssyncadd.s32 $0xFFFFFC00  }
0x42: {  	[spmem:s4] =	stream.linear.scatter [tilespmem:s1], [sflag:$0x16], $0x400, $0x38;
	[tilespmem:$0x14400] =	vst v63  }
0x43: {  	_ =	swait.ge [sflag:s5], $0x400  }
0x44: {  	[sflag:s5] =	ssyncset.done $0x0  }
0x45: {  	s6 =	rddreg [dreg:$0xe];
	[sflag:s5] =	ssyncadd.s32 $0xFFFFFC00  }
0x46: {  	[spmem:s6] =	stream.linear.scatter [tilespmem:s1], [sflag:$0x16], $0x400, $0x38;
	[tilespmem:$0x14400] =	vst v63  }
0x47: {  	_ =	swait.ge [sflag:s5], $0x400  }
0x48: {  	[sflag:s5] =	ssyncset.done $0x0  }
0x49: {  	s8 =	rddreg [dreg:$0xf];
	[sflag:s5] =	ssyncadd.s32 $0xFFFFFC00  }
0x4a: {  	[spmem:s8] =	stream.linear.scatter [tilespmem:s1], [sflag:$0x16], $0x400, $0x38;
	[tilespmem:$0x14400] =	vst v63  }
0x4b: {  	_ =	swait.ge [sflag:s5], $0x400  }
0x4c: {  	[sflag:s5] =	ssyncset.done $0x0  }
0x4d: {  	s10 =	rddreg [dreg:$0x10];
	[sflag:s5] =	ssyncadd.s32 $0xFFFFFC00  }
0x4e: {  	[spmem:s10] =	stream.linear.scatter [tilespmem:s1], [sflag:$0x16], $0x400, $0x38;
	[tilespmem:$0x14400] =	vst v63  }
0x4f: {  	_ =	swait.ge [sflag:s5], $0x400  }
0x50: {  	[sflag:s5] =	ssyncset.done $0x0  }
0x51: {  	s21 =	rddreg [dreg:$0x11];
	[sflag:s5] =	ssyncadd.s32 $0xFFFFFC00  }
0x52: {  	[spmem:s21] =	stream.linear.scatter [tilespmem:s1], [sflag:$0x16], $0x400, $0x38;
	[tilespmem:$0x14400] =	vst v63  }
0x53: {  	_ =	swait.ge [sflag:s5], $0x400  }
0x54: {  	[sflag:s5] =	ssyncset.done $0x0  }
0x55: {  	s23 =	rddreg [dreg:$0x12];
	[sflag:s5] =	ssyncadd.s32 $0xFFFFFC00  }
0x56: {  	[spmem:s23] =	stream.linear.scatter [tilespmem:s1], [sflag:$0x16], $0x400, $0x38;
	[tilespmem:$0x14400] =	vst v63  }
0x57: {  	_ =	swait.ge [sflag:s5], $0x400  }
0x58: {  	[sflag:s5] =	ssyncset.done $0x0  }
0x59: {  	s31 =	rddreg [dreg:$0x13];
	[sflag:s5] =	ssyncadd.s32 $0xFFFFFC00  }
0x5a: {  	[spmem:s31] =	stream.linear.scatter [tilespmem:s1], [sflag:$0x16], $0x400, $0x38;
	[tilespmem:$0x14400] =	vst v63  }
0x5b: {  	_ =	swait.ge [sflag:s5], $0x400  }
0x5c: {  	[sflag:s5] =	ssyncset.done $0x0  }
0x5d: {  	[sflag:s5] =	ssyncadd.s32 $0xFFFFFC00  }
.LBB2_6:
0x5e: {  	s0 =	simm.s32 $0x15  }
0x5f: {  	_ =	swait.ge [sflag:s0], $0x2800  }
0x60: {  	[sflag:s0] =	ssyncset.done $0x0  }
0x61: {  	[sflag:s0] =	ssyncadd.s32 $0xFFFFD800  }
0x62: {  	_ =	swait.ge [sflag:s0], $0x2800  }
0x63: {  	[sflag:s0] =	ssyncset.done $0x0  }
0x64: {  	[sflag:s0] =	ssyncadd.s32 $0xFFFFD800  }
0x65: {  	s5 =	simm.s32 $0x0;
	[bflag:$0x0] =	sbarrier.arrive $0xFFFF  }
0x66: {  	[tilespmem:s15], [sflag:$0x1] =	stream.indirect.gather [spmem:s2], $0x10, s5, s26, $0xb8;
	[tilespmem:$0x14400] =	vst v63  }
0x67: {  	s6 =	simm.s32 $0x6000  }
0x68: {  	[tilespmem:s6], [sflag:$0x2] =	stream.indirect.gather [spmem:s2], $0x10, s26, s26, $0xb8;
	[tilespmem:$0x14400] =	vst v63  }
0x69: {  	s8 =	simm.s32 $0x200  }
0x6a: {  	[tilespmem:s7], [sflag:$0x3] =	stream.indirect.gather [spmem:s2], $0x10, s8, s26, $0xb8;
	[tilespmem:$0x14400] =	vst v63  }
0x6b: {  	s10 =	simm.s32 $0x300;
	s1 =	simm.s32 $0x8000  }
0x6c: {  	[tilespmem:s1], [sflag:$0x4] =	stream.indirect.gather [spmem:s2], $0x10, s10, s26, $0xb8;
	[tilespmem:$0x14400] =	vst v63  }
0x6d: {  	s21 =	simm.s32 $0x400  }
0x6e: {  	[tilespmem:s12], [sflag:$0x5] =	stream.indirect.gather [spmem:s2], $0x10, s21, s26, $0xb8;
	[tilespmem:$0x14400] =	vst v63  }
0x6f: {  	s23 =	simm.s32 $0x500;
	s31 =	simm.s32 $0xA000  }
0x70: {  	[tilespmem:s31], [sflag:$0x6] =	stream.indirect.gather [spmem:s2], $0x10, s23, s26, $0xb8;
	[tilespmem:$0x14400] =	vst v63  }
0x71: {  	s1 =	simm.s32 $0x600  }
0x72: {  	[tilespmem:s16], [sflag:$0x7] =	stream.indirect.gather [spmem:s2], $0x10, s1, s26, $0xb8;
	[tilespmem:$0x14400] =	vst v63  }
0x73: {  	s4 =	simm.s32 $0x700;
	p1 =	por $0x1, $0x1;
	s5 =	simm.s32 $0xC000  }
0x74: {  	[tilespmem:s5], [sflag:$0x8] =	stream.indirect.gather [spmem:s2], $0x10, s4, s26, $0xb8;
	[tilespmem:$0x14400] =	vst v63  }
0x75: {  	s0 =	simm.s32 @!p1 $0x14;
	s6 =	simm.s32 $0x800  }
0x76: {  	[tilespmem:s24], [sflag:$0x9] =	stream.indirect.gather [spmem:s2], $0x10, s6, s26, $0xb8;
	[tilespmem:$0x14400] =	vst v63  }
0x77: {  	_ =	swait.ge @!p1 [sflag:s0], $0x1000  }
0x78: {  	[sflag:s0] =	ssyncset.done @!p1 $0x0  }
0x79: {  	s8 =	simm.s32 $0x900;
	[sflag:s0] =	ssyncadd.s32 @!p1 $0xFFFFF000  }
0x7a: {  	[tilespmem:s25], [sflag:$0xA] =	stream.indirect.gather [spmem:s2], $0x10, s8, s26, $0xb8;
	[tilespmem:$0x14400] =	vst v63  }
0x7b: {  	_ =	swait.ge [sflag:s28], $0x1000  }
0x7c: {  	[sflag:s28] =	ssyncset.done $0x0  }
0x7d: {  	s10 =	simm.s32 $0x2800;
	[sflag:s28] =	ssyncadd.s32 $0xFFFFF000  }
0x7e: {  	[spmem:s3] =	stream.indirect.scatter.add.f32 [tilespmem:s15], [sflag:$0xB], $0x10, s10, s26, $0xb8;
	[tilespmem:$0x14400] =	vst v63  }
0x7f: {  	_ =	swait.ge [sflag:s29], $0x1000  }
0x80: {  	p1 =	por $0x0, $0x0;
	[sflag:s29] =	ssyncset.done $0x0  }
0x81: {  	s0 =	simm.s32 @p1 $0x2;
	[sflag:s29] =	ssyncadd.s32 $0xFFFFF000  }
0x82: {  	_ =	swait.ge @p1 [sflag:s0], $0x1000  }
0x83: {  	s4 =	simm.s32 @p1 $0x2900;
	s6 =	simm.s32 @p1 $0xC;
	[sflag:s0] =	ssyncset.done @p1 $0x0  }
0x84: {  	s5 =	simm.s32 @p1 $0x100;
	[sflag:s0] =	ssyncadd.s32 @p1 $0xFFFFF000;
	s0 =	simm.s32 @p1 $0x6000  }
0x85: {  	[spmem:s3] =	stream.indirect.scatter.add.f32 @p1 [tilespmem:s0], [sflag:$0xC], $0x10, s4, s5, $0xb8;
	[tilespmem:$0x14400] =	vst v63  }
0x86: {  	_ =	swait.ge @p1 [sflag:s6], $0x1000  }
0x87: {  	s0 =	simm.s32 @!p1 $0xA00;
	[sflag:s6] =	ssyncset.done @p1 $0x0  }
0x88: {  	s4 =	simm.s32 @!p1 $0x100;
	[sflag:s6] =	ssyncadd.s32 @p1 $0xFFFFF000;
	s6 =	simm.s32 @!p1 $0x5000  }
0x89: {  	[tilespmem:s6], [sflag:$0x1] =	stream.indirect.gather @!p1 [spmem:s2], $0x10, s0, s4, $0xb8;
	[tilespmem:$0x14400] =	vst v63  }
0x8a: {  	s0 =	simm.s32 @!p1 $0x2  }
0x8b: {  	_ =	swait.ge @!p1 [sflag:s0], $0x1000  }
0x8c: {  	[sflag:s0] =	ssyncset.done @!p1 $0x0  }
0x8d: {  	s6 =	simm.s32 @!p1 $0x2900;
	[sflag:s0] =	ssyncadd.s32 @!p1 $0xFFFFF000;
	s0 =	simm.s32 @!p1 $0x6000  }
0x8e: {  	[spmem:s3] =	stream.indirect.scatter.add.f32 @!p1 [tilespmem:s0], [sflag:$0xC], $0x10, s6, s4, $0xb8;
	[tilespmem:$0x14400] =	vst v63  }
0x8f: {  	s6 =	simm.s32 @!p1 $0xC  }
0x90: {  	_ =	swait.ge @!p1 [sflag:s6], $0x1000  }
0x91: {  	[sflag:s6] =	ssyncset.done @!p1 $0x0  }
0x92: {  	[sflag:s6] =	ssyncadd.s32 @!p1 $0xFFFFF000;
	s6 =	simm.s32 @!p1 $0xB00  }
0x93: {  	[tilespmem:s0], [sflag:$0x2] =	stream.indirect.gather @!p1 [spmem:s2], $0x10, s6, s4, $0xb8;
	[tilespmem:$0x14400] =	vst v63  }
0x94: {  	_ =	swait.ge [sflag:s11], $0x1000  }
0x95: {  	[sflag:s11] =	ssyncset.done $0x0  }
0x96: {  	s21 =	simm.s32 $0x2A00;
	[sflag:s11] =	ssyncadd.s32 $0xFFFFF000  }
0x97: {  	[spmem:s3] =	stream.indirect.scatter.add.f32 [tilespmem:s7], [sflag:$0xD], $0x10, s21, s26, $0xb8;
	[tilespmem:$0x14400] =	vst v63  }
0x98: {  	_ =	swait.ge [sflag:s17], $0x1000  }
0x99: {  	[sflag:s17] =	ssyncset.done $0x0  }
0x9a: {  	s0 =	simm.s32 @p1 $0x4;
	[sflag:s17] =	ssyncadd.s32 $0xFFFFF000  }
0x9b: {  	_ =	swait.ge @p1 [sflag:s0], $0x1000  }
0x9c: {  	[sflag:s0] =	ssyncset.done @p1 $0x0  }
0x9d: {  	s6 =	simm.s32 @p1 $0x2B00;
	[sflag:s0] =	ssyncadd.s32 @p1 $0xFFFFF000;
	s0 =	simm.s32 @p1 $0x8000  }
0x9e: {  	[spmem:s3] =	stream.indirect.scatter.add.f32 @p1 [tilespmem:s0], [sflag:$0xE], $0x10, s6, s5, $0xb8;
	[tilespmem:$0x14400] =	vst v63  }
0x9f: {  	s0 =	simm.s32 @p1 $0xE  }
0xa0: {  	_ =	swait.ge @p1 [sflag:s0], $0x1000  }
0xa1: {  	[sflag:s0] =	ssyncset.done @p1 $0x0  }
0xa2: {  	s6 =	simm.s32 @!p1 $0xC00;
	[sflag:s0] =	ssyncadd.s32 @p1 $0xFFFFF000;
	s0 =	simm.s32 @!p1 $0x7000  }
0xa3: {  	[tilespmem:s0], [sflag:$0x3] =	stream.indirect.gather @!p1 [spmem:s2], $0x10, s6, s4, $0xb8;
	[tilespmem:$0x14400] =	vst v63  }
0xa4: {  	s0 =	simm.s32 @!p1 $0x4  }
0xa5: {  	_ =	swait.ge @!p1 [sflag:s0], $0x1000  }
0xa6: {  	[sflag:s0] =	ssyncset.done @!p1 $0x0  }
0xa7: {  	s6 =	simm.s32 @!p1 $0x2B00;
	[sflag:s0] =	ssyncadd.s32 @!p1 $0xFFFFF000;
	s0 =	simm.s32 @!p1 $0x8000  }
0xa8: {  	[spmem:s3] =	stream.indirect.scatter.add.f32 @!p1 [tilespmem:s0], [sflag:$0xE], $0x10, s6, s4, $0xb8;
	[tilespmem:$0x14400] =	vst v63  }
0xa9: {  	s6 =	simm.s32 @!p1 $0xE  }
0xaa: {  	_ =	swait.ge @!p1 [sflag:s6], $0x1000  }
0xab: {  	[sflag:s6] =	ssyncset.done @!p1 $0x0  }
0xac: {  	[sflag:s6] =	ssyncadd.s32 @!p1 $0xFFFFF000;
	s6 =	simm.s32 @!p1 $0xD00  }
0xad: {  	[tilespmem:s0], [sflag:$0x4] =	stream.indirect.gather @!p1 [spmem:s2], $0x10, s6, s4, $0xb8;
	[tilespmem:$0x14400] =	vst v63  }
0xae: {  	_ =	swait.ge [sflag:s30], $0x1000  }
0xaf: {  	[sflag:s30] =	ssyncset.done $0x0  }
0xb0: {  	s23 =	simm.s32 $0x2C00;
	[sflag:s30] =	ssyncadd.s32 $0xFFFFF000  }
0xb1: {  	[spmem:s3] =	stream.indirect.scatter.add.f32 [tilespmem:s12], [sflag:$0xF], $0x10, s23, s26, $0xb8;
	[tilespmem:$0x14400] =	vst v63  }
0xb2: {  	_ =	swait.ge [sflag:s18], $0x1000  }
0xb3: {  	[sflag:s18] =	ssyncset.done $0x0  }
0xb4: {  	s0 =	simm.s32 @p1 $0x6;
	[sflag:s18] =	ssyncadd.s32 $0xFFFFF000  }
0xb5: {  	_ =	swait.ge @p1 [sflag:s0], $0x1000  }
0xb6: {  	[sflag:s0] =	ssyncset.done @p1 $0x0  }
0xb7: {  	s6 =	simm.s32 @p1 $0x2D00;
	[sflag:s0] =	ssyncadd.s32 @p1 $0xFFFFF000;
	s0 =	simm.s32 @p1 $0xA000  }
0xb8: {  	[spmem:s3] =	stream.indirect.scatter.add.f32 @p1 [tilespmem:s0], [sflag:$0x10], $0x10, s6, s5, $0xb8;
	[tilespmem:$0x14400] =	vst v63  }
0xb9: {  	s0 =	simm.s32 @p1 $0x10  }
0xba: {  	_ =	swait.ge @p1 [sflag:s0], $0x1000  }
0xbb: {  	[sflag:s0] =	ssyncset.done @p1 $0x0  }
0xbc: {  	s6 =	simm.s32 @!p1 $0xE00;
	[sflag:s0] =	ssyncadd.s32 @p1 $0xFFFFF000;
	s0 =	simm.s32 @!p1 $0x9000  }
0xbd: {  	[tilespmem:s0], [sflag:$0x5] =	stream.indirect.gather @!p1 [spmem:s2], $0x10, s6, s4, $0xb8;
	[tilespmem:$0x14400] =	vst v63  }
0xbe: {  	s0 =	simm.s32 @!p1 $0x6  }
0xbf: {  	_ =	swait.ge @!p1 [sflag:s0], $0x1000  }
0xc0: {  	[sflag:s0] =	ssyncset.done @!p1 $0x0  }
0xc1: {  	s6 =	simm.s32 @!p1 $0x2D00;
	[sflag:s0] =	ssyncadd.s32 @!p1 $0xFFFFF000;
	s0 =	simm.s32 @!p1 $0xA000  }
0xc2: {  	[spmem:s3] =	stream.indirect.scatter.add.f32 @!p1 [tilespmem:s0], [sflag:$0x10], $0x10, s6, s4, $0xb8;
	[tilespmem:$0x14400] =	vst v63  }
0xc3: {  	s6 =	simm.s32 @!p1 $0x10  }
0xc4: {  	_ =	swait.ge @!p1 [sflag:s6], $0x1000  }
0xc5: {  	[sflag:s6] =	ssyncset.done @!p1 $0x0  }
0xc6: {  	[sflag:s6] =	ssyncadd.s32 @!p1 $0xFFFFF000;
	s6 =	simm.s32 @!p1 $0xF00  }
0xc7: {  	[tilespmem:s0], [sflag:$0x6] =	stream.indirect.gather @!p1 [spmem:s2], $0x10, s6, s4, $0xb8;
	[tilespmem:$0x14400] =	vst v63  }
0xc8: {  	_ =	swait.ge [sflag:s13], $0x1000  }
0xc9: {  	[sflag:s13] =	ssyncset.done $0x0  }
0xca: {  	s30 =	simm.s32 $0x2E00;
	[sflag:s13] =	ssyncadd.s32 $0xFFFFF000  }
0xcb: {  	[spmem:s3] =	stream.indirect.scatter.add.f32 [tilespmem:s16], [sflag:$0x11], $0x10, s30, s26, $0xb8;
	[tilespmem:$0x14400] =	vst v63  }
0xcc: {  	_ =	swait.ge [sflag:s19], $0x1000  }
0xcd: {  	[sflag:s19] =	ssyncset.done $0x0  }
0xce: {  	s0 =	simm.s32 @p1 $0x8;
	[sflag:s19] =	ssyncadd.s32 $0xFFFFF000  }
0xcf: {  	_ =	swait.ge @p1 [sflag:s0], $0x1000  }
0xd0: {  	[sflag:s0] =	ssyncset.done @p1 $0x0  }
0xd1: {  	s6 =	simm.s32 @p1 $0x2F00;
	[sflag:s0] =	ssyncadd.s32 @p1 $0xFFFFF000;
	s0 =	simm.s32 @p1 $0xC000  }
0xd2: {  	[spmem:s3] =	stream.indirect.scatter.add.f32 @p1 [tilespmem:s0], [sflag:$0x12], $0x10, s6, s5, $0xb8;
	[tilespmem:$0x14400] =	vst v63  }
0xd3: {  	s0 =	simm.s32 @p1 $0x12  }
0xd4: {  	_ =	swait.ge @p1 [sflag:s0], $0x1000  }
0xd5: {  	[sflag:s0] =	ssyncset.done @p1 $0x0  }
0xd6: {  	s5 =	simm.s32 @!p1 $0x1000;
	[sflag:s0] =	ssyncadd.s32 @p1 $0xFFFFF000;
	s0 =	simm.s32 @!p1 $0xB000  }
0xd7: {  	[tilespmem:s0], [sflag:$0x7] =	stream.indirect.gather @!p1 [spmem:s2], $0x10, s5, s4, $0xb8;
	[tilespmem:$0x14400] =	vst v63  }
0xd8: {  	s0 =	simm.s32 @!p1 $0x8  }
0xd9: {  	_ =	swait.ge @!p1 [sflag:s0], $0x1000  }
0xda: {  	[sflag:s0] =	ssyncset.done @!p1 $0x0  }
0xdb: {  	s5 =	simm.s32 @!p1 $0x2F00;
	[sflag:s0] =	ssyncadd.s32 @!p1 $0xFFFFF000;
	s0 =	simm.s32 @!p1 $0xC000  }
0xdc: {  	[spmem:s3] =	stream.indirect.scatter.add.f32 @!p1 [tilespmem:s0], [sflag:$0x12], $0x10, s5, s4, $0xb8;
	[tilespmem:$0x14400] =	vst v63  }
0xdd: {  	s5 =	simm.s32 @!p1 $0x12  }
0xde: {  	_ =	swait.ge @!p1 [sflag:s5], $0x1000  }
0xdf: {  	[sflag:s5] =	ssyncset.done @!p1 $0x0  }
0xe0: {  	[sflag:s5] =	ssyncadd.s32 @!p1 $0xFFFFF000;
	s5 =	simm.s32 @!p1 $0x1100  }
0xe1: {  	[tilespmem:s0], [sflag:$0x8] =	stream.indirect.gather @!p1 [spmem:s2], $0x10, s5, s4, $0xb8;
	[tilespmem:$0x14400] =	vst v63  }
0xe2: {  	_ =	swait.ge [sflag:s14], $0x1000  }
0xe3: {  	[sflag:s14] =	ssyncset.done $0x0  }
0xe4: {  	s31 =	simm.s32 $0x3000;
	[sflag:s14] =	ssyncadd.s32 $0xFFFFF000  }
0xe5: {  	[spmem:s3] =	stream.indirect.scatter.add.f32 [tilespmem:s24], [sflag:$0x13], $0x10, s31, s26, $0xb8;
	[tilespmem:$0x14400] =	vst v63  }
0xe6: {  	_ =	swait.ge [sflag:s20], $0x1000  }
0xe7: {  	p2 =	por $0x0, $0x0;
	[sflag:s20] =	ssyncset.done $0x0  }
0xe8: {  	s0 =	simm.s32 @!p1 $0x1200;
	s5 =	simm.s32 @!p1 $0xD000;
	[sflag:s20] =	ssyncadd.s32 $0xFFFFF000  }
0xe9: {  	[tilespmem:s5], [sflag:$0x9] =	stream.indirect.gather @!p1 [spmem:s2], $0x10, s0, s4, $0xb8;
	[tilespmem:$0x14400] =	vst v63  }
0xea: {  	s11 =	simm.s32 $0x5000;
	s17 =	simm.s32 $0x3;
	_ =	swait.ge [sflag:s9], $0x1000  }
0xeb: {  	s23 =	simm.s32 $0x2800;
	s0 =	simm.s32 $0x3100;
	[sflag:s9] =	ssyncset.done $0x0  }
.LBB2_7:
0xec: {  	s4 =	simm.s32 @!p2 $0x14  }
0xed: {  	[sflag:s9] =	ssyncadd.s32 $0xFFFFF000;
	s12 =	smov.u32 s11;
	s11 =	sadd.s32 $0x2800, s11  }
0xee: {  	[spmem:s3] =	stream.indirect.scatter.add.f32 [tilespmem:s25], [sflag:$0x14], $0x10, s0, s26, $0xb8;
	[tilespmem:$0x14400] =	vst v63  }
0xef: {  	p1 =	sne.s32 s11, $0xA000;
	_ =	swait.ge @!p2 [sflag:s4], $0x1000  }
0xf0: {  	s21 =	sshra.s32 s23, $0x2;
	[sflag:s4] =	ssyncset.done @!p2 $0x0  }
0xf1: {  	s0 =	sadd.s32 $0x900, s21;
	[sflag:s4] =	ssyncadd.s32 @!p2 $0xFFFFF000  }
0xf2: {  	[tilespmem:s25], [sflag:$0xA] =	stream.indirect.gather [spmem:s2], $0x10, s0, s26, $0xb8;
	[tilespmem:$0x14400] =	vst v63  }
0xf3: {  	_ =	swait.ge [sflag:s28], $0x1000  }
0xf4: {  	[sflag:s28] =	ssyncset.done $0x0  }
0xf5: {  	s0 =	sadd.s32 $0x2800, s21;
	[sflag:s28] =	ssyncadd.s32 $0xFFFFF000  }
0xf6: {  	[spmem:s3] =	stream.indirect.scatter.add.f32 [tilespmem:s15], [sflag:$0xB], $0x10, s0, s26, $0xb8;
	[tilespmem:$0x14400] =	vst v63  }
0xf7: {  	_ =	swait.ge [sflag:s29], $0x1000  }
0xf8: {  	p2 =	seq.s32 s23, $0x7800;
	[sflag:s29] =	ssyncset.done $0x0  }
0xf9: {  	s5 =	sshra.s32 @p2 s23, $0x2;
	s0 =	simm.s32 @p2 $0x2;
	[sflag:s29] =	ssyncadd.s32 $0xFFFFF000  }
0xfa: {  	s8 =	sshra.s32 @!p2 s23, $0x2;
	s6 =	sadd.s32 @p2 $0x2900, s5;
	_ =	swait.ge @p2 [sflag:s0], $0x1000  }
0xfb: {  	s7 =	simm.s32 @p2 $0xC;
	s10 =	sadd.s32 @!p2 $0xA00, s8;
	[sflag:s0] =	ssyncset.done @p2 $0x0  }
0xfc: {  	s4 =	simm.s32 @p2 $0x100;
	[sflag:s0] =	ssyncadd.s32 @p2 $0xFFFFF000;
	s0 =	simm.s32 @p2 $0x6000  }
0xfd: {  	[spmem:s3] =	stream.indirect.scatter.add.f32 @p2 [tilespmem:s0], [sflag:$0xC], $0x10, s6, s4, $0xb8;
	[tilespmem:$0x14400] =	vst v63  }
0xfe: {  	s23 =	sadd.s32 @!p2 $0xB00, s8;
	s6 =	sadd.s32 @!p2 $0x2900, s8;
	_ =	swait.ge @p2 [sflag:s7], $0x1000  }
0xff: {  	s24 =	simm.s32 @!p2 $0x2;
	s16 =	sadd.s32 @p2 $0x2B00, s5;
	[sflag:s7] =	ssyncset.done @p2 $0x0  }
0x100: {  	s0 =	simm.s32 @!p2 $0x5000;
	[sflag:s7] =	ssyncadd.s32 @p2 $0xFFFFF000;
	s7 =	simm.s32 @!p2 $0x100  }
0x101: {  	[tilespmem:s0], [sflag:$0x1] =	stream.indirect.gather @!p2 [spmem:s2], $0x10, s10, s7, $0xb8;
	[tilespmem:$0x14400] =	vst v63  }
0x102: {  	s15 =	sadd.s32 @!p2 $0x2B00, s8;
	s0 =	sadd.s32 @!p2 $0xC00, s8;
	_ =	swait.ge @!p2 [sflag:s24], $0x1000  }
0x103: {  	s30 =	sadd.s32 @!p2 $0xD00, s8;
	s29 =	sadd.s32 @p2 $0x2D00, s5;
	[sflag:s24] =	ssyncset.done @!p2 $0x0  }
0x104: {  	s1 =	simm.s32 @!p2 $0x6000;
	s10 =	simm.s32 @!p2 $0xC;
	[sflag:s24] =	ssyncadd.s32 @!p2 $0xFFFFF000  }
0x105: {  	[spmem:s3] =	stream.indirect.scatter.add.f32 @!p2 [tilespmem:s1], [sflag:$0xC], $0x10, s6, s7, $0xb8;
	[tilespmem:$0x14400] =	vst v63  }
0x106: {  	s31 =	sadd.s32 @!p2 $0xE00, s8;
	s28 =	sadd.s32 @!p2 $0x2D00, s8;
	_ =	swait.ge @!p2 [sflag:s10], $0x1000  }
0x107: {  	s24 =	sadd.s32 @!p2 $0xF00, s8;
	s6 =	sadd.s32 @p2 $0x2F00, s5;
	[sflag:s10] =	ssyncset.done @!p2 $0x0  }
0x108: {  	s25 =	sadd.s32 @!p2 $0x1000, s8;
	[sflag:s10] =	ssyncadd.s32 @!p2 $0xFFFFF000;
	s10 =	sadd.s32 @!p2 $0x2F00, s8  }
0x109: {  	[tilespmem:s1], [sflag:$0x2] =	stream.indirect.gather @!p2 [spmem:s2], $0x10, s23, s7, $0xb8;
	[tilespmem:$0x14400] =	vst v63  }
0x10a: {  	s5 =	sadd.s32 @!p2 $0x1100, s8;
	s8 =	sadd.s32 @!p2 $0x1200, s8;
	_ =	swait.ge [sflag:s17], $0x1000  }
0x10b: {  	s23 =	smov.u32 s12;
	[sflag:s17] =	ssyncset.done $0x0  }
0x10c: {  	s1 =	sadd.s32 $0x2A00, s21;
	s12 =	simm.s32 $0x7000;
	[sflag:s17] =	ssyncadd.s32 $0xFFFFF000  }
0x10d: {  	[spmem:s3] =	stream.indirect.scatter.add.f32 [tilespmem:s12], [sflag:$0xD], $0x10, s1, s26, $0xb8;
	[tilespmem:$0x14400] =	vst v63  }
0x10e: {  	_ =	swait.ge [sflag:s22], $0x1000  }
0x10f: {  	[sflag:s22] =	ssyncset.done $0x0  }
0x110: {  	s1 =	simm.s32 @p2 $0x4;
	[sflag:s22] =	ssyncadd.s32 $0xFFFFF000  }
0x111: {  	_ =	swait.ge @p2 [sflag:s1], $0x1000  }
0x112: {  	[sflag:s1] =	ssyncset.done @p2 $0x0  }
0x113: {  	s12 =	simm.s32 @p2 $0xE;
	[sflag:s1] =	ssyncadd.s32 @p2 $0xFFFFF000;
	s1 =	simm.s32 @p2 $0x8000  }
0x114: {  	[spmem:s3] =	stream.indirect.scatter.add.f32 @p2 [tilespmem:s1], [sflag:$0xE], $0x10, s16, s4, $0xb8;
	[tilespmem:$0x14400] =	vst v63  }
0x115: {  	s16 =	simm.s32 $0xB000  }
0x116: {  	_ =	swait.ge @p2 [sflag:s12], $0x1000  }
0x117: {  	[sflag:s12] =	ssyncset.done @p2 $0x0  }
0x118: {  	s1 =	simm.s32 @!p2 $0x7000;
	[sflag:s12] =	ssyncadd.s32 @p2 $0xFFFFF000;
	s12 =	simm.s32 @!p2 $0x4  }
0x119: {  	[tilespmem:s1], [sflag:$0x3] =	stream.indirect.gather @!p2 [spmem:s2], $0x10, s0, s7, $0xb8;
	[tilespmem:$0x14400] =	vst v63  }
0x11a: {  	_ =	swait.ge @!p2 [sflag:s12], $0x1000  }
0x11b: {  	s0 =	simm.s32 @!p2 $0x8000;
	[sflag:s12] =	ssyncset.done @!p2 $0x0  }
0x11c: {  	s1 =	simm.s32 @!p2 $0xE;
	[sflag:s12] =	ssyncadd.s32 @!p2 $0xFFFFF000;
	s12 =	simm.s32 $0x9000  }
0x11d: {  	[spmem:s3] =	stream.indirect.scatter.add.f32 @!p2 [tilespmem:s0], [sflag:$0xE], $0x10, s15, s7, $0xb8;
	[tilespmem:$0x14400] =	vst v63  }
0x11e: {  	s15 =	simm.s32 $0x5000  }
0x11f: {  	_ =	swait.ge @!p2 [sflag:s1], $0x1000  }
0x120: {  	[sflag:s1] =	ssyncset.done @!p2 $0x0  }
0x121: {  	[sflag:s1] =	ssyncadd.s32 @!p2 $0xFFFFF000  }
0x122: {  	[tilespmem:s0], [sflag:$0x4] =	stream.indirect.gather @!p2 [spmem:s2], $0x10, s30, s7, $0xb8;
	[tilespmem:$0x14400] =	vst v63  }
0x123: {  	s30 =	simm.s32 $0x5  }
0x124: {  	_ =	swait.ge [sflag:s30], $0x1000  }
0x125: {  	[sflag:s30] =	ssyncset.done $0x0  }
0x126: {  	s0 =	sadd.s32 $0x2C00, s21;
	[sflag:s30] =	ssyncadd.s32 $0xFFFFF000  }
0x127: {  	[spmem:s3] =	stream.indirect.scatter.add.f32 [tilespmem:s12], [sflag:$0xF], $0x10, s0, s26, $0xb8;
	[tilespmem:$0x14400] =	vst v63  }
0x128: {  	_ =	swait.ge [sflag:s18], $0x1000  }
0x129: {  	[sflag:s18] =	ssyncset.done $0x0  }
0x12a: {  	s0 =	simm.s32 @p2 $0x6;
	[sflag:s18] =	ssyncadd.s32 $0xFFFFF000  }
0x12b: {  	_ =	swait.ge @p2 [sflag:s0], $0x1000  }
0x12c: {  	[sflag:s0] =	ssyncset.done @p2 $0x0  }
0x12d: {  	s1 =	simm.s32 @p2 $0x10;
	[sflag:s0] =	ssyncadd.s32 @p2 $0xFFFFF000;
	s0 =	simm.s32 @p2 $0xA000  }
0x12e: {  	[spmem:s3] =	stream.indirect.scatter.add.f32 @p2 [tilespmem:s0], [sflag:$0x10], $0x10, s29, s4, $0xb8;
	[tilespmem:$0x14400] =	vst v63  }
0x12f: {  	s29 =	simm.s32 $0xB  }
0x130: {  	_ =	swait.ge @p2 [sflag:s1], $0x1000  }
0x131: {  	[sflag:s1] =	ssyncset.done @p2 $0x0  }
0x132: {  	s0 =	simm.s32 @!p2 $0x9000;
	[sflag:s1] =	ssyncadd.s32 @p2 $0xFFFFF000;
	s1 =	simm.s32 @!p2 $0x6  }
0x133: {  	[tilespmem:s0], [sflag:$0x5] =	stream.indirect.gather @!p2 [spmem:s2], $0x10, s31, s7, $0xb8;
	[tilespmem:$0x14400] =	vst v63  }
0x134: {  	_ =	swait.ge @!p2 [sflag:s1], $0x1000  }
0x135: {  	[sflag:s1] =	ssyncset.done @!p2 $0x0  }
0x136: {  	s0 =	simm.s32 @!p2 $0xA000;
	[sflag:s1] =	ssyncadd.s32 @!p2 $0xFFFFF000;
	s1 =	simm.s32 @!p2 $0x10  }
0x137: {  	[spmem:s3] =	stream.indirect.scatter.add.f32 @!p2 [tilespmem:s0], [sflag:$0x10], $0x10, s28, s7, $0xb8;
	[tilespmem:$0x14400] =	vst v63  }
0x138: {  	s28 =	simm.s32 $0x1  }
0x139: {  	_ =	swait.ge @!p2 [sflag:s1], $0x1000  }
0x13a: {  	[sflag:s1] =	ssyncset.done @!p2 $0x0  }
0x13b: {  	[sflag:s1] =	ssyncadd.s32 @!p2 $0xFFFFF000  }
0x13c: {  	[tilespmem:s0], [sflag:$0x6] =	stream.indirect.gather @!p2 [spmem:s2], $0x10, s24, s7, $0xb8;
	[tilespmem:$0x14400] =	vst v63  }
0x13d: {  	s24 =	simm.s32 $0xD000  }
0x13e: {  	_ =	swait.ge [sflag:s13], $0x1000  }
0x13f: {  	[sflag:s13] =	ssyncset.done $0x0  }
0x140: {  	s0 =	sadd.s32 $0x2E00, s21;
	[sflag:s13] =	ssyncadd.s32 $0xFFFFF000  }
0x141: {  	[spmem:s3] =	stream.indirect.scatter.add.f32 [tilespmem:s16], [sflag:$0x11], $0x10, s0, s26, $0xb8;
	[tilespmem:$0x14400] =	vst v63  }
0x142: {  	_ =	swait.ge [sflag:s19], $0x1000  }
0x143: {  	[sflag:s19] =	ssyncset.done $0x0  }
0x144: {  	s0 =	simm.s32 @p2 $0x8;
	[sflag:s19] =	ssyncadd.s32 $0xFFFFF000  }
0x145: {  	_ =	swait.ge @p2 [sflag:s0], $0x1000  }
0x146: {  	[sflag:s0] =	ssyncset.done @p2 $0x0  }
0x147: {  	s1 =	simm.s32 @p2 $0x12;
	[sflag:s0] =	ssyncadd.s32 @p2 $0xFFFFF000;
	s0 =	simm.s32 @p2 $0xC000  }
0x148: {  	[spmem:s3] =	stream.indirect.scatter.add.f32 @p2 [tilespmem:s0], [sflag:$0x12], $0x10, s6, s4, $0xb8;
	[tilespmem:$0x14400] =	vst v63  }
0x149: {  	_ =	swait.ge @p2 [sflag:s1], $0x1000  }
0x14a: {  	[sflag:s1] =	ssyncset.done @p2 $0x0  }
0x14b: {  	s0 =	simm.s32 @!p2 $0xB000;
	[sflag:s1] =	ssyncadd.s32 @p2 $0xFFFFF000;
	s1 =	simm.s32 @!p2 $0x8  }
0x14c: {  	[tilespmem:s0], [sflag:$0x7] =	stream.indirect.gather @!p2 [spmem:s2], $0x10, s25, s7, $0xb8;
	[tilespmem:$0x14400] =	vst v63  }
0x14d: {  	s25 =	simm.s32 $0xE000  }
0x14e: {  	_ =	swait.ge @!p2 [sflag:s1], $0x1000  }
0x14f: {  	[sflag:s1] =	ssyncset.done @!p2 $0x0  }
0x150: {  	s0 =	simm.s32 @!p2 $0xC000;
	[sflag:s1] =	ssyncadd.s32 @!p2 $0xFFFFF000;
	s1 =	simm.s32 @!p2 $0x12  }
0x151: {  	[spmem:s3] =	stream.indirect.scatter.add.f32 @!p2 [tilespmem:s0], [sflag:$0x12], $0x10, s10, s7, $0xb8;
	[tilespmem:$0x14400] =	vst v63  }
0x152: {  	_ =	swait.ge @!p2 [sflag:s1], $0x1000  }
0x153: {  	[sflag:s1] =	ssyncset.done @!p2 $0x0  }
0x154: {  	[sflag:s1] =	ssyncadd.s32 @!p2 $0xFFFFF000  }
0x155: {  	[tilespmem:s0], [sflag:$0x8] =	stream.indirect.gather @!p2 [spmem:s2], $0x10, s5, s7, $0xb8;
	[tilespmem:$0x14400] =	vst v63  }
0x156: {  	_ =	swait.ge [sflag:s14], $0x1000  }
0x157: {  	[sflag:s14] =	ssyncset.done $0x0  }
0x158: {  	s0 =	sadd.s32 $0x3000, s21;
	[sflag:s14] =	ssyncadd.s32 $0xFFFFF000  }
0x159: {  	[spmem:s3] =	stream.indirect.scatter.add.f32 [tilespmem:s24], [sflag:$0x13], $0x10, s0, s26, $0xb8;
	[tilespmem:$0x14400] =	vst v63  }
0x15a: {  	_ =	swait.ge [sflag:s20], $0x1000  }
.Ltmp3:
0x15b: {  	[sflag:s20] =	ssyncset.done $0x0;
	(pc) =	sbr.rel @p1 .LBB2_7-.Ltmp3, $4  }
0x15c: {  	s0 =	simm.s32 @!p2 $0xD000;
	[sflag:s20] =	ssyncadd.s32 $0xFFFFF000  }
0x15d: {  	[tilespmem:s0], [sflag:$0x9] =	stream.indirect.gather @!p2 [spmem:s2], $0x10, s8, s7, $0xb8;
	[tilespmem:$0x14400] =	vst v63  }
0x15e: {  	_ =	swait.ge [sflag:s9], $0x1000  }
0x15f: {  	p2 =	seq.s32 s23, $0x0;
	s0 =	sadd.s32 $0x3100, s21;
	[sflag:s9] =	ssyncset.done $0x0  }
0x160: {  	s1 =	simm.s32 @!p2 $0x14;
	[sflag:s9] =	ssyncadd.s32 $0xFFFFF000  }
0x161: {  	[spmem:s3] =	stream.indirect.scatter.add.f32 [tilespmem:s25], [sflag:$0x14], $0x10, s0, s26, $0xb8;
	[tilespmem:$0x14400] =	vst v63  }
0x162: {  	_ =	swait.ge @!p2 [sflag:s1], $0x1000  }
0x163: {  	s4 =	sshra.s32 s23, $0x2;
	[sflag:s1] =	ssyncset.done @!p2 $0x0  }
0x164: {  	s10 =	sadd.s32 $0x900, s4;
	[sflag:s1] =	ssyncadd.s32 @!p2 $0xFFFFF000  }
0x165: {  	[tilespmem:s25], [sflag:$0xA] =	stream.indirect.gather [spmem:s2], $0x10, s10, s26, $0xb8;
	[tilespmem:$0x14400] =	vst v63  }
0x166: {  	_ =	swait.ge [sflag:s28], $0x1000  }
0x167: {  	[sflag:s28] =	ssyncset.done $0x0  }
0x168: {  	s11 =	sadd.s32 $0x2800, s4;
	[sflag:s28] =	ssyncadd.s32 $0xFFFFF000  }
0x169: {  	[spmem:s3] =	stream.indirect.scatter.add.f32 [tilespmem:s15], [sflag:$0xB], $0x10, s11, s26, $0xb8;
	[tilespmem:$0x14400] =	vst v63  }
0x16a: {  	_ =	swait.ge [sflag:s29], $0x1000  }
0x16b: {  	p1 =	seq.s32 s23, $0x7800;
	[sflag:s29] =	ssyncset.done $0x0  }
0x16c: {  	s0 =	simm.s32 @p1 $0x2;
	[sflag:s29] =	ssyncadd.s32 $0xFFFFF000  }
0x16d: {  	s7 =	sshra.s32 @p1 s23, $0x2;
	_ =	swait.ge @p1 [sflag:s0], $0x1000  }
0x16e: {  	s6 =	simm.s32 @p1 $0xC;
	s8 =	simm.s32 @p1 $0x100;
	[sflag:s0] =	ssyncset.done @p1 $0x0  }
0x16f: {  	s1 =	sadd.s32 @p1 $0x2900, s7;
	[sflag:s0] =	ssyncadd.s32 @p1 $0xFFFFF000;
	s0 =	simm.s32 @p1 $0x6000  }
0x170: {  	[spmem:s3] =	stream.indirect.scatter.add.f32 @p1 [tilespmem:s0], [sflag:$0xC], $0x10, s1, s8, $0xb8;
	[tilespmem:$0x14400] =	vst v63  }
0x171: {  	s5 =	sshra.s32 @!p1 s23, $0x2;
	_ =	swait.ge @p1 [sflag:s6], $0x1000  }
0x172: {  	s0 =	sadd.s32 @!p1 $0xA00, s5;
	[sflag:s6] =	ssyncset.done @p1 $0x0  }
0x173: {  	s1 =	simm.s32 @!p1 $0x5000;
	[sflag:s6] =	ssyncadd.s32 @p1 $0xFFFFF000;
	s6 =	simm.s32 @!p1 $0x100  }
0x174: {  	[tilespmem:s1], [sflag:$0x1] =	stream.indirect.gather @!p1 [spmem:s2], $0x10, s0, s6, $0xb8;
	[tilespmem:$0x14400] =	vst v63  }
0x175: {  	s0 =	simm.s32 @!p1 $0x2  }
0x176: {  	_ =	swait.ge @!p1 [sflag:s0], $0x1000  }
0x177: {  	[sflag:s0] =	ssyncset.done @!p1 $0x0  }
0x178: {  	s1 =	sadd.s32 @!p1 $0x2900, s5;
	[sflag:s0] =	ssyncadd.s32 @!p1 $0xFFFFF000;
	s0 =	simm.s32 @!p1 $0x6000  }
0x179: {  	[spmem:s3] =	stream.indirect.scatter.add.f32 @!p1 [tilespmem:s0], [sflag:$0xC], $0x10, s1, s6, $0xb8;
	[tilespmem:$0x14400] =	vst v63  }
0x17a: {  	s1 =	simm.s32 @!p1 $0xC  }
0x17b: {  	_ =	swait.ge @!p1 [sflag:s1], $0x1000  }
0x17c: {  	[sflag:s1] =	ssyncset.done @!p1 $0x0  }
0x17d: {  	[sflag:s1] =	ssyncadd.s32 @!p1 $0xFFFFF000;
	s1 =	sadd.s32 @!p1 $0xB00, s5  }
0x17e: {  	[tilespmem:s0], [sflag:$0x2] =	stream.indirect.gather @!p1 [spmem:s2], $0x10, s1, s6, $0xb8;
	[tilespmem:$0x14400] =	vst v63  }
0x17f: {  	_ =	swait.ge [sflag:s17], $0x1000  }
0x180: {  	[sflag:s17] =	ssyncset.done $0x0  }
0x181: {  	s21 =	sadd.s32 $0x2A00, s4;
	s23 =	simm.s32 $0x7000;
	[sflag:s17] =	ssyncadd.s32 $0xFFFFF000  }
0x182: {  	[spmem:s3] =	stream.indirect.scatter.add.f32 [tilespmem:s23], [sflag:$0xD], $0x10, s21, s26, $0xb8;
	[tilespmem:$0x14400] =	vst v63  }
0x183: {  	_ =	swait.ge [sflag:s22], $0x1000  }
0x184: {  	[sflag:s22] =	ssyncset.done $0x0  }
0x185: {  	s0 =	simm.s32 @p1 $0x4;
	[sflag:s22] =	ssyncadd.s32 $0xFFFFF000  }
0x186: {  	_ =	swait.ge @p1 [sflag:s0], $0x1000  }
0x187: {  	[sflag:s0] =	ssyncset.done @p1 $0x0  }
0x188: {  	s1 =	sadd.s32 @p1 $0x2B00, s7;
	[sflag:s0] =	ssyncadd.s32 @p1 $0xFFFFF000;
	s0 =	simm.s32 @p1 $0x8000  }
0x189: {  	[spmem:s3] =	stream.indirect.scatter.add.f32 @p1 [tilespmem:s0], [sflag:$0xE], $0x10, s1, s8, $0xb8;
	[tilespmem:$0x14400] =	vst v63  }
0x18a: {  	s0 =	simm.s32 @p1 $0xE  }
0x18b: {  	_ =	swait.ge @p1 [sflag:s0], $0x1000  }
0x18c: {  	[sflag:s0] =	ssyncset.done @p1 $0x0  }
0x18d: {  	s1 =	sadd.s32 @!p1 $0xC00, s5;
	[sflag:s0] =	ssyncadd.s32 @p1 $0xFFFFF000;
	s0 =	simm.s32 @!p1 $0x7000  }
0x18e: {  	[tilespmem:s0], [sflag:$0x3] =	stream.indirect.gather @!p1 [spmem:s2], $0x10, s1, s6, $0xb8;
	[tilespmem:$0x14400] =	vst v63  }
0x18f: {  	s0 =	simm.s32 @!p1 $0x4  }
0x190: {  	_ =	swait.ge @!p1 [sflag:s0], $0x1000  }
0x191: {  	[sflag:s0] =	ssyncset.done @!p1 $0x0  }
0x192: {  	s1 =	sadd.s32 @!p1 $0x2B00, s5;
	[sflag:s0] =	ssyncadd.s32 @!p1 $0xFFFFF000;
	s0 =	simm.s32 @!p1 $0x8000  }
0x193: {  	[spmem:s3] =	stream.indirect.scatter.add.f32 @!p1 [tilespmem:s0], [sflag:$0xE], $0x10, s1, s6, $0xb8;
	[tilespmem:$0x14400] =	vst v63  }
0x194: {  	s1 =	simm.s32 @!p1 $0xE  }
0x195: {  	_ =	swait.ge @!p1 [sflag:s1], $0x1000  }
0x196: {  	[sflag:s1] =	ssyncset.done @!p1 $0x0  }
0x197: {  	[sflag:s1] =	ssyncadd.s32 @!p1 $0xFFFFF000;
	s1 =	sadd.s32 @!p1 $0xD00, s5  }
0x198: {  	[tilespmem:s0], [sflag:$0x4] =	stream.indirect.gather @!p1 [spmem:s2], $0x10, s1, s6, $0xb8;
	[tilespmem:$0x14400] =	vst v63  }
0x199: {  	_ =	swait.ge [sflag:s30], $0x1000  }
0x19a: {  	[sflag:s30] =	ssyncset.done $0x0  }
0x19b: {  	s31 =	sadd.s32 $0x2C00, s4;
	[sflag:s30] =	ssyncadd.s32 $0xFFFFF000  }
0x19c: {  	[spmem:s3] =	stream.indirect.scatter.add.f32 [tilespmem:s12], [sflag:$0xF], $0x10, s31, s26, $0xb8;
	[tilespmem:$0x14400] =	vst v63  }
0x19d: {  	_ =	swait.ge [sflag:s18], $0x1000  }
0x19e: {  	[sflag:s18] =	ssyncset.done $0x0  }
0x19f: {  	s0 =	simm.s32 @p1 $0x6;
	[sflag:s18] =	ssyncadd.s32 $0xFFFFF000  }
0x1a0: {  	_ =	swait.ge @p1 [sflag:s0], $0x1000  }
0x1a1: {  	[sflag:s0] =	ssyncset.done @p1 $0x0  }
0x1a2: {  	s1 =	sadd.s32 @p1 $0x2D00, s7;
	[sflag:s0] =	ssyncadd.s32 @p1 $0xFFFFF000;
	s0 =	simm.s32 @p1 $0xA000  }
0x1a3: {  	[spmem:s3] =	stream.indirect.scatter.add.f32 @p1 [tilespmem:s0], [sflag:$0x10], $0x10, s1, s8, $0xb8;
	[tilespmem:$0x14400] =	vst v63  }
0x1a4: {  	s0 =	simm.s32 @p1 $0x10  }
0x1a5: {  	_ =	swait.ge @p1 [sflag:s0], $0x1000  }
0x1a6: {  	[sflag:s0] =	ssyncset.done @p1 $0x0  }
0x1a7: {  	s1 =	sadd.s32 @!p1 $0xE00, s5;
	[sflag:s0] =	ssyncadd.s32 @p1 $0xFFFFF000;
	s0 =	simm.s32 @!p1 $0x9000  }
0x1a8: {  	[tilespmem:s0], [sflag:$0x5] =	stream.indirect.gather @!p1 [spmem:s2], $0x10, s1, s6, $0xb8;
	[tilespmem:$0x14400] =	vst v63  }
0x1a9: {  	s0 =	simm.s32 @!p1 $0x6  }
0x1aa: {  	_ =	swait.ge @!p1 [sflag:s0], $0x1000  }
0x1ab: {  	[sflag:s0] =	ssyncset.done @!p1 $0x0  }
0x1ac: {  	s1 =	sadd.s32 @!p1 $0x2D00, s5;
	[sflag:s0] =	ssyncadd.s32 @!p1 $0xFFFFF000;
	s0 =	simm.s32 @!p1 $0xA000  }
0x1ad: {  	[spmem:s3] =	stream.indirect.scatter.add.f32 @!p1 [tilespmem:s0], [sflag:$0x10], $0x10, s1, s6, $0xb8;
	[tilespmem:$0x14400] =	vst v63  }
0x1ae: {  	s1 =	simm.s32 @!p1 $0x10  }
0x1af: {  	_ =	swait.ge @!p1 [sflag:s1], $0x1000  }
0x1b0: {  	[sflag:s1] =	ssyncset.done @!p1 $0x0  }
0x1b1: {  	[sflag:s1] =	ssyncadd.s32 @!p1 $0xFFFFF000;
	s1 =	sadd.s32 @!p1 $0xF00, s5  }
0x1b2: {  	[tilespmem:s0], [sflag:$0x6] =	stream.indirect.gather @!p1 [spmem:s2], $0x10, s1, s6, $0xb8;
	[tilespmem:$0x14400] =	vst v63  }
0x1b3: {  	_ =	swait.ge [sflag:s13], $0x1000  }
0x1b4: {  	[sflag:s13] =	ssyncset.done $0x0  }
0x1b5: {  	s1 =	sadd.s32 $0x2E00, s4;
	[sflag:s13] =	ssyncadd.s32 $0xFFFFF000  }
0x1b6: {  	[spmem:s3] =	stream.indirect.scatter.add.f32 [tilespmem:s16], [sflag:$0x11], $0x10, s1, s26, $0xb8;
	[tilespmem:$0x14400] =	vst v63  }
0x1b7: {  	_ =	swait.ge [sflag:s19], $0x1000  }
0x1b8: {  	[sflag:s19] =	ssyncset.done $0x0  }
0x1b9: {  	s0 =	simm.s32 @p1 $0x8;
	[sflag:s19] =	ssyncadd.s32 $0xFFFFF000  }
0x1ba: {  	_ =	swait.ge @p1 [sflag:s0], $0x1000  }
0x1bb: {  	[sflag:s0] =	ssyncset.done @p1 $0x0  }
0x1bc: {  	s1 =	sadd.s32 @p1 $0x2F00, s7;
	[sflag:s0] =	ssyncadd.s32 @p1 $0xFFFFF000;
	s0 =	simm.s32 @p1 $0xC000  }
0x1bd: {  	[spmem:s3] =	stream.indirect.scatter.add.f32 @p1 [tilespmem:s0], [sflag:$0x12], $0x10, s1, s8, $0xb8;
	[tilespmem:$0x14400] =	vst v63  }
0x1be: {  	s0 =	simm.s32 @p1 $0x12  }
0x1bf: {  	_ =	swait.ge @p1 [sflag:s0], $0x1000  }
0x1c0: {  	[sflag:s0] =	ssyncset.done @p1 $0x0  }
0x1c1: {  	s1 =	sadd.s32 @!p1 $0x1000, s5;
	[sflag:s0] =	ssyncadd.s32 @p1 $0xFFFFF000;
	s0 =	simm.s32 @!p1 $0xB000  }
0x1c2: {  	[tilespmem:s0], [sflag:$0x7] =	stream.indirect.gather @!p1 [spmem:s2], $0x10, s1, s6, $0xb8;
	[tilespmem:$0x14400] =	vst v63  }
0x1c3: {  	s0 =	simm.s32 @!p1 $0x8  }
0x1c4: {  	_ =	swait.ge @!p1 [sflag:s0], $0x1000  }
0x1c5: {  	[sflag:s0] =	ssyncset.done @!p1 $0x0  }
0x1c6: {  	s1 =	sadd.s32 @!p1 $0x2F00, s5;
	[sflag:s0] =	ssyncadd.s32 @!p1 $0xFFFFF000;
	s0 =	simm.s32 @!p1 $0xC000  }
0x1c7: {  	[spmem:s3] =	stream.indirect.scatter.add.f32 @!p1 [tilespmem:s0], [sflag:$0x12], $0x10, s1, s6, $0xb8;
	[tilespmem:$0x14400] =	vst v63  }
0x1c8: {  	s1 =	simm.s32 @!p1 $0x12  }
0x1c9: {  	_ =	swait.ge @!p1 [sflag:s1], $0x1000  }
0x1ca: {  	[sflag:s1] =	ssyncset.done @!p1 $0x0  }
0x1cb: {  	[sflag:s1] =	ssyncadd.s32 @!p1 $0xFFFFF000;
	s1 =	sadd.s32 @!p1 $0x1100, s5  }
0x1cc: {  	[tilespmem:s0], [sflag:$0x8] =	stream.indirect.gather @!p1 [spmem:s2], $0x10, s1, s6, $0xb8;
	[tilespmem:$0x14400] =	vst v63  }
0x1cd: {  	_ =	swait.ge [sflag:s14], $0x1000  }
0x1ce: {  	[sflag:s14] =	ssyncset.done $0x0  }
0x1cf: {  	s8 =	sadd.s32 $0x3000, s4;
	[sflag:s14] =	ssyncadd.s32 $0xFFFFF000  }
0x1d0: {  	[spmem:s3] =	stream.indirect.scatter.add.f32 [tilespmem:s24], [sflag:$0x13], $0x10, s8, s26, $0xb8;
	[tilespmem:$0x14400] =	vst v63  }
0x1d1: {  	_ =	swait.ge [sflag:s20], $0x1000  }
0x1d2: {  	[sflag:s20] =	ssyncset.done $0x0  }
0x1d3: {  	s0 =	sadd.s32 @!p1 $0x1200, s5;
	s1 =	simm.s32 @!p1 $0xD000;
	[sflag:s20] =	ssyncadd.s32 $0xFFFFF000  }
0x1d4: {  	[tilespmem:s1], [sflag:$0x9] =	stream.indirect.gather @!p1 [spmem:s2], $0x10, s0, s6, $0xb8;
	[tilespmem:$0x14400] =	vst v63  }
0x1d5: {  	_ =	swait.ge [sflag:s9], $0x1000  }
0x1d6: {  	[sflag:s9] =	ssyncset.done $0x0  }
0x1d7: {  	s10 =	sadd.s32 $0x3100, s4;
	s11 =	simm.s32 $0x14;
	[sflag:s9] =	ssyncadd.s32 $0xFFFFF000  }
0x1d8: {  	[spmem:s3] =	stream.indirect.scatter.add.f32 [tilespmem:s25], [sflag:$0x14], $0x10, s10, s26, $0xb8;
	[tilespmem:$0x14400] =	vst v63  }
0x1d9: {  	_ =	swait.ge [sflag:s11], $0x1000  }
0x1da: {  	[sflag:s11] =	ssyncset.done $0x0  }
0x1db: {  	[sflag:s11] =	ssyncadd.s32 $0xFFFFF000  }
0x1dc: {  	[bflag:$0x0] =	sbarrier.arrive $0xFFFF  }
0x1dd: {  	s8 =	rddreg [dreg:$0x7]  }
0x1de: {  	s17 =	rddreg [dreg:$0x14]  }
0x1df: {  	s5 =	simm.s32 $0x16;
	s21 =	rddreg [dreg:$0x17]  }
0x1e0: {  	[hbm:s17], [sflag:s8] =	dma.local [spmem:s21], $0x500  }
0x1e1: {  	_ =	swait.ge [sflag:s5], $0x500  }
0x1e2: {  	s23 =	rddreg [dreg:$0x16]  }
0x1e3: {  	s31 =	rddreg [dreg:$0xa];
	s1 =	sadd.s32 $0x1, s23  }
0x1e4: {  	p1 =	sne.s32 s1, s31  }
.Ltmp4:
0x1e5: {  	_ = 	snop;
	(pc) =	sbr.rel @p1 .LBB2_1-.Ltmp4, $3  }
0x1e6: {  	_ =	sdelay $0x1  }
0x1e7: {  	s7 =	simm.s32 $0x7000;
	s11 =	simm.s32 $0x3;
	[sflag:s5] =	ssyncset.done $0x0  }
0x1e8: {  	s17 =	simm.s32 $0xD;
	s10 =	rddreg [dreg:$0x6];
	[sflag:s5] =	ssyncadd.s32 $0xFFFFFB00  }
0x1e9: {  	_ =	sfence.sel $0x180000  }
0x1ea: {  	[bflag:$0x0] =	sbarrier.arrive $0xFFFF  }
0x1eb: {  	_ =	strace $0x9000004D  }
0x1ec: {  	s0 =	stileid.u32;
	[bflag:$0x2] =	sbarrier.arrive $0xFFFF  }
0x1ed: {  	p0 =	sne.s32 s0, $0x0;
	s0 =	rddreg [dreg:$0x3]  }
0x1ee: {  	s0 =	sadd.s32 @!p0 $0x100000, s0  }
0x1ef: {  	[sflag:s0] =	ssyncadd.tile.s32 @!p0 $0x1;
	_ =	shalt  }
.Lfunc_end2:
_tile_overlayer_lowered:
.L_overlay_start_2:
0x1f0: {  	(tag) =	ssettag $0x2  }
0x1f1: {  	s0 =	rddreg [dreg:$0x0];
	s2 =	stileid.u32  }
0x1f2: {  	s1 =	rddreg [dreg:$0x1];
	p0 =	sne.s32 s2, $0x0  }
0x1f3: {  	s3 =	rddreg [dreg:$0x2];
	[bflag:$0x3] =	sbarrier.arrive $0xFFFF;
	s2 =	simm.s32 @!p0 $0x1C16  }
0x1f4: {  	[timem:s3], [sflag:s2] =	dma.local @!p0 [hbm:s0], s1  }
0x1f5: {  	s0 =	simm.s32 @!p0 $0x16  }
0x1f6: {  	_ =	swait.ge @!p0 [sflag:s0], s1  }
0x1f7: {  	s1 =	ssub.s32 @!p0 $0x0, s1;
	[sflag:s0] =	ssyncset.done @!p0 $0x0  }
0x1f8: {  	[sflag:s0] =	ssyncadd.s32 @!p0 s1  }
0x1f9: {  	[bflag:$0x3] =	sbarrier.arrive $0xFFFF  }
0x1fa: {  	_ =	shalt  }

// kernel: kernel.9.cloned.1.call-start
scs
__scs_entry_jumppad:
0x0: {  	(pc) =	sbr.rel $0x88, $3  }
0x1: {  	(tag) =	ssettag $0x0;
	lr =	simm.s32 $0x1  }
0x2: {  	[smem:$0x3F9B] =	sst lr;
	_ =	strace $0xD0000000  }
0x3: {  	_ = 	snop  }
0x4: {  	_ = 	snop  }
0x5: {  	_ = 	snop  }
0x6: {  	_ = 	snop  }
0x7: {  	_ = 	snop  }
__scs_overlays_trampoline_lowered:
0x8: {  	[smem:$0x3FAA] =	sst s0  }
0x9: {  	[smem:$0x3FAB] =	sst s1  }
0xa: {  	[smem:$0x3FAC] =	sst s2  }
0xb: {  	[smem:$0x3FAD] =	sst s3  }
0xc: {  	[smem:$0x3FAE] =	sst s4  }
0xd: {  	[smem:$0x3FAF] =	sst s5  }
0xe: {  	[smem:$0x3FB0] =	sst s6  }
0xf: {  	[smem:$0x3FB1] =	sst s7  }
0x10: {  	[smem:$0x3FB2] =	sst s8  }
0x11: {  	[smem:$0x3FB3] =	sst s9;
	s0 =	simm.s32 @!p0 $0x0  }
0x12: {  	s1 =	sld [smem:$0x3F99];
	s0 =	simm.s32 @p0 $0x1  }
0x13: {  	[smem:$0x3FB4] =	sst s0;
	s0 =	simm.s32 @!p1 $0x0  }
0x14: {  	s2 =	sld [smem:$0x3F98];
	s0 =	simm.s32 @p1 $0x1  }
0x15: {  	[smem:$0x3FB5] =	sst s0;
	s0 =	simm.s32 @!p2 $0x0  }
0x16: {  	s3 =	sld [smem:$0x3FDB];
	s0 =	simm.s32 @p2 $0x1  }
0x17: {  	s4 =	simm.s32 $0x1BF5;
	[smem:$0x3FB7] =	sst s0  }
0x18: {  	s0 =	sld [smem:$0x3F9A];
	_ =	swait.ge [sflag:s4], $0x0  }
0x19: {  	s7 =	sld [smem:$0x3F9B]  }
0x1a: {  	s8 =	sadd.s32 $0xFFFFE003, lr  }
0x1b: {  	s9 =	sadd.s32 $0xFFFFFEF7, lr;
	s5 =	simm.s32 $0xFFFFFFFF;
	p2 =	slt.u32 s8, $0xFFFFF086  }
0x1c: {  	p1 =	slt.u32 s9, $0xF7A;
	s5 =	simm.s32 @!p2 $0x0  }
0x1d: {  	s5 =	simm.s32 @p1 $0x1;
	p0 =	seq.s32 s7, s2  }
0x1e: {  	s7 =	smul.u32 @!p0 $0xF7A, s2;
	p2 =	seq.s32 @!p0 s5, $0x0  }
0x1f: {  	s9 =	smul.u32 $0xF7A, s1;
	s8 =	simm.s32 @!p0 $0x1BF5;
	p2 =	por !p2, p0  }
0x20: {  	[sflag:s8] =	ssyncset.s32 @!p0 $0xFFFFF086;
	s6 =	sadd.s32 @!p0 s3, s7;
	s7 =	simm.s32 @!p0 $0x108  }
0x21: {  	s3 =	sadd.s32 s3, s9;
	s6 =	sadd.s32 @!p0 $0x88, s6;
	s7 =	simm.s32 @p2 $0x1082  }
0x22: {  	[simem:s7], [sflag:s8] =	dma.local @!p0 [hbm:s6], $0xF7A  }
0x23: {  	s9 =	sor.u32 $0xD0000000, s2;
	s6 =	simm.s32 $0x108;
	_ =	swait.ge @!p0 [sflag:s8], $0x0  }
0x24: {  	s3 =	sadd.s32 $0x88, s3;
	s6 =	simm.s32 @!p1 $0x1082;
	[sflag:s4] =	ssyncset.s32 $0xFFFFF086  }
0x25: {  	[simem:s6], [sflag:s4] =	dma.local [hbm:s3], $0xF7A  }
0x26: {  	[smem:$0x3F9B] =	sst s1;
	(tag) =	ssettag s2;
	_ =	strace s9  }
0x27: {  	s1 =	sld [smem:$0x3FAB]  }
0x28: {  	s2 =	sld [smem:$0x3FAC]  }
0x29: {  	s4 =	sld [smem:$0x3FAE]  }
0x2a: {  	p0 =	seq.s32 s5, $0x0;
	s5 =	sld [smem:$0x3FAF]  }
0x2b: {  	s6 =	sld [smem:$0x3FB0]  }
0x2c: {  	s7 =	sld [smem:$0x3FB1]  }
0x2d: {  	s3 =	simm.s32 $0x108;
	s8 =	sld [smem:$0x3FB2]  }
0x2e: {  	s3 =	simm.s32 @!p0 $0x1082;
	s9 =	sld [smem:$0x3FB3]  }
0x2f: {  	lr =	sadd.s32 s0, s3;
	s0 =	sld [smem:$0x3FAA]  }
0x30: {  	s3 =	sld [smem:$0x3FAD]  }
0x31: {  	[smem:$0x3FB6] =	sst s10  }
0x32: {  	s10 =	sld [smem:$0x3FB4];
	_ =	sdelay $0x3  }
0x33: {  	p0 =	seq.s32 s10, $0x1;
	s10 =	sld [smem:$0x3FB6];
	_ =	sdelay $0x3  }
0x34: {  	[smem:$0x3FB6] =	sst s10  }
0x35: {  	s10 =	sld [smem:$0x3FB5];
	_ =	sdelay $0x3  }
0x36: {  	p1 =	seq.s32 s10, $0x1;
	s10 =	sld [smem:$0x3FB6];
	_ =	sdelay $0x3  }
0x37: {  	[smem:$0x3FB6] =	sst s10  }
0x38: {  	s10 =	sld [smem:$0x3FB7]  }
0x39: {  	_ = 	snop;
	(pc) =	sbr.ind lr, $3  }
0x3a: {  	_ = 	snop  }
0x3b: {  	_ = 	snop  }
0x3c: {  	p2 =	seq.s32 s10, $0x1;
	s10 =	sld [smem:$0x3FB6]  }
0x3d: {  	_ =	shalt  }
0x3e: {  	_ =	shalt  }
0x3f: {  	_ =	shalt  }
0x40: {  	_ =	shalt  }
0x41: {  	_ =	shalt  }
0x42: {  	_ =	shalt  }
0x43: {  	_ =	shalt  }
0x44: {  	_ =	shalt  }
0x45: {  	_ =	shalt  }
0x46: {  	_ =	shalt  }
0x47: {  	_ =	shalt  }
0x48: {  	_ =	shalt  }
0x49: {  	_ =	shalt  }
0x4a: {  	_ =	shalt  }
0x4b: {  	_ =	shalt  }
0x4c: {  	_ =	shalt  }
0x4d: {  	_ =	shalt  }
0x4e: {  	_ =	shalt  }
0x4f: {  	_ =	shalt  }
0x50: {  	_ =	shalt  }
0x51: {  	_ =	shalt  }
0x52: {  	_ =	shalt  }
0x53: {  	_ =	shalt  }
0x54: {  	_ =	shalt  }
0x55: {  	_ =	shalt  }
0x56: {  	_ =	shalt  }
0x57: {  	_ =	shalt  }
0x58: {  	_ =	shalt  }
0x59: {  	_ =	shalt  }
0x5a: {  	_ =	shalt  }
0x5b: {  	_ =	shalt  }
0x5c: {  	_ =	shalt  }
0x5d: {  	_ =	shalt  }
0x5e: {  	_ =	shalt  }
0x5f: {  	_ =	shalt  }
0x60: {  	_ =	shalt  }
0x61: {  	_ =	shalt  }
0x62: {  	_ =	shalt  }
0x63: {  	_ =	shalt  }
0x64: {  	_ =	shalt  }
0x65: {  	_ =	shalt  }
0x66: {  	_ =	shalt  }
0x67: {  	_ =	shalt  }
0x68: {  	_ =	shalt  }
0x69: {  	_ =	shalt  }
0x6a: {  	_ =	shalt  }
0x6b: {  	_ =	shalt  }
0x6c: {  	_ =	shalt  }
0x6d: {  	_ =	shalt  }
0x6e: {  	_ =	shalt  }
0x6f: {  	_ =	shalt  }
0x70: {  	_ =	shalt  }
0x71: {  	_ =	shalt  }
0x72: {  	_ =	shalt  }
0x73: {  	_ =	shalt  }
0x74: {  	_ =	shalt  }
0x75: {  	_ =	shalt  }
0x76: {  	_ =	shalt  }
0x77: {  	_ =	shalt  }
0x78: {  	_ =	shalt  }
0x79: {  	_ =	shalt  }
0x7a: {  	_ =	shalt  }
0x7b: {  	_ =	shalt  }
0x7c: {  	_ =	shalt  }
0x7d: {  	_ =	shalt  }
0x7e: {  	_ =	shalt  }
0x7f: {  	_ =	shalt  }
0x80: {  	_ =	shalt  }
0x81: {  	_ =	shalt  }
0x82: {  	_ =	shalt  }
0x83: {  	_ =	shalt  }
0x84: {  	_ =	shalt  }
0x85: {  	_ =	shalt  }
0x86: {  	_ =	shalt  }
0x87: {  	_ =	shalt  }
.Lfunc_end0:
.L_simem_size_0:
called_computation_lowered:
.L_overlay_start_0:
0x88: {  	s2 =	sld [smem:$0x3FD9]  }
0x89: {  	s3 =	sld [smem:$0x3FFE];
	_ =	sdelay $0x1  }
0x8a: {  	s1 =	srdreg.scid  }
0x8b: {  	s0 =	sand.u32 $0x1, s1  }
0x8c: {  	s17 =	sshll.u32 s0, $0xA;
	s2 =	sadd.s32 s3, s2  }
0x8d: {  	s2 =	sadd.s32 s2, s17  }
0x8e: {  	[smem:$0x3FC2] =	sst s2  }
0x8f: {  	_ = 	snop  }
0x90: {  	s2 =	sld [smem:$0x3FD0];
	(tm) =	ssettm $0x1  }
0x91: {  	s18 =	sld [smem:$0x3FFB];
	_ =	sdelay $0x3  }
0x92: {  	_ =	strace s18  }
0x93: {  	s3 =	sld [smem:$0x3FFC];
	_ =	sdelay $0x3  }
0x94: {  	_ =	strace s3  }
0x95: {  	s3 =	sld [smem:$0x3FFD];
	_ =	sdelay $0x3  }
0x96: {  	_ =	strace s3  }
0x97: {  	_ =	strace $0x8FFFFFFF  }
0x98: {  	s19 =	sld [smem:$0x3FDB];
	_ =	sdelay $0x1  }
0x99: {  	s4 =	simm.s32 $_scs_section_size  }
0x9a: {  	s5 =	simm.s32 $_size__tile_overlayer_lowered;
	s6 =	simm.s32 $_tile_overlayer_lowered  }
0x9b: {  	s22 =	simm.s32 $0x1BFF;
	s21 =	sshll.u32 s6, $0x1;
	s3 =	sadd.s32 s4, s19  }
0x9c: {  	s7 =	simm.s32 $0x0;
	s20 =	sshll.u32 s5, $0x1;
	s5 =	sadd.s32 s21, s3  }
0x9d: {  	[timem:s7], [sflag:s22] =	dma.local [hbm:s5], s20  }
0x9e: {  	_ =	swait.ge [sflag:s22], s20  }
0x9f: {  	s4 =	ssub.s32 $0x0, s20;
	[sflag:s22] =	ssyncset.done $0x0  }
0xa0: {  	[sflag:s22] =	ssyncadd.s32 s4;
	_ =	sdelay $0x1  }
0xa1: {  	s23 =	simm.s32 $0x1B8B  }
0xa2: {  	_ =	swait.ge [sflag:s23], $0x1  }
0xa3: {  	[sflag:s23] =	ssyncset.done $0x0  }
0xa4: {  	s25 =	simm.s32 $0x1B8E;
	s24 =	sld [smem:$0x3FFE];
	[sflag:s23] =	ssyncadd.s32 $0xFFFFFFFF  }
0xa5: {  	s26 =	simm.s32 $execute0_lowered;
	[smem:$0x3FD2] =	sst s25  }
0xa6: {  	s5 =	sshll.u32 s26, $0x1;
	_ =	strace $0x80000046;
	[dreg:$0x1] =	wrdreg $0xFFFFFFFF  }
0xa7: {  	s28 =	simm.s32 $_size_execute0_lowered;
	s3 =	sadd.s32 s3, s5;
	[dreg:$0x0] =	wrdreg $0x0  }
0xa8: {  	s5 =	sshll.u32 s28, $0x1;
	[dreg:$0x2] =	wrdreg s3  }
0xa9: {  	[dreg:$0x3] =	wrdreg s5  }
0xaa: {  	[dreg:$0x4] =	wrdreg $0xC0  }
0xab: {  	_ =	task [dreg:s7], $0x5FFFF  }
0xac: {  	[dreg:$0x1] =	wrdreg $0xFFFFFFFF  }
0xad: {  	[dreg:$0x0] =	wrdreg $0x60  }
0xae: {  	[dreg:$0x2] =	wrdreg s24  }
0xaf: {  	[dreg:$0x3] =	wrdreg s2  }
0xb0: {  	[dreg:$0x4] =	wrdreg $0x2B800  }
0xb1: {  	[dreg:$0x5] =	wrdreg $0x9  }
0xb2: {  	_ =	task.clear_ibuf [dreg:s7], $0x6FFFF;
	_ =	strace $0x90000046  }
0xb3: {  	s29 =	simm.s32 $0x9;
	_ =	strace $0x80000048  }
0xb4: {  	_ =	swait.ge [sflag:s29], $0x1  }
0xb5: {  	[sflag:s29] =	ssyncadd.s32 $0xFFFFFFFF  }
0xb6: {  	_ =	strace $0x90000048  }
0xb7: {  	_ =	sfence  }
0xb8: {  	s30 =	sld [smem:$0x0];
	_ =	sdelay $0x2  }
0xb9: {  	s31 =	sshll.u32 s1, $0xD;
	s1 =	sshrl.u32 s1, $0x2  }
0xba: {  	s3 =	sand.u32 $0x4000, s31;
	s1 =	sadd.s32 s1, s30  }
0xbb: {  	s0 =	sor.u32 s3, s0;
	s1 =	sshll.u32 s1, $0x11  }
0xbc: {  	s0 =	sor.u32 s1, s0  }
0xbd: {  	s0 =	sadd.s32 $0x8F2B, s0  }
0xbe: {  	[sflag:s0] =	ssyncadd.remote.s32 $0x1  }
0xbf: {  	_ =	sfence.sel $0xFFFF  }
0xc0: {  	[dreg:$0x0] =	wrdreg $0xFFFFFFFF;
	(pc) =	sbr.abs _section_cstart, $3  }
0xc1: {  	[dreg:$0x1] =	wrdreg $0xFFFFFFFF  }
0xc2: {  	_ =	task.clear_ibuf [dreg:s7], $0x2FFFF;
	_ =	strace $0x9FFFFFFF  }
0xc3: {  	(tm) =	ssettm $0x7FFFFFFF  }
tec
execute0_lowered:
.L_overlay_start_1:
0x0: {  	(tag) =	ssettag $0x1  }
0x1: {  	s0 =	rddreg [dreg:$0x0]  }
0x2: {  	s1 =	rddreg [dreg:$0x1];
	s3 =	srdreg.scid  }
0x3: {  	s8 =	stileid.u32;
	s2 =	rddreg [dreg:$0x2];
	s10 =	simm.s32 $0x100  }
0x4: {  	s11 =	simm.s32 $0x2800;
	s12 =	simm.s32 $0x1800;
	s13 =	simm.s32 $0x1900  }
0x5: {  	s14 =	simm.s32 $0x1A00;
	s15 =	simm.s32 $0x1B00;
	s16 =	simm.s32 $0x1C00  }
0x6: {  	s17 =	simm.s32 $0x1D00;
	s18 =	simm.s32 $0x1E00;
	s19 =	simm.s32 $0x1F00  }
0x7: {  	s20 =	simm.s32 $0x2000;
	s21 =	simm.s32 $0x2100;
	s22 =	simm.s32 $0x2200  }
0x8: {  	s23 =	simm.s32 $0x2300;
	s24 =	simm.s32 $0x2400;
	s25 =	simm.s32 $0x2500  }
0x9: {  	s26 =	simm.s32 $0x2600;
	s28 =	simm.s32 $0x2700;
	s29 =	simm.s32 $0x1  }
0xa: {  	s30 =	simm.s32 $0x0;
	s6 =	sand.u32 $0x1, s3;
	s4 =	sshll.u32 s8, $0x1  }
0xb: {  	s3 =	simm.s32 $0x0;
	s8 =	smul.u32 $0x280, s8;
	s4 =	sor.u32 s6, s4  }
0xc: {  	[smem:$0x7FF] =	sst s3;
	s5 =	ssub.s32 $0x2, s6;
	s4 =	smul.u32 $0x500, s4  }
0xd: {  	p0 =	seq.s32 s6, $0x1;
	_ =	strace $0x80000047;
	s7 =	sshrl.u32 s5, $0x1  }
0xe: {  	s7 =	ssub.s32 s5, s7;
	s9 =	sadd.s32 s4, s0;
	s0 =	sadd.s32 $0x16A00, s0  }
0xf: {  	s4 =	sadd.s32 s8, s2;
	s8 =	sshrl.u32 s8, $0x3;
	s6 =	smax.u32 s7, $0x1  }
0x10: {  	s5 =	sadd.s32 $0xCA00, s9;
	s1 =	smov.u32 @p0 s0;
	s9 =	simm.s32 $0x2  }
0x11: {  	v0 =	vimm.f32 $1.000000000e+00;
	v1 =	vimm.f32 $0.0e+00;
	s0 =	simm.s32 $0x1600;
	s7 =	sadd.s32 s1, s8;
	s8 =	simm.s32 $0x1700  }
.LBB2_1:
0x12: {  	[tilespmem:$0x2800] =	vst v0  }
0x13: {  	[tilespmem:$0x2810] =	vst v0  }
0x14: {  	[tilespmem:$0x2820] =	vst v0  }
0x15: {  	[tilespmem:$0x2830] =	vst v0  }
0x16: {  	[tilespmem:$0x2840] =	vst v0  }
0x17: {  	[tilespmem:$0x2850] =	vst v0  }
0x18: {  	[tilespmem:$0x2860] =	vst v0  }
0x19: {  	[tilespmem:$0x2870] =	vst v0  }
0x1a: {  	[tilespmem:$0x2880] =	vst v0  }
0x1b: {  	[tilespmem:$0x2890] =	vst v0  }
0x1c: {  	[tilespmem:$0x28A0] =	vst v0  }
0x1d: {  	[tilespmem:$0x28B0] =	vst v0  }
0x1e: {  	[tilespmem:$0x28C0] =	vst v0  }
0x1f: {  	[tilespmem:$0x28D0] =	vst v0  }
0x20: {  	[tilespmem:$0x28E0] =	vst v0  }
0x21: {  	[tilespmem:$0x28F0] =	vst v0  }
0x22: {  	[tilespmem:$0x2900] =	vst v1  }
0x23: {  	[tilespmem:$0x2910] =	vst v1  }
0x24: {  	[tilespmem:$0x2920] =	vst v1  }
0x25: {  	[tilespmem:$0x2930] =	vst v1  }
0x26: {  	[tilespmem:$0x2940] =	vst v1  }
0x27: {  	[tilespmem:$0x2950] =	vst v1  }
0x28: {  	[tilespmem:$0x2960] =	vst v1  }
0x29: {  	[tilespmem:$0x2970] =	vst v1  }
0x2a: {  	[tilespmem:$0x2980] =	vst v1  }
0x2b: {  	[tilespmem:$0x2990] =	vst v1  }
0x2c: {  	[tilespmem:$0x29A0] =	vst v1  }
0x2d: {  	[tilespmem:$0x29B0] =	vst v1  }
0x2e: {  	[tilespmem:$0x29C0] =	vst v1  }
0x2f: {  	[tilespmem:$0x29D0] =	vst v1  }
0x30: {  	[tilespmem:$0x29E0] =	vst v1  }
0x31: {  	[tilespmem:$0x29F0] =	vst v1  }
0x32: {  	[tilespmem:$0x2A00] =	vst v1  }
0x33: {  	[tilespmem:$0x2A10] =	vst v1  }
0x34: {  	[tilespmem:$0x2A20] =	vst v1  }
0x35: {  	[tilespmem:$0x2A30] =	vst v1  }
0x36: {  	[tilespmem:$0x2A40] =	vst v1  }
0x37: {  	[tilespmem:$0x2A50] =	vst v1  }
0x38: {  	[tilespmem:$0x2A60] =	vst v1  }
0x39: {  	[tilespmem:$0x2A70] =	vst v1  }
0x3a: {  	[tilespmem:$0x2A80] =	vst v1  }
0x3b: {  	[tilespmem:$0x2A90] =	vst v1  }
0x3c: {  	[tilespmem:$0x2AA0] =	vst v1  }
0x3d: {  	[tilespmem:$0x2AB0] =	vst v1  }
0x3e: {  	[tilespmem:$0x2AC0] =	vst v1  }
0x3f: {  	[tilespmem:$0x2AD0] =	vst v1  }
0x40: {  	[tilespmem:$0x2AE0] =	vst v1  }
0x41: {  	[tilespmem:$0x2AF0] =	vst v1  }
0x42: {  	[tilespmem:$0x2B00] =	vst v1  }
0x43: {  	[tilespmem:$0x2B10] =	vst v1  }
0x44: {  	[tilespmem:$0x2B20] =	vst v1  }
0x45: {  	[tilespmem:$0x2B30] =	vst v1  }
0x46: {  	[tilespmem:$0x2B40] =	vst v1  }
0x47: {  	[tilespmem:$0x2B50] =	vst v1  }
0x48: {  	[tilespmem:$0x2B60] =	vst v1  }
0x49: {  	[tilespmem:$0x2B70] =	vst v1;
	s1 =	simm.s32 $0x2900  }
0x4a: {  	[spmem:s4] =	stream.linear.scatter [tilespmem:s1], [sflag:$0x2], $0x280, $0x38;
	[tilespmem:$0x2E00] =	vst v63  }
0x4b: {  	_ =	swait.ge [sflag:s9], $0x280  }
0x4c: {  	[sflag:s9] =	ssyncset.done $0x0  }
0x4d: {  	[sflag:s9] =	ssyncadd.s32 $0xFFFFFD80  }
0x4e: {  	[bflag:$0x0] =	sbarrier.arrive $0xFFFF  }
0x4f: {  	[tilespmem:s3], [sflag:$0x2] =	stream.linear.gather [hbm4b:s5+s3], $0x2800, $0x38;
	[tilespmem:$0x2E00] =	vst v63  }
0x50: {  	_ =	swait.ge [sflag:s9], $0x2800  }
0x51: {  	[sflag:s9] =	ssyncset.done $0x0  }
0x52: {  	[sflag:s9] =	ssyncadd.s32 $0xFFFFD800  }
0x53: {  	[spmem:s2] =	stream.indirect.scatter.add.f32 [tilespmem:s11], [sflag:$0x1], $0x1, s3, s10, $0xb8;
	[tilespmem:$0x2E00] =	vst v63  }
0x54: {  	_ = 	snop  }
0x55: {  	[spmem:s2] =	stream.indirect.scatter.add.f32 [tilespmem:s11], [sflag:$0x1], $0x1, s10, s10, $0xb8;
	[tilespmem:$0x2E00] =	vst v63  }
0x56: {  	s1 =	simm.s32 $0x200  }
0x57: {  	[spmem:s2] =	stream.indirect.scatter.add.f32 [tilespmem:s11], [sflag:$0x1], $0x1, s1, s10, $0xb8;
	[tilespmem:$0x2E00] =	vst v63  }
0x58: {  	s1 =	simm.s32 $0x300  }
0x59: {  	[spmem:s2] =	stream.indirect.scatter.add.f32 [tilespmem:s11], [sflag:$0x1], $0x1, s1, s10, $0xb8;
	[tilespmem:$0x2E00] =	vst v63  }
0x5a: {  	s1 =	simm.s32 $0x400  }
0x5b: {  	[spmem:s2] =	stream.indirect.scatter.add.f32 [tilespmem:s11], [sflag:$0x1], $0x1, s1, s10, $0xb8;
	[tilespmem:$0x2E00] =	vst v63  }
0x5c: {  	s1 =	simm.s32 $0x500  }
0x5d: {  	[spmem:s2] =	stream.indirect.scatter.add.f32 [tilespmem:s11], [sflag:$0x1], $0x1, s1, s10, $0xb8;
	[tilespmem:$0x2E00] =	vst v63  }
0x5e: {  	s1 =	simm.s32 $0x600  }
0x5f: {  	[spmem:s2] =	stream.indirect.scatter.add.f32 [tilespmem:s11], [sflag:$0x1], $0x1, s1, s10, $0xb8;
	[tilespmem:$0x2E00] =	vst v63  }
0x60: {  	s1 =	simm.s32 $0x700  }
0x61: {  	[spmem:s2] =	stream.indirect.scatter.add.f32 [tilespmem:s11], [sflag:$0x1], $0x1, s1, s10, $0xb8;
	[tilespmem:$0x2E00] =	vst v63  }
0x62: {  	s1 =	simm.s32 $0x800  }
0x63: {  	[spmem:s2] =	stream.indirect.scatter.add.f32 [tilespmem:s11], [sflag:$0x1], $0x1, s1, s10, $0xb8;
	[tilespmem:$0x2E00] =	vst v63  }
0x64: {  	s1 =	simm.s32 $0x900  }
0x65: {  	[spmem:s2] =	stream.indirect.scatter.add.f32 [tilespmem:s11], [sflag:$0x1], $0x1, s1, s10, $0xb8;
	[tilespmem:$0x2E00] =	vst v63  }
0x66: {  	s1 =	simm.s32 $0xA00  }
0x67: {  	[spmem:s2] =	stream.indirect.scatter.add.f32 [tilespmem:s11], [sflag:$0x1], $0x1, s1, s10, $0xb8;
	[tilespmem:$0x2E00] =	vst v63  }
0x68: {  	s1 =	simm.s32 $0xB00  }
0x69: {  	[spmem:s2] =	stream.indirect.scatter.add.f32 [tilespmem:s11], [sflag:$0x1], $0x1, s1, s10, $0xb8;
	[tilespmem:$0x2E00] =	vst v63  }
0x6a: {  	s1 =	simm.s32 $0xC00  }
0x6b: {  	[spmem:s2] =	stream.indirect.scatter.add.f32 [tilespmem:s11], [sflag:$0x1], $0x1, s1, s10, $0xb8;
	[tilespmem:$0x2E00] =	vst v63  }
0x6c: {  	s1 =	simm.s32 $0xD00  }
0x6d: {  	[spmem:s2] =	stream.indirect.scatter.add.f32 [tilespmem:s11], [sflag:$0x1], $0x1, s1, s10, $0xb8;
	[tilespmem:$0x2E00] =	vst v63  }
0x6e: {  	s1 =	simm.s32 $0xE00  }
0x6f: {  	[spmem:s2] =	stream.indirect.scatter.add.f32 [tilespmem:s11], [sflag:$0x1], $0x1, s1, s10, $0xb8;
	[tilespmem:$0x2E00] =	vst v63  }
0x70: {  	s1 =	simm.s32 $0xF00  }
0x71: {  	[spmem:s2] =	stream.indirect.scatter.add.f32 [tilespmem:s11], [sflag:$0x1], $0x1, s1, s10, $0xb8;
	[tilespmem:$0x2E00] =	vst v63  }
0x72: {  	s1 =	simm.s32 $0x1000  }
0x73: {  	[spmem:s2] =	stream.indirect.scatter.add.f32 [tilespmem:s11], [sflag:$0x1], $0x1, s1, s10, $0xb8;
	[tilespmem:$0x2E00] =	vst v63  }
0x74: {  	s1 =	simm.s32 $0x1100  }
0x75: {  	[spmem:s2] =	stream.indirect.scatter.add.f32 [tilespmem:s11], [sflag:$0x1], $0x1, s1, s10, $0xb8;
	[tilespmem:$0x2E00] =	vst v63  }
0x76: {  	s1 =	simm.s32 $0x1200  }
0x77: {  	[spmem:s2] =	stream.indirect.scatter.add.f32 [tilespmem:s11], [sflag:$0x1], $0x1, s1, s10, $0xb8;
	[tilespmem:$0x2E00] =	vst v63  }
0x78: {  	s1 =	simm.s32 $0x1300  }
0x79: {  	[spmem:s2] =	stream.indirect.scatter.add.f32 [tilespmem:s11], [sflag:$0x1], $0x1, s1, s10, $0xb8;
	[tilespmem:$0x2E00] =	vst v63  }
0x7a: {  	s1 =	simm.s32 $0x1400  }
0x7b: {  	[spmem:s2] =	stream.indirect.scatter.add.f32 [tilespmem:s11], [sflag:$0x1], $0x1, s1, s10, $0xb8;
	[tilespmem:$0x2E00] =	vst v63  }
0x7c: {  	s1 =	simm.s32 $0x1500  }
0x7d: {  	[spmem:s2] =	stream.indirect.scatter.add.f32 [tilespmem:s11], [sflag:$0x1], $0x1, s1, s10, $0xb8;
	[tilespmem:$0x2E00] =	vst v63  }
0x7e: {  	_ = 	snop  }
0x7f: {  	[spmem:s2] =	stream.indirect.scatter.add.f32 [tilespmem:s11], [sflag:$0x1], $0x1, s0, s10, $0xb8;
	[tilespmem:$0x2E00] =	vst v63  }
0x80: {  	_ = 	snop  }
0x81: {  	[spmem:s2] =	stream.indirect.scatter.add.f32 [tilespmem:s11], [sflag:$0x1], $0x1, s8, s10, $0xb8;
	[tilespmem:$0x2E00] =	vst v63  }
0x82: {  	_ = 	snop  }
0x83: {  	[spmem:s2] =	stream.indirect.scatter.add.f32 [tilespmem:s11], [sflag:$0x1], $0x1, s12, s10, $0xb8;
	[tilespmem:$0x2E00] =	vst v63  }
0x84: {  	_ = 	snop  }
0x85: {  	[spmem:s2] =	stream.indirect.scatter.add.f32 [tilespmem:s11], [sflag:$0x1], $0x1, s13, s10, $0xb8;
	[tilespmem:$0x2E00] =	vst v63  }
0x86: {  	_ = 	snop  }
0x87: {  	[spmem:s2] =	stream.indirect.scatter.add.f32 [tilespmem:s11], [sflag:$0x1], $0x1, s14, s10, $0xb8;
	[tilespmem:$0x2E00] =	vst v63  }
0x88: {  	_ = 	snop  }
0x89: {  	[spmem:s2] =	stream.indirect.scatter.add.f32 [tilespmem:s11], [sflag:$0x1], $0x1, s15, s10, $0xb8;
	[tilespmem:$0x2E00] =	vst v63  }
0x8a: {  	_ = 	snop  }
0x8b: {  	[spmem:s2] =	stream.indirect.scatter.add.f32 [tilespmem:s11], [sflag:$0x1], $0x1, s16, s10, $0xb8;
	[tilespmem:$0x2E00] =	vst v63  }
0x8c: {  	_ = 	snop  }
0x8d: {  	[spmem:s2] =	stream.indirect.scatter.add.f32 [tilespmem:s11], [sflag:$0x1], $0x1, s17, s10, $0xb8;
	[tilespmem:$0x2E00] =	vst v63  }
0x8e: {  	_ = 	snop  }
0x8f: {  	[spmem:s2] =	stream.indirect.scatter.add.f32 [tilespmem:s11], [sflag:$0x1], $0x1, s18, s10, $0xb8;
	[tilespmem:$0x2E00] =	vst v63  }
0x90: {  	_ = 	snop  }
0x91: {  	[spmem:s2] =	stream.indirect.scatter.add.f32 [tilespmem:s11], [sflag:$0x1], $0x1, s19, s10, $0xb8;
	[tilespmem:$0x2E00] =	vst v63  }
0x92: {  	_ = 	snop  }
0x93: {  	[spmem:s2] =	stream.indirect.scatter.add.f32 [tilespmem:s11], [sflag:$0x1], $0x1, s20, s10, $0xb8;
	[tilespmem:$0x2E00] =	vst v63  }
0x94: {  	_ = 	snop  }
0x95: {  	[spmem:s2] =	stream.indirect.scatter.add.f32 [tilespmem:s11], [sflag:$0x1], $0x1, s21, s10, $0xb8;
	[tilespmem:$0x2E00] =	vst v63  }
0x96: {  	_ = 	snop  }
0x97: {  	[spmem:s2] =	stream.indirect.scatter.add.f32 [tilespmem:s11], [sflag:$0x1], $0x1, s22, s10, $0xb8;
	[tilespmem:$0x2E00] =	vst v63  }
0x98: {  	_ = 	snop  }
0x99: {  	[spmem:s2] =	stream.indirect.scatter.add.f32 [tilespmem:s11], [sflag:$0x1], $0x1, s23, s10, $0xb8;
	[tilespmem:$0x2E00] =	vst v63  }
0x9a: {  	_ = 	snop  }
0x9b: {  	[spmem:s2] =	stream.indirect.scatter.add.f32 [tilespmem:s11], [sflag:$0x1], $0x1, s24, s10, $0xb8;
	[tilespmem:$0x2E00] =	vst v63  }
0x9c: {  	_ = 	snop  }
0x9d: {  	[spmem:s2] =	stream.indirect.scatter.add.f32 [tilespmem:s11], [sflag:$0x1], $0x1, s25, s10, $0xb8;
	[tilespmem:$0x2E00] =	vst v63  }
0x9e: {  	_ = 	snop  }
0x9f: {  	[spmem:s2] =	stream.indirect.scatter.add.f32 [tilespmem:s11], [sflag:$0x1], $0x1, s26, s10, $0xb8;
	[tilespmem:$0x2E00] =	vst v63  }
0xa0: {  	_ = 	snop  }
0xa1: {  	[spmem:s2] =	stream.indirect.scatter.add.f32 [tilespmem:s11], [sflag:$0x1], $0x1, s28, s10, $0xb8;
	[tilespmem:$0x2E00] =	vst v63  }
0xa2: {  	_ =	swait.ge [sflag:s29], $0x100  }
0xa3: {  	s31 =	simm.s32 $0x27;
	[sflag:s29] =	ssyncset.done $0x0  }
.LBB2_2:
0xa4: {  	p0 =	sne.s32 s31, $0x1;
	s31 =	sadd.s32 $0xFFFFFFFF, s31;
	[sflag:s29] =	ssyncadd.s32 $0xFFFFFF00  }
.Ltmp0:
0xa5: {  	(pc) =	sbr.rel @p0 .LBB2_2-.Ltmp0, $3  }
0xa6: {  	_ =	sdelay $0x1  }
0xa7: {  	_ =	swait.ge [sflag:s29], $0x100  }
0xa8: {  	[sflag:s29] =	ssyncset.done $0x0  }
0xa9: {  	[sflag:s29] =	ssyncadd.s32 $0xFFFFFF00;
	s1 =	stileid.u32;
	s30 =	sadd.s32 $0x1, s30  }
0xaa: {  	s31 =	sshll.u32 s1, $0x6;
	[bflag:$0x0] =	sbarrier.arrive $0xFFFF;
	p0 =	sne.s32 s30, s6  }
.Ltmp1:
0xab: {  	s1 =	sshrl.u32 s4, $0x3;
	s31 =	sor.u32 $0x1C02, s31;
	(pc) =	sbr.rel @p0 .LBB2_1-.Ltmp1, $4  }
0xac: {  	[hbm:s7], [sflag:s31] =	dma.local [spmem:s1], $0x50  }
0xad: {  	_ =	swait.ge [sflag:s9], $0x50  }
0xae: {  	[sflag:s9] =	ssyncset.done $0x0  }
0xaf: {  	[sflag:s9] =	ssyncadd.s32 $0xFFFFFFB0  }
0xb0: {  	_ =	sfence.sel $0x180000  }
0xb1: {  	[bflag:$0x0] =	sbarrier.arrive $0xFFFF  }
0xb2: {  	_ =	strace $0x90000047  }
0xb3: {  	s0 =	stileid.u32;
	[bflag:$0x2] =	sbarrier.arrive $0xFFFF  }
0xb4: {  	p0 =	sne.s32 s0, $0x0;
	s0 =	rddreg [dreg:$0x3]  }
0xb5: {  	s0 =	sadd.s32 @!p0 $0x100000, s0  }
0xb6: {  	[sflag:s0] =	ssyncadd.tile.s32 @!p0 $0x1;
	_ =	shalt  }
.Lfunc_end2:
_tile_overlayer_lowered:
.L_overlay_start_2:
0xb7: {  	(tag) =	ssettag $0x2  }
0xb8: {  	s0 =	rddreg [dreg:$0x0];
	s2 =	stileid.u32  }
0xb9: {  	s1 =	rddreg [dreg:$0x1];
	p0 =	sne.s32 s2, $0x0  }
0xba: {  	s3 =	rddreg [dreg:$0x2];
	[bflag:$0x3] =	sbarrier.arrive $0xFFFF;
	s2 =	simm.s32 @!p0 $0x1C02  }
0xbb: {  	[timem:s3], [sflag:s2] =	dma.local @!p0 [hbm:s0], s1  }
0xbc: {  	s0 =	simm.s32 @!p0 $0x2  }
0xbd: {  	_ =	swait.ge @!p0 [sflag:s0], s1  }
0xbe: {  	s1 =	ssub.s32 @!p0 $0x0, s1;
	[sflag:s0] =	ssyncset.done @!p0 $0x0  }
0xbf: {  	[sflag:s0] =	ssyncadd.s32 @!p0 s1  }
0xc0: {  	[bflag:$0x3] =	sbarrier.arrive $0xFFFF  }
0xc1: {  	_ =	shalt  }

</sc_bundles>
